<compile_context>
chip_gen: v7x
topology: tpu7x:2x2x1
jax: 0.10.2.dev20260603
libtpu: 0.0.44.dev20260713+nightly
codegen_flags: <defaults>
</compile_context>

<pallas_src>
import jax
import jax.numpy as jnp
from jax import lax
from jax.experimental import pallas as pl
from jax.experimental.pallas import tpu as pltpu
from jax.experimental.pallas import tpu_sc as plsc

NUM_ENTITIES = 1000000
NUM_RELATIONS = 1000
DIM = 64
PADW = 128
BATCH = 16384

NC = 2
NS = 16
NW = NC * NS
B_PER_W = BATCH // NW
HALF = B_PER_W // 2
CHUNK = 128


def _sc_body(h_idx_hbm, r_idx_hbm, t_idx_hbm, ent_hbm, rel_hbm, out_hbm,
             hidx_v, ridx_v, tidx_v, h_v, r_v, t_v, m_v, out_v,
             sem_h, sem_r, sem_t):
    wid = lax.axis_index("s") * NC + lax.axis_index("c")
    base = wid * B_PER_W

    pltpu.sync_copy(h_idx_hbm.at[pl.ds(base, B_PER_W)], hidx_v)
    pltpu.sync_copy(r_idx_hbm.at[pl.ds(base, B_PER_W)], ridx_v)
    pltpu.sync_copy(t_idx_hbm.at[pl.ds(base, B_PER_W)], tidx_v)

    lanes = lax.iota(jnp.int32, 16)

    def _sqrt16(x):
        xs = jnp.maximum(x, jnp.float32(1e-30))
        i = plsc.bitcast(xs, jnp.int32)
        i = jnp.int32(0x5F3759DF) - lax.shift_right_arithmetic(i, jnp.int32(1))
        y = plsc.bitcast(i, jnp.float32)
        half = jnp.float32(0.5) * xs
        for _ in range(3):
            y = y * (jnp.float32(1.5) - half * y * y)
        return xs * y

    for hp in range(2):
        offs = hp * HALF
        copies = []
        for j in range(HALF // CHUNK):
            isl = pl.ds(offs + j * CHUNK, CHUNK)
            dsl = pl.ds(j * CHUNK, CHUNK)
            copies.append(
                pltpu.async_copy(ent_hbm.at[hidx_v.at[isl]], h_v.at[dsl],
                                 sem_h))
            copies.append(
                pltpu.async_copy(rel_hbm.at[ridx_v.at[isl]], r_v.at[dsl],
                                 sem_r))
            copies.append(
                pltpu.async_copy(ent_hbm.at[tidx_v.at[isl]], t_v.at[dsl],
                                 sem_t))
        for c in copies:
            c.wait()

        def block_body(i, carry):
            b0 = i * 16
            for row in range(16):
                b = b0 + row
                acc = jnp.zeros((16,), jnp.float32)
                for s in range(DIM // 16):
                    sl = pl.ds(s * 16, 16)
                    d = (h_v[b, sl] + r_v[b, sl]) - t_v[b, sl]
                    acc = acc + d * d
                m_v[row, pl.ds(0, 16)] = acc
            tot = jnp.zeros((16,), jnp.float32)
            for j in range(16):
                col = plsc.load_gather(
                    m_v, [lanes, jnp.full((16,), j, jnp.int32)])
                tot = tot + col
            out_v[pl.ds(offs + b0, 16)] = _sqrt16(tot)
            return carry

        lax.fori_loop(0, HALF // 16, block_body, 0)

    pltpu.sync_copy(out_v, out_hbm.at[pl.ds(base, B_PER_W)])


@jax.jit
def _transe_sc(h_idx, r_idx, t_idx, entity_emb, rel_emb):
    ent = jnp.pad(entity_emb, ((0, 0), (0, PADW - DIM)))
    mesh = plsc.VectorSubcoreMesh(core_axis_name="c", subcore_axis_name="s")
    return pl.kernel(
        _sc_body,
        out_type=jax.ShapeDtypeStruct((BATCH,), jnp.float32),
        mesh=mesh,
        compiler_params=pltpu.CompilerParams(
            needs_layout_passes=False, use_tc_tiling_on_sc=False),
        scratch_types=[
            pltpu.VMEM((B_PER_W,), jnp.int32),
            pltpu.VMEM((B_PER_W,), jnp.int32),
            pltpu.VMEM((B_PER_W,), jnp.int32),
            pltpu.VMEM((HALF, PADW), jnp.float32),
            pltpu.VMEM((HALF, DIM), jnp.float32),
            pltpu.VMEM((HALF, PADW), jnp.float32),
            pltpu.VMEM((16, 17), jnp.float32),
            pltpu.VMEM((B_PER_W,), jnp.float32),
            pltpu.SemaphoreType.DMA,
            pltpu.SemaphoreType.DMA,
            pltpu.SemaphoreType.DMA,
        ],
    )(h_idx, r_idx, t_idx, ent, rel_emb)


def kernel(h_idx, r_idx, t_idx, entity_emb, rel_emb):
    return _transe_sc(h_idx.astype(jnp.int32), r_idx.astype(jnp.int32),
                      t_idx.astype(jnp.int32), entity_emb, rel_emb)

# --- scband reference (transcript-rebuilt; emitter-appended) ---
"""Pipeline reference for scband-trans-eembedding-88046829568606 (READ-ONLY COPY).

The authoritative reference and input builder live on the scoring server;
editing this copy changes nothing except your own understanding.
"""

import jax, jax.numpy as jnp
import numpy as np

NUM_ENTITIES = 1000000
NUM_RELATIONS = 1000
DIM = 64
BATCH = 16384


def setup_inputs(seed: int = 0) -> dict:
    key = jax.random.key(seed)
    k1, k2, k3, k4, k5 = jax.random.split(key, 5)
    h_idx = jax.random.randint(k1, (BATCH,), 0, NUM_ENTITIES, dtype=jnp.int64 if jax.config.jax_enable_x64 else jnp.int32)
    r_idx = jax.random.randint(k2, (BATCH,), 0, NUM_RELATIONS, dtype=jnp.int64 if jax.config.jax_enable_x64 else jnp.int32)
    t_idx = jax.random.randint(k3, (BATCH,), 0, NUM_ENTITIES, dtype=jnp.int64 if jax.config.jax_enable_x64 else jnp.int32)
    entity_emb = jax.random.uniform(k4, (NUM_ENTITIES, DIM), dtype=jnp.float32, minval=-0.1, maxval=0.1)
    rel_emb = jax.random.uniform(k5, (NUM_RELATIONS, DIM), dtype=jnp.float32, minval=-0.1, maxval=0.1)
    return {"h_idx": h_idx, "r_idx": r_idx, "t_idx": t_idx, "entity_emb": entity_emb, "rel_emb": rel_emb}


def reference(h_idx, r_idx, t_idx, entity_emb, rel_emb):
    h = jnp.take(entity_emb, h_idx, axis=0)
    r = jnp.take(rel_emb, r_idx, axis=0)
    t = jnp.take(entity_emb, t_idx, axis=0)
    diff = h + r - t
    score = jnp.sqrt(jnp.sum(diff * diff, axis=-1))
    return score

if __name__ == "__main__":
    import jax
    _d = setup_inputs()
    print(jax.jit(kernel)(*tuple(_d.values())))

</pallas_src>

<mosaic_0001>
#map = affine_map<(d0, d1) -> (0)>
#map1 = affine_map<(d0, d1) -> (0, 0)>
module attributes {stable_mosaic.version = 14 : i64} {
  func.func @_sc_body(%arg0: i32, %arg1: i32, %arg2: memref<16384xi32, #tpu.memory_space<hbm>>, %arg3: memref<16384xi32, #tpu.memory_space<hbm>>, %arg4: memref<16384xi32, #tpu.memory_space<hbm>>, %arg5: memref<1000000x128xf32, #tpu.memory_space<hbm>>, %arg6: memref<1000x64xf32, #tpu.memory_space<hbm>>, %arg7: memref<16384xf32, #tpu.memory_space<hbm>>, %arg8: memref<512xi32, #tpu.memory_space<vmem>>, %arg9: memref<512xi32, #tpu.memory_space<vmem>>, %arg10: memref<512xi32, #tpu.memory_space<vmem>>, %arg11: memref<256x128xf32, #tpu.memory_space<vmem>>, %arg12: memref<256x64xf32, #tpu.memory_space<vmem>>, %arg13: memref<256x128xf32, #tpu.memory_space<vmem>>, %arg14: memref<16x17xf32, #tpu.memory_space<vmem>>, %arg15: memref<512xf32, #tpu.memory_space<vmem>>, %arg16: memref<!tpu.dma_semaphore, #tpu.memory_space<semaphore_mem>>, %arg17: memref<!tpu.dma_semaphore, #tpu.memory_space<semaphore_mem>>, %arg18: memref<!tpu.dma_semaphore, #tpu.memory_space<semaphore_mem>>) attributes {dimension_semantics = [#tpu.dimension_semantics<core_parallel>, #tpu.dimension_semantics<subcore_parallel>], iteration_bounds = array<i64: 2, 16>, scalar_prefetch = 0 : i64, scratch_operands = 11 : i64, tpu.core_type = #tpu.core_type<sc_vector_subcore>, window_params = [{transform_indices = #map}, {transform_indices = #map}, {transform_indices = #map}, {transform_indices = #map1}, {transform_indices = #map1}, {transform_indices = #map}]} {
    %mul3A = arith.constant 2 : i32
    %mul3A_0 = arith.muli %arg1, %mul3A : i32
    %add3A = arith.addi %mul3A_0, %arg0 : i32
    %mul3A_1 = arith.constant 512 : i32
    %mul3A_2 = arith.muli %add3A, %mul3A_1 : i32
    "tpu.region"() ({
      %run_scoped3A = tpu.sem_alloc : memref<!tpu.dma_semaphore, #tpu.memory_space<semaphore_mem>>
      %dma_start3A_204 = tpu.memref_slice %arg2[%mul3A_2] : memref<16384xi32, #tpu.memory_space<hbm>> -> memref<512xi32, #tpu.memory_space<hbm>>
      %dma_start3A_205 = tpu.memref_slice %arg2[%mul3A_2] : memref<16384xi32, #tpu.memory_space<hbm>> -> memref<512xi32, #tpu.memory_space<hbm>>
      tpu.enqueue_dma source(%dma_start3A_205 : memref<512xi32, #tpu.memory_space<hbm>>) target(%arg8 : memref<512xi32, #tpu.memory_space<vmem>>) target_semaphore(%run_scoped3A : memref<!tpu.dma_semaphore, #tpu.memory_space<semaphore_mem>>)
      %dma_wait3A_206 = tpu.memref_slice %arg2[%mul3A_2] : memref<16384xi32, #tpu.memory_space<hbm>> -> memref<512xi32, #tpu.memory_space<hbm>>
      %dma_wait3A_207 = tpu.memref_slice %arg2[%mul3A_2] : memref<16384xi32, #tpu.memory_space<hbm>> -> memref<512xi32, #tpu.memory_space<hbm>>
      tpu.wait_dma2 semaphore(%run_scoped3A : memref<!tpu.dma_semaphore, #tpu.memory_space<semaphore_mem>>) src(%dma_wait3A_207 : memref<512xi32, #tpu.memory_space<hbm>>) dst(%arg8 : memref<512xi32, #tpu.memory_space<vmem>>)
      tpu.yield
    }) : () -> ()
    "tpu.region"() ({
      %run_scoped3A = tpu.sem_alloc : memref<!tpu.dma_semaphore, #tpu.memory_space<semaphore_mem>>
      %dma_start3A_204 = tpu.memref_slice %arg3[%mul3A_2] : memref<16384xi32, #tpu.memory_space<hbm>> -> memref<512xi32, #tpu.memory_space<hbm>>
      %dma_start3A_205 = tpu.memref_slice %arg3[%mul3A_2] : memref<16384xi32, #tpu.memory_space<hbm>> -> memref<512xi32, #tpu.memory_space<hbm>>
      tpu.enqueue_dma source(%dma_start3A_205 : memref<512xi32, #tpu.memory_space<hbm>>) target(%arg9 : memref<512xi32, #tpu.memory_space<vmem>>) target_semaphore(%run_scoped3A : memref<!tpu.dma_semaphore, #tpu.memory_space<semaphore_mem>>)
      %dma_wait3A_206 = tpu.memref_slice %arg3[%mul3A_2] : memref<16384xi32, #tpu.memory_space<hbm>> -> memref<512xi32, #tpu.memory_space<hbm>>
      %dma_wait3A_207 = tpu.memref_slice %arg3[%mul3A_2] : memref<16384xi32, #tpu.memory_space<hbm>> -> memref<512xi32, #tpu.memory_space<hbm>>
      tpu.wait_dma2 semaphore(%run_scoped3A : memref<!tpu.dma_semaphore, #tpu.memory_space<semaphore_mem>>) src(%dma_wait3A_207 : memref<512xi32, #tpu.memory_space<hbm>>) dst(%arg9 : memref<512xi32, #tpu.memory_space<vmem>>)
      tpu.yield
    }) : () -> ()
    "tpu.region"() ({
      %run_scoped3A = tpu.sem_alloc : memref<!tpu.dma_semaphore, #tpu.memory_space<semaphore_mem>>
      %dma_start3A_204 = tpu.memref_slice %arg4[%mul3A_2] : memref<16384xi32, #tpu.memory_space<hbm>> -> memref<512xi32, #tpu.memory_space<hbm>>
      %dma_start3A_205 = tpu.memref_slice %arg4[%mul3A_2] : memref<16384xi32, #tpu.memory_space<hbm>> -> memref<512xi32, #tpu.memory_space<hbm>>
      tpu.enqueue_dma source(%dma_start3A_205 : memref<512xi32, #tpu.memory_space<hbm>>) target(%arg10 : memref<512xi32, #tpu.memory_space<vmem>>) target_semaphore(%run_scoped3A : memref<!tpu.dma_semaphore, #tpu.memory_space<semaphore_mem>>)
      %dma_wait3A_206 = tpu.memref_slice %arg4[%mul3A_2] : memref<16384xi32, #tpu.memory_space<hbm>> -> memref<512xi32, #tpu.memory_space<hbm>>
      %dma_wait3A_207 = tpu.memref_slice %arg4[%mul3A_2] : memref<16384xi32, #tpu.memory_space<hbm>> -> memref<512xi32, #tpu.memory_space<hbm>>
      tpu.wait_dma2 semaphore(%run_scoped3A : memref<!tpu.dma_semaphore, #tpu.memory_space<semaphore_mem>>) src(%dma_wait3A_207 : memref<512xi32, #tpu.memory_space<hbm>>) dst(%arg10 : memref<512xi32, #tpu.memory_space<vmem>>)
      tpu.yield
    }) : () -> ()
    %iota3A = tpu.iota {dimensions = array<i32: 0>} : vector<16xi32>
    %dma_start3A = arith.constant 0 : i32
    %dma_start3A_3 = arith.constant 0 : i32
    %dma_start3A_4 = tpu.memref_slice %arg11[%dma_start3A, %dma_start3A_3] : memref<256x128xf32, #tpu.memory_space<vmem>> -> memref<128x128xf32, #tpu.memory_space<vmem>>
    %dma_start3A_5 = arith.constant 0 : i32
    %dma_start3A_6 = tpu.memref_slice %arg8[%dma_start3A_5] : memref<512xi32, #tpu.memory_space<vmem>> -> memref<128xi32, #tpu.memory_space<vmem>>
    %dma_start3A_7 = arith.constant 0 : i32
    %dma_start3A_8 = arith.constant 0 : i32
    %dma_start3A_9 = tpu.memref_slice %arg5[%dma_start3A_7, %dma_start3A_8] : memref<1000000x128xf32, #tpu.memory_space<hbm>> -> memref<1000000x128xf32, #tpu.memory_space<hbm>>
    tpu.enqueue_indirect_dma source(%dma_start3A_9 : memref<1000000x128xf32, #tpu.memory_space<hbm>>) target(%dma_start3A_4 : memref<128x128xf32, #tpu.memory_space<vmem>>) offsets(%dma_start3A_6 : memref<128xi32, #tpu.memory_space<vmem>>) semaphore(%arg16 : memref<!tpu.dma_semaphore, #tpu.memory_space<semaphore_mem>>)
    %dma_start3A_10 = arith.constant 0 : i32
    %dma_start3A_11 = arith.constant 0 : i32
    %dma_start3A_12 = tpu.memref_slice %arg12[%dma_start3A_10, %dma_start3A_11] : memref<256x64xf32, #tpu.memory_space<vmem>> -> memref<128x64xf32, #tpu.memory_space<vmem>>
    %dma_start3A_13 = arith.constant 0 : i32
    %dma_start3A_14 = tpu.memref_slice %arg9[%dma_start3A_13] : memref<512xi32, #tpu.memory_space<vmem>> -> memref<128xi32, #tpu.memory_space<vmem>>
    %dma_start3A_15 = arith.constant 0 : i32
    %dma_start3A_16 = arith.constant 0 : i32
    %dma_start3A_17 = tpu.memref_slice %arg6[%dma_start3A_15, %dma_start3A_16] : memref<1000x64xf32, #tpu.memory_space<hbm>> -> memref<1000x64xf32, #tpu.memory_space<hbm>>
    tpu.enqueue_indirect_dma source(%dma_start3A_17 : memref<1000x64xf32, #tpu.memory_space<hbm>>) target(%dma_start3A_12 : memref<128x64xf32, #tpu.memory_space<vmem>>) offsets(%dma_start3A_14 : memref<128xi32, #tpu.memory_space<vmem>>) semaphore(%arg17 : memref<!tpu.dma_semaphore, #tpu.memory_space<semaphore_mem>>)
    %dma_start3A_18 = arith.constant 0 : i32
    %dma_start3A_19 = arith.constant 0 : i32
    %dma_start3A_20 = tpu.memref_slice %arg13[%dma_start3A_18, %dma_start3A_19] : memref<256x128xf32, #tpu.memory_space<vmem>> -> memref<128x128xf32, #tpu.memory_space<vmem>>
    %dma_start3A_21 = arith.constant 0 : i32
    %dma_start3A_22 = tpu.memref_slice %arg10[%dma_start3A_21] : memref<512xi32, #tpu.memory_space<vmem>> -> memref<128xi32, #tpu.memory_space<vmem>>
    %dma_start3A_23 = arith.constant 0 : i32
    %dma_start3A_24 = arith.constant 0 : i32
    %dma_start3A_25 = tpu.memref_slice %arg5[%dma_start3A_23, %dma_start3A_24] : memref<1000000x128xf32, #tpu.memory_space<hbm>> -> memref<1000000x128xf32, #tpu.memory_space<hbm>>
    tpu.enqueue_indirect_dma source(%dma_start3A_25 : memref<1000000x128xf32, #tpu.memory_space<hbm>>) target(%dma_start3A_20 : memref<128x128xf32, #tpu.memory_space<vmem>>) offsets(%dma_start3A_22 : memref<128xi32, #tpu.memory_space<vmem>>) semaphore(%arg18 : memref<!tpu.dma_semaphore, #tpu.memory_space<semaphore_mem>>)
    %dma_start3A_26 = arith.constant 128 : i32
    %dma_start3A_27 = arith.constant 0 : i32
    %dma_start3A_28 = tpu.memref_slice %arg11[%dma_start3A_26, %dma_start3A_27] : memref<256x128xf32, #tpu.memory_space<vmem>> -> memref<128x128xf32, #tpu.memory_space<vmem>>
    %dma_start3A_29 = arith.constant 128 : i32
    %dma_start3A_30 = tpu.memref_slice %arg8[%dma_start3A_29] : memref<512xi32, #tpu.memory_space<vmem>> -> memref<128xi32, #tpu.memory_space<vmem>>
    %dma_start3A_31 = arith.constant 0 : i32
    %dma_start3A_32 = arith.constant 0 : i32
    %dma_start3A_33 = tpu.memref_slice %arg5[%dma_start3A_31, %dma_start3A_32] : memref<1000000x128xf32, #tpu.memory_space<hbm>> -> memref<1000000x128xf32, #tpu.memory_space<hbm>>
    tpu.enqueue_indirect_dma source(%dma_start3A_33 : memref<1000000x128xf32, #tpu.memory_space<hbm>>) target(%dma_start3A_28 : memref<128x128xf32, #tpu.memory_space<vmem>>) offsets(%dma_start3A_30 : memref<128xi32, #tpu.memory_space<vmem>>) semaphore(%arg16 : memref<!tpu.dma_semaphore, #tpu.memory_space<semaphore_mem>>)
    %dma_start3A_34 = arith.constant 128 : i32
    %dma_start3A_35 = arith.constant 0 : i32
    %dma_start3A_36 = tpu.memref_slice %arg12[%dma_start3A_34, %dma_start3A_35] : memref<256x64xf32, #tpu.memory_space<vmem>> -> memref<128x64xf32, #tpu.memory_space<vmem>>
    %dma_start3A_37 = arith.constant 128 : i32
    %dma_start3A_38 = tpu.memref_slice %arg9[%dma_start3A_37] : memref<512xi32, #tpu.memory_space<vmem>> -> memref<128xi32, #tpu.memory_space<vmem>>
    %dma_start3A_39 = arith.constant 0 : i32
    %dma_start3A_40 = arith.constant 0 : i32
    %dma_start3A_41 = tpu.memref_slice %arg6[%dma_start3A_39, %dma_start3A_40] : memref<1000x64xf32, #tpu.memory_space<hbm>> -> memref<1000x64xf32, #tpu.memory_space<hbm>>
    tpu.enqueue_indirect_dma source(%dma_start3A_41 : memref<1000x64xf32, #tpu.memory_space<hbm>>) target(%dma_start3A_36 : memref<128x64xf32, #tpu.memory_space<vmem>>) offsets(%dma_start3A_38 : memref<128xi32, #tpu.memory_space<vmem>>) semaphore(%arg17 : memref<!tpu.dma_semaphore, #tpu.memory_space<semaphore_mem>>)
    %dma_start3A_42 = arith.constant 128 : i32
    %dma_start3A_43 = arith.constant 0 : i32
    %dma_start3A_44 = tpu.memref_slice %arg13[%dma_start3A_42, %dma_start3A_43] : memref<256x128xf32, #tpu.memory_space<vmem>> -> memref<128x128xf32, #tpu.memory_space<vmem>>
    %dma_start3A_45 = arith.constant 128 : i32
    %dma_start3A_46 = tpu.memref_slice %arg10[%dma_start3A_45] : memref<512xi32, #tpu.memory_space<vmem>> -> memref<128xi32, #tpu.memory_space<vmem>>
    %dma_start3A_47 = arith.constant 0 : i32
    %dma_start3A_48 = arith.constant 0 : i32
    %dma_start3A_49 = tpu.memref_slice %arg5[%dma_start3A_47, %dma_start3A_48] : memref<1000000x128xf32, #tpu.memory_space<hbm>> -> memref<1000000x128xf32, #tpu.memory_space<hbm>>
    tpu.enqueue_indirect_dma source(%dma_start3A_49 : memref<1000000x128xf32, #tpu.memory_space<hbm>>) target(%dma_start3A_44 : memref<128x128xf32, #tpu.memory_space<vmem>>) offsets(%dma_start3A_46 : memref<128xi32, #tpu.memory_space<vmem>>) semaphore(%arg18 : memref<!tpu.dma_semaphore, #tpu.memory_space<semaphore_mem>>)
    %dma_wait3A = arith.constant 0 : i32
    %dma_wait3A_50 = arith.constant 0 : i32
    %dma_wait3A_51 = tpu.memref_slice %arg11[%dma_wait3A, %dma_wait3A_50] : memref<256x128xf32, #tpu.memory_space<vmem>> -> memref<128x128xf32, #tpu.memory_space<vmem>>
    %dma_wait3A_52 = arith.constant 0 : i32
    %dma_wait3A_53 = tpu.memref_slice %arg8[%dma_wait3A_52] : memref<512xi32, #tpu.memory_space<vmem>> -> memref<128xi32, #tpu.memory_space<vmem>>
    %dma_wait3A_54 = arith.constant 0 : i32
    %dma_wait3A_55 = arith.constant 0 : i32
    %dma_wait3A_56 = tpu.memref_slice %arg5[%dma_wait3A_54, %dma_wait3A_55] : memref<1000000x128xf32, #tpu.memory_space<hbm>> -> memref<1000000x128xf32, #tpu.memory_space<hbm>>
    tpu.wait_indirect_dma semaphore(%arg16 : memref<!tpu.dma_semaphore, #tpu.memory_space<semaphore_mem>>) src(%dma_wait3A_56 : memref<1000000x128xf32, #tpu.memory_space<hbm>>) dst(%dma_wait3A_51 : memref<128x128xf32, #tpu.memory_space<vmem>>)
    %dma_wait3A_57 = arith.constant 0 : i32
    %dma_wait3A_58 = arith.constant 0 : i32
    %dma_wait3A_59 = tpu.memref_slice %arg12[%dma_wait3A_57, %dma_wait3A_58] : memref<256x64xf32, #tpu.memory_space<vmem>> -> memref<128x64xf32, #tpu.memory_space<vmem>>
    %dma_wait3A_60 = arith.constant 0 : i32
    %dma_wait3A_61 = tpu.memref_slice %arg9[%dma_wait3A_60] : memref<512xi32, #tpu.memory_space<vmem>> -> memref<128xi32, #tpu.memory_space<vmem>>
    %dma_wait3A_62 = arith.constant 0 : i32
    %dma_wait3A_63 = arith.constant 0 : i32
    %dma_wait3A_64 = tpu.memref_slice %arg6[%dma_wait3A_62, %dma_wait3A_63] : memref<1000x64xf32, #tpu.memory_space<hbm>> -> memref<1000x64xf32, #tpu.memory_space<hbm>>
    tpu.wait_indirect_dma semaphore(%arg17 : memref<!tpu.dma_semaphore, #tpu.memory_space<semaphore_mem>>) src(%dma_wait3A_64 : memref<1000x64xf32, #tpu.memory_space<hbm>>) dst(%dma_wait3A_59 : memref<128x64xf32, #tpu.memory_space<vmem>>)
    %dma_wait3A_65 = arith.constant 0 : i32
    %dma_wait3A_66 = arith.constant 0 : i32
    %dma_wait3A_67 = tpu.memref_slice %arg13[%dma_wait3A_65, %dma_wait3A_66] : memref<256x128xf32, #tpu.memory_space<vmem>> -> memref<128x128xf32, #tpu.memory_space<vmem>>
    %dma_wait3A_68 = arith.constant 0 : i32
    %dma_wait3A_69 = tpu.memref_slice %arg10[%dma_wait3A_68] : memref<512xi32, #tpu.memory_space<vmem>> -> memref<128xi32, #tpu.memory_space<vmem>>
    %dma_wait3A_70 = arith.constant 0 : i32
    %dma_wait3A_71 = arith.constant 0 : i32
    %dma_wait3A_72 = tpu.memref_slice %arg5[%dma_wait3A_70, %dma_wait3A_71] : memref<1000000x128xf32, #tpu.memory_space<hbm>> -> memref<1000000x128xf32, #tpu.memory_space<hbm>>
    tpu.wait_indirect_dma semaphore(%arg18 : memref<!tpu.dma_semaphore, #tpu.memory_space<semaphore_mem>>) src(%dma_wait3A_72 : memref<1000000x128xf32, #tpu.memory_space<hbm>>) dst(%dma_wait3A_67 : memref<128x128xf32, #tpu.memory_space<vmem>>)
    %dma_wait3A_73 = arith.constant 128 : i32
    %dma_wait3A_74 = arith.constant 0 : i32
    %dma_wait3A_75 = tpu.memref_slice %arg11[%dma_wait3A_73, %dma_wait3A_74] : memref<256x128xf32, #tpu.memory_space<vmem>> -> memref<128x128xf32, #tpu.memory_space<vmem>>
    %dma_wait3A_76 = arith.constant 128 : i32
    %dma_wait3A_77 = tpu.memref_slice %arg8[%dma_wait3A_76] : memref<512xi32, #tpu.memory_space<vmem>> -> memref<128xi32, #tpu.memory_space<vmem>>
    %dma_wait3A_78 = arith.constant 0 : i32
    %dma_wait3A_79 = arith.constant 0 : i32
    %dma_wait3A_80 = tpu.memref_slice %arg5[%dma_wait3A_78, %dma_wait3A_79] : memref<1000000x128xf32, #tpu.memory_space<hbm>> -> memref<1000000x128xf32, #tpu.memory_space<hbm>>
    tpu.wait_indirect_dma semaphore(%arg16 : memref<!tpu.dma_semaphore, #tpu.memory_space<semaphore_mem>>) src(%dma_wait3A_80 : memref<1000000x128xf32, #tpu.memory_space<hbm>>) dst(%dma_wait3A_75 : memref<128x128xf32, #tpu.memory_space<vmem>>)
    %dma_wait3A_81 = arith.constant 128 : i32
    %dma_wait3A_82 = arith.constant 0 : i32
    %dma_wait3A_83 = tpu.memref_slice %arg12[%dma_wait3A_81, %dma_wait3A_82] : memref<256x64xf32, #tpu.memory_space<vmem>> -> memref<128x64xf32, #tpu.memory_space<vmem>>
    %dma_wait3A_84 = arith.constant 128 : i32
    %dma_wait3A_85 = tpu.memref_slice %arg9[%dma_wait3A_84] : memref<512xi32, #tpu.memory_space<vmem>> -> memref<128xi32, #tpu.memory_space<vmem>>
    %dma_wait3A_86 = arith.constant 0 : i32
    %dma_wait3A_87 = arith.constant 0 : i32
    %dma_wait3A_88 = tpu.memref_slice %arg6[%dma_wait3A_86, %dma_wait3A_87] : memref<1000x64xf32, #tpu.memory_space<hbm>> -> memref<1000x64xf32, #tpu.memory_space<hbm>>
    tpu.wait_indirect_dma semaphore(%arg17 : memref<!tpu.dma_semaphore, #tpu.memory_space<semaphore_mem>>) src(%dma_wait3A_88 : memref<1000x64xf32, #tpu.memory_space<hbm>>) dst(%dma_wait3A_83 : memref<128x64xf32, #tpu.memory_space<vmem>>)
    %dma_wait3A_89 = arith.constant 128 : i32
    %dma_wait3A_90 = arith.constant 0 : i32
    %dma_wait3A_91 = tpu.memref_slice %arg13[%dma_wait3A_89, %dma_wait3A_90] : memref<256x128xf32, #tpu.memory_space<vmem>> -> memref<128x128xf32, #tpu.memory_space<vmem>>
    %dma_wait3A_92 = arith.constant 128 : i32
    %dma_wait3A_93 = tpu.memref_slice %arg10[%dma_wait3A_92] : memref<512xi32, #tpu.memory_space<vmem>> -> memref<128xi32, #tpu.memory_space<vmem>>
    %dma_wait3A_94 = arith.constant 0 : i32
    %dma_wait3A_95 = arith.constant 0 : i32
    %dma_wait3A_96 = tpu.memref_slice %arg5[%dma_wait3A_94, %dma_wait3A_95] : memref<1000000x128xf32, #tpu.memory_space<hbm>> -> memref<1000000x128xf32, #tpu.memory_space<hbm>>
    tpu.wait_indirect_dma semaphore(%arg18 : memref<!tpu.dma_semaphore, #tpu.memory_space<semaphore_mem>>) src(%dma_wait3A_96 : memref<1000000x128xf32, #tpu.memory_space<hbm>>) dst(%dma_wait3A_91 : memref<128x128xf32, #tpu.memory_space<vmem>>)
    %scan3A = arith.constant 0 : i32
    %scan3A_97 = arith.constant 0 : i32
    %scan3A_98 = arith.constant 16 : i32
    %scan3A_99 = arith.addi %scan3A_97, %scan3A_98 : i32
    %scan3A_100 = arith.constant 1 : i32
    scf.for %scan3A_204 = %scan3A_97 to %scan3A_99 step %scan3A_100  : i32 {
      %mul3A_205 = arith.constant 16 : i32
      %mul3A_206 = arith.muli %scan3A_204, %mul3A_205 : i32
      %add3A_207 = arith.constant 0 : i32
      %add3A_208 = arith.addi %mul3A_206, %add3A_207 : i32
      %broadcast_in_dim3A = arith.constant 0.000000e+00 : f32
      %broadcast_in_dim3A_209 = vector.broadcast %broadcast_in_dim3A : f32 to vector<16xf32>
      %get3A = arith.index_cast %add3A_208 : i32 to index
      %get3A_210 = arith.constant 0 : index
      %get3A_211 = tpu.vector_load %arg11[%get3A, %get3A_210] {strides = array<i32>} : memref<256x128xf32, #tpu.memory_space<vmem>>, vector<16xf32>,
      %get3A_212 = arith.index_cast %add3A_208 : i32 to index
      %get3A_213 = arith.constant 0 : index
      %get3A_214 = tpu.vector_load %arg12[%get3A_212, %get3A_213] {strides = array<i32>} : memref<256x64xf32, #tpu.memory_space<vmem>>, vector<16xf32>,
      %add3A_215 = arith.addf %get3A_211, %get3A_214 : vector<16xf32>
      %get3A_216 = arith.index_cast %add3A_208 : i32 to index
      %get3A_217 = arith.constant 0 : index
      %get3A_218 = tpu.vector_load %arg13[%get3A_216, %get3A_217] {strides = array<i32>} : memref<256x128xf32, #tpu.memory_space<vmem>>, vector<16xf32>,
      %sub3A = arith.subf %add3A_215, %get3A_218 : vector<16xf32>
      %mul3A_219 = arith.mulf %sub3A, %sub3A : vector<16xf32>
      %add3A_220 = arith.addf %broadcast_in_dim3A_209, %mul3A_219 : vector<16xf32>
      %get3A_221 = arith.index_cast %add3A_208 : i32 to index
      %get3A_222 = arith.constant 16 : index
      %get3A_223 = tpu.vector_load %arg11[%get3A_221, %get3A_222] {strides = array<i32>} : memref<256x128xf32, #tpu.memory_space<vmem>>, vector<16xf32>,
      %get3A_224 = arith.index_cast %add3A_208 : i32 to index
      %get3A_225 = arith.constant 16 : index
      %get3A_226 = tpu.vector_load %arg12[%get3A_224, %get3A_225] {strides = array<i32>} : memref<256x64xf32, #tpu.memory_space<vmem>>, vector<16xf32>,
      %add3A_227 = arith.addf %get3A_223, %get3A_226 : vector<16xf32>
      %get3A_228 = arith.index_cast %add3A_208 : i32 to index
      %get3A_229 = arith.constant 16 : index
      %get3A_230 = tpu.vector_load %arg13[%get3A_228, %get3A_229] {strides = array<i32>} : memref<256x128xf32, #tpu.memory_space<vmem>>, vector<16xf32>,
      %sub3A_231 = arith.subf %add3A_227, %get3A_230 : vector<16xf32>
      %mul3A_232 = arith.mulf %sub3A_231, %sub3A_231 : vector<16xf32>
      %add3A_233 = arith.addf %add3A_220, %mul3A_232 : vector<16xf32>
      %get3A_234 = arith.index_cast %add3A_208 : i32 to index
      %get3A_235 = arith.constant 32 : index
      %get3A_236 = tpu.vector_load %arg11[%get3A_234, %get3A_235] {strides = array<i32>} : memref<256x128xf32, #tpu.memory_space<vmem>>, vector<16xf32>,
      %get3A_237 = arith.index_cast %add3A_208 : i32 to index
      %get3A_238 = arith.constant 32 : index
      %get3A_239 = tpu.vector_load %arg12[%get3A_237, %get3A_238] {strides = array<i32>} : memref<256x64xf32, #tpu.memory_space<vmem>>, vector<16xf32>,
      %add3A_240 = arith.addf %get3A_236, %get3A_239 : vector<16xf32>
      %get3A_241 = arith.index_cast %add3A_208 : i32 to index
      %get3A_242 = arith.constant 32 : index
      %get3A_243 = tpu.vector_load %arg13[%get3A_241, %get3A_242] {strides = array<i32>} : memref<256x128xf32, #tpu.memory_space<vmem>>, vector<16xf32>,
      %sub3A_244 = arith.subf %add3A_240, %get3A_243 : vector<16xf32>
      %mul3A_245 = arith.mulf %sub3A_244, %sub3A_244 : vector<16xf32>
      %add3A_246 = arith.addf %add3A_233, %mul3A_245 : vector<16xf32>
      %get3A_247 = arith.index_cast %add3A_208 : i32 to index
      %get3A_248 = arith.constant 48 : index
      %get3A_249 = tpu.vector_load %arg11[%get3A_247, %get3A_248] {strides = array<i32>} : memref<256x128xf32, #tpu.memory_space<vmem>>, vector<16xf32>,
      %get3A_250 = arith.index_cast %add3A_208 : i32 to index
      %get3A_251 = arith.constant 48 : index
      %get3A_252 = tpu.vector_load %arg12[%get3A_250, %get3A_251] {strides = array<i32>} : memref<256x64xf32, #tpu.memory_space<vmem>>, vector<16xf32>,
      %add3A_253 = arith.addf %get3A_249, %get3A_252 : vector<16xf32>
      %get3A_254 = arith.index_cast %add3A_208 : i32 to index
      %get3A_255 = arith.constant 48 : index
      %get3A_256 = tpu.vector_load %arg13[%get3A_254, %get3A_255] {strides = array<i32>} : memref<256x128xf32, #tpu.memory_space<vmem>>, vector<16xf32>,
      %sub3A_257 = arith.subf %add3A_253, %get3A_256 : vector<16xf32>
      %mul3A_258 = arith.mulf %sub3A_257, %sub3A_257 : vector<16xf32>
      %add3A_259 = arith.addf %add3A_246, %mul3A_258 : vector<16xf32>
      %swap3A = arith.constant 0 : i32
      %swap3A_260 = arith.index_cast %swap3A : i32 to index
      %swap3A_261 = arith.constant 0 : index
      %swap3A_262 = tpu.vector_load %arg14[%swap3A_260, %swap3A_261] {strides = array<i32>} : memref<16x17xf32, #tpu.memory_space<vmem>>, vector<16xf32>,
      tpu.vector_store %arg14[%swap3A_260, %swap3A_261], %add3A_259 {strides = array<i32>} : memref<16x17xf32, #tpu.memory_space<vmem>>, vector<16xf32>,
      %add3A_263 = arith.constant 1 : i32
      %add3A_264 = arith.addi %mul3A_206, %add3A_263 : i32
      %broadcast_in_dim3A_265 = arith.constant 0.000000e+00 : f32
      %broadcast_in_dim3A_266 = vector.broadcast %broadcast_in_dim3A_265 : f32 to vector<16xf32>
      %get3A_267 = arith.index_cast %add3A_264 : i32 to index
      %get3A_268 = arith.constant 0 : index
      %get3A_269 = tpu.vector_load %arg11[%get3A_267, %get3A_268] {strides = array<i32>} : memref<256x128xf32, #tpu.memory_space<vmem>>, vector<16xf32>,
      %get3A_270 = arith.index_cast %add3A_264 : i32 to index
      %get3A_271 = arith.constant 0 : index
      %get3A_272 = tpu.vector_load %arg12[%get3A_270, %get3A_271] {strides = array<i32>} : memref<256x64xf32, #tpu.memory_space<vmem>>, vector<16xf32>,
      %add3A_273 = arith.addf %get3A_269, %get3A_272 : vector<16xf32>
      %get3A_274 = arith.index_cast %add3A_264 : i32 to index
      %get3A_275 = arith.constant 0 : index
      %get3A_276 = tpu.vector_load %arg13[%get3A_274, %get3A_275] {strides = array<i32>} : memref<256x128xf32, #tpu.memory_space<vmem>>, vector<16xf32>,
      %sub3A_277 = arith.subf %add3A_273, %get3A_276 : vector<16xf32>
      %mul3A_278 = arith.mulf %sub3A_277, %sub3A_277 : vector<16xf32>
      %add3A_279 = arith.addf %broadcast_in_dim3A_266, %mul3A_278 : vector<16xf32>
      %get3A_280 = arith.index_cast %add3A_264 : i32 to index
      %get3A_281 = arith.constant 16 : index
      %get3A_282 = tpu.vector_load %arg11[%get3A_280, %get3A_281] {strides = array<i32>} : memref<256x128xf32, #tpu.memory_space<vmem>>, vector<16xf32>,
      %get3A_283 = arith.index_cast %add3A_264 : i32 to index
      %get3A_284 = arith.constant 16 : index
      %get3A_285 = tpu.vector_load %arg12[%get3A_283, %get3A_284] {strides = array<i32>} : memref<256x64xf32, #tpu.memory_space<vmem>>, vector<16xf32>,
      %add3A_286 = arith.addf %get3A_282, %get3A_285 : vector<16xf32>
      %get3A_287 = arith.index_cast %add3A_264 : i32 to index
      %get3A_288 = arith.constant 16 : index
      %get3A_289 = tpu.vector_load %arg13[%get3A_287, %get3A_288] {strides = array<i32>} : memref<256x128xf32, #tpu.memory_space<vmem>>, vector<16xf32>,
      %sub3A_290 = arith.subf %add3A_286, %get3A_289 : vector<16xf32>
      %mul3A_291 = arith.mulf %sub3A_290, %sub3A_290 : vector<16xf32>
      %add3A_292 = arith.addf %add3A_279, %mul3A_291 : vector<16xf32>
      %get3A_293 = arith.index_cast %add3A_264 : i32 to index
      %get3A_294 = arith.constant 32 : index
      %get3A_295 = tpu.vector_load %arg11[%get3A_293, %get3A_294] {strides = array<i32>} : memref<256x128xf32, #tpu.memory_space<vmem>>, vector<16xf32>,
      %get3A_296 = arith.index_cast %add3A_264 : i32 to index
      %get3A_297 = arith.constant 32 : index
      %get3A_298 = tpu.vector_load %arg12[%get3A_296, %get3A_297] {strides = array<i32>} : memref<256x64xf32, #tpu.memory_space<vmem>>, vector<16xf32>,
      %add3A_299 = arith.addf %get3A_295, %get3A_298 : vector<16xf32>
      %get3A_300 = arith.index_cast %add3A_264 : i32 to index
      %get3A_301 = arith.constant 32 : index
      %get3A_302 = tpu.vector_load %arg13[%get3A_300, %get3A_301] {strides = array<i32>} : memref<256x128xf32, #tpu.memory_space<vmem>>, vector<16xf32>,
      %sub3A_303 = arith.subf %add3A_299, %get3A_302 : vector<16xf32>
      %mul3A_304 = arith.mulf %sub3A_303, %sub3A_303 : vector<16xf32>
      %add3A_305 = arith.addf %add3A_292, %mul3A_304 : vector<16xf32>
      %get3A_306 = arith.index_cast %add3A_264 : i32 to index
      %get3A_307 = arith.constant 48 : index
      %get3A_308 = tpu.vector_load %arg11[%get3A_306, %get3A_307] {strides = array<i32>} : memref<256x128xf32, #tpu.memory_space<vmem>>, vector<16xf32>,
      %get3A_309 = arith.index_cast %add3A_264 : i32 to index
      %get3A_310 = arith.constant 48 : index
      %get3A_311 = tpu.vector_load %arg12[%get3A_309, %get3A_310] {strides = array<i32>} : memref<256x64xf32, #tpu.memory_space<vmem>>, vector<16xf32>,
      %add3A_312 = arith.addf %get3A_308, %get3A_311 : vector<16xf32>
      %get3A_313 = arith.index_cast %add3A_264 : i32 to index
      %get3A_314 = arith.constant 48 : index
      %get3A_315 = tpu.vector_load %arg13[%get3A_313, %get3A_314] {strides = array<i32>} : memref<256x128xf32, #tpu.memory_space<vmem>>, vector<16xf32>,
      %sub3A_316 = arith.subf %add3A_312, %get3A_315 : vector<16xf32>
      %mul3A_317 = arith.mulf %sub3A_316, %sub3A_316 : vector<16xf32>
      %add3A_318 = arith.addf %add3A_305, %mul3A_317 : vector<16xf32>
      %swap3A_319 = arith.constant 1 : i32
      %swap3A_320 = arith.index_cast %swap3A_319 : i32 to index
      %swap3A_321 = arith.constant 0 : index
      %swap3A_322 = tpu.vector_load %arg14[%swap3A_320, %swap3A_321] {strides = array<i32>} : memref<16x17xf32, #tpu.memory_space<vmem>>, vector<16xf32>,
      tpu.vector_store %arg14[%swap3A_320, %swap3A_321], %add3A_318 {strides = array<i32>} : memref<16x17xf32, #tpu.memory_space<vmem>>, vector<16xf32>,
      %add3A_323 = arith.constant 2 : i32
      %add3A_324 = arith.addi %mul3A_206, %add3A_323 : i32
      %broadcast_in_dim3A_325 = arith.constant 0.000000e+00 : f32
      %broadcast_in_dim3A_326 = vector.broadcast %broadcast_in_dim3A_325 : f32 to vector<16xf32>
      %get3A_327 = arith.index_cast %add3A_324 : i32 to index
      %get3A_328 = arith.constant 0 : index
      %get3A_329 = tpu.vector_load %arg11[%get3A_327, %get3A_328] {strides = array<i32>} : memref<256x128xf32, #tpu.memory_space<vmem>>, vector<16xf32>,
      %get3A_330 = arith.index_cast %add3A_324 : i32 to index
      %get3A_331 = arith.constant 0 : index
      %get3A_332 = tpu.vector_load %arg12[%get3A_330, %get3A_331] {strides = array<i32>} : memref<256x64xf32, #tpu.memory_space<vmem>>, vector<16xf32>,
      %add3A_333 = arith.addf %get3A_329, %get3A_332 : vector<16xf32>
      %get3A_334 = arith.index_cast %add3A_324 : i32 to index
      %get3A_335 = arith.constant 0 : index
      %get3A_336 = tpu.vector_load %arg13[%get3A_334, %get3A_335] {strides = array<i32>} : memref<256x128xf32, #tpu.memory_space<vmem>>, vector<16xf32>,
      %sub3A_337 = arith.subf %add3A_333, %get3A_336 : vector<16xf32>
      %mul3A_338 = arith.mulf %sub3A_337, %sub3A_337 : vector<16xf32>
      %add3A_339 = arith.addf %broadcast_in_dim3A_326, %mul3A_338 : vector<16xf32>
      %get3A_340 = arith.index_cast %add3A_324 : i32 to index
      %get3A_341 = arith.constant 16 : index
      %get3A_342 = tpu.vector_load %arg11[%get3A_340, %get3A_341] {strides = array<i32>} : memref<256x128xf32, #tpu.memory_space<vmem>>, vector<16xf32>,
      %get3A_343 = arith.index_cast %add3A_324 : i32 to index
      %get3A_344 = arith.constant 16 : index
      %get3A_345 = tpu.vector_load %arg12[%get3A_343, %get3A_344] {strides = array<i32>} : memref<256x64xf32, #tpu.memory_space<vmem>>, vector<16xf32>,
      %add3A_346 = arith.addf %get3A_342, %get3A_345 : vector<16xf32>
      %get3A_347 = arith.index_cast %add3A_324 : i32 to index
      %get3A_348 = arith.constant 16 : index
      %get3A_349 = tpu.vector_load %arg13[%get3A_347, %get3A_348] {strides = array<i32>} : memref<256x128xf32, #tpu.memory_space<vmem>>, vector<16xf32>,
      %sub3A_350 = arith.subf %add3A_346, %get3A_349 : vector<16xf32>
      %mul3A_351 = arith.mulf %sub3A_350, %sub3A_350 : vector<16xf32>
      %add3A_352 = arith.addf %add3A_339, %mul3A_351 : vector<16xf32>
      %get3A_353 = arith.index_cast %add3A_324 : i32 to index
      %get3A_354 = arith.constant 32 : index
      %get3A_355 = tpu.vector_load %arg11[%get3A_353, %get3A_354] {strides = array<i32>} : memref<256x128xf32, #tpu.memory_space<vmem>>, vector<16xf32>,
      %get3A_356 = arith.index_cast %add3A_324 : i32 to index
      %get3A_357 = arith.constant 32 : index
      %get3A_358 = tpu.vector_load %arg12[%get3A_356, %get3A_357] {strides = array<i32>} : memref<256x64xf32, #tpu.memory_space<vmem>>, vector<16xf32>,
      %add3A_359 = arith.addf %get3A_355, %get3A_358 : vector<16xf32>
      %get3A_360 = arith.index_cast %add3A_324 : i32 to index
      %get3A_361 = arith.constant 32 : index
      %get3A_362 = tpu.vector_load %arg13[%get3A_360, %get3A_361] {strides = array<i32>} : memref<256x128xf32, #tpu.memory_space<vmem>>, vector<16xf32>,
      %sub3A_363 = arith.subf %add3A_359, %get3A_362 : vector<16xf32>
      %mul3A_364 = arith.mulf %sub3A_363, %sub3A_363 : vector<16xf32>
      %add3A_365 = arith.addf %add3A_352, %mul3A_364 : vector<16xf32>
      %get3A_366 = arith.index_cast %add3A_324 : i32 to index
      %get3A_367 = arith.constant 48 : index
      %get3A_368 = tpu.vector_load %arg11[%get3A_366, %get3A_367] {strides = array<i32>} : memref<256x128xf32, #tpu.memory_space<vmem>>, vector<16xf32>,
      %get3A_369 = arith.index_cast %add3A_324 : i32 to index
      %get3A_370 = arith.constant 48 : index
      %get3A_371 = tpu.vector_load %arg12[%get3A_369, %get3A_370] {strides = array<i32>} : memref<256x64xf32, #tpu.memory_space<vmem>>, vector<16xf32>,
      %add3A_372 = arith.addf %get3A_368, %get3A_371 : vector<16xf32>
      %get3A_373 = arith.index_cast %add3A_324 : i32 to index
      %get3A_374 = arith.constant 48 : index
      %get3A_375 = tpu.vector_load %arg13[%get3A_373, %get3A_374] {strides = array<i32>} : memref<256x128xf32, #tpu.memory_space<vmem>>, vector<16xf32>,
      %sub3A_376 = arith.subf %add3A_372, %get3A_375 : vector<16xf32>
      %mul3A_377 = arith.mulf %sub3A_376, %sub3A_376 : vector<16xf32>
      %add3A_378 = arith.addf %add3A_365, %mul3A_377 : vector<16xf32>
      %swap3A_379 = arith.constant 2 : i32
      %swap3A_380 = arith.index_cast %swap3A_379 : i32 to index
      %swap3A_381 = arith.constant 0 : index
      %swap3A_382 = tpu.vector_load %arg14[%swap3A_380, %swap3A_381] {strides = array<i32>} : memref<16x17xf32, #tpu.memory_space<vmem>>, vector<16xf32>,
      tpu.vector_store %arg14[%swap3A_380, %swap3A_381], %add3A_378 {strides = array<i32>} : memref<16x17xf32, #tpu.memory_space<vmem>>, vector<16xf32>,
      %add3A_383 = arith.constant 3 : i32
      %add3A_384 = arith.addi %mul3A_206, %add3A_383 : i32
      %broadcast_in_dim3A_385 = arith.constant 0.000000e+00 : f32
      %broadcast_in_dim3A_386 = vector.broadcast %broadcast_in_dim3A_385 : f32 to vector<16xf32>
      %get3A_387 = arith.index_cast %add3A_384 : i32 to index
      %get3A_388 = arith.constant 0 : index
      %get3A_389 = tpu.vector_load %arg11[%get3A_387, %get3A_388] {strides = array<i32>} : memref<256x128xf32, #tpu.memory_space<vmem>>, vector<16xf32>,
      %get3A_390 = arith.index_cast %add3A_384 : i32 to index
      %get3A_391 = arith.constant 0 : index
      %get3A_392 = tpu.vector_load %arg12[%get3A_390, %get3A_391] {strides = array<i32>} : memref<256x64xf32, #tpu.memory_space<vmem>>, vector<16xf32>,
      %add3A_393 = arith.addf %get3A_389, %get3A_392 : vector<16xf32>
      %get3A_394 = arith.index_cast %add3A_384 : i32 to index
      %get3A_395 = arith.constant 0 : index
      %get3A_396 = tpu.vector_load %arg13[%get3A_394, %get3A_395] {strides = array<i32>} : memref<256x128xf32, #tpu.memory_space<vmem>>, vector<16xf32>,
      %sub3A_397 = arith.subf %add3A_393, %get3A_396 : vector<16xf32>
      %mul3A_398 = arith.mulf %sub3A_397, %sub3A_397 : vector<16xf32>
      %add3A_399 = arith.addf %broadcast_in_dim3A_386, %mul3A_398 : vector<16xf32>
      %get3A_400 = arith.index_cast %add3A_384 : i32 to index
      %get3A_401 = arith.constant 16 : index
      %get3A_402 = tpu.vector_load %arg11[%get3A_400, %get3A_401] {strides = array<i32>} : memref<256x128xf32, #tpu.memory_space<vmem>>, vector<16xf32>,
      %get3A_403 = arith.index_cast %add3A_384 : i32 to index
      %get3A_404 = arith.constant 16 : index
      %get3A_405 = tpu.vector_load %arg12[%get3A_403, %get3A_404] {strides = array<i32>} : memref<256x64xf32, #tpu.memory_space<vmem>>, vector<16xf32>,
      %add3A_406 = arith.addf %get3A_402, %get3A_405 : vector<16xf32>
      %get3A_407 = arith.index_cast %add3A_384 : i32 to index
      %get3A_408 = arith.constant 16 : index
      %get3A_409 = tpu.vector_load %arg13[%get3A_407, %get3A_408] {strides = array<i32>} : memref<256x128xf32, #tpu.memory_space<vmem>>, vector<16xf32>,
      %sub3A_410 = arith.subf %add3A_406, %get3A_409 : vector<16xf32>
      %mul3A_411 = arith.mulf %sub3A_410, %sub3A_410 : vector<16xf32>
      %add3A_412 = arith.addf %add3A_399, %mul3A_411 : vector<16xf32>
      %get3A_413 = arith.index_cast %add3A_384 : i32 to index
      %get3A_414 = arith.constant 32 : index
      %get3A_415 = tpu.vector_load %arg11[%get3A_413, %get3A_414] {strides = array<i32>} : memref<256x128xf32, #tpu.memory_space<vmem>>, vector<16xf32>,
      %get3A_416 = arith.index_cast %add3A_384 : i32 to index
      %get3A_417 = arith.constant 32 : index
      %get3A_418 = tpu.vector_load %arg12[%get3A_416, %get3A_417] {strides = array<i32>} : memref<256x64xf32, #tpu.memory_space<vmem>>, vector<16xf32>,
      %add3A_419 = arith.addf %get3A_415, %get3A_418 : vector<16xf32>
      %get3A_420 = arith.index_cast %add3A_384 : i32 to index
      %get3A_421 = arith.constant 32 : index
      %get3A_422 = tpu.vector_load %arg13[%get3A_420, %get3A_421] {strides = array<i32>} : memref<256x128xf32, #tpu.memory_space<vmem>>, vector<16xf32>,
      %sub3A_423 = arith.subf %add3A_419, %get3A_422 : vector<16xf32>
      %mul3A_424 = arith.mulf %sub3A_423, %sub3A_423 : vector<16xf32>
      %add3A_425 = arith.addf %add3A_412, %mul3A_424 : vector<16xf32>
      %get3A_426 = arith.index_cast %add3A_384 : i32 to index
      %get3A_427 = arith.constant 48 : index
      %get3A_428 = tpu.vector_load %arg11[%get3A_426, %get3A_427] {strides = array<i32>} : memref<256x128xf32, #tpu.memory_space<vmem>>, vector<16xf32>,
      %get3A_429 = arith.index_cast %add3A_384 : i32 to index
      %get3A_430 = arith.constant 48 : index
      %get3A_431 = tpu.vector_load %arg12[%get3A_429, %get3A_430] {strides = array<i32>} : memref<256x64xf32, #tpu.memory_space<vmem>>, vector<16xf32>,
      %add3A_432 = arith.addf %get3A_428, %get3A_431 : vector<16xf32>
      %get3A_433 = arith.index_cast %add3A_384 : i32 to index
      %get3A_434 = arith.constant 48 : index
      %get3A_435 = tpu.vector_load %arg13[%get3A_433, %get3A_434] {strides = array<i32>} : memref<256x128xf32, #tpu.memory_space<vmem>>, vector<16xf32>,
      %sub3A_436 = arith.subf %add3A_432, %get3A_435 : vector<16xf32>
      %mul3A_437 = arith.mulf %sub3A_436, %sub3A_436 : vector<16xf32>
      %add3A_438 = arith.addf %add3A_425, %mul3A_437 : vector<16xf32>
      %swap3A_439 = arith.constant 3 : i32
      %swap3A_440 = arith.index_cast %swap3A_439 : i32 to index
      %swap3A_441 = arith.constant 0 : index
      %swap3A_442 = tpu.vector_load %arg14[%swap3A_440, %swap3A_441] {strides = array<i32>} : memref<16x17xf32, #tpu.memory_space<vmem>>, vector<16xf32>,
      tpu.vector_store %arg14[%swap3A_440, %swap3A_441], %add3A_438 {strides = array<i32>} : memref<16x17xf32, #tpu.memory_space<vmem>>, vector<16xf32>,
      %add3A_443 = arith.constant 4 : i32
      %add3A_444 = arith.addi %mul3A_206, %add3A_443 : i32
      %broadcast_in_dim3A_445 = arith.constant 0.000000e+00 : f32
      %broadcast_in_dim3A_446 = vector.broadcast %broadcast_in_dim3A_445 : f32 to vector<16xf32>
      %get3A_447 = arith.index_cast %add3A_444 : i32 to index
      %get3A_448 = arith.constant 0 : index
      %get3A_449 = tpu.vector_load %arg11[%get3A_447, %get3A_448] {strides = array<i32>} : memref<256x128xf32, #tpu.memory_space<vmem>>, vector<16xf32>,
      %get3A_450 = arith.index_cast %add3A_444 : i32 to index
      %get3A_451 = arith.constant 0 : index
      %get3A_452 = tpu.vector_load %arg12[%get3A_450, %get3A_451] {strides = array<i32>} : memref<256x64xf32, #tpu.memory_space<vmem>>, vector<16xf32>,
      %add3A_453 = arith.addf %get3A_449, %get3A_452 : vector<16xf32>
      %get3A_454 = arith.index_cast %add3A_444 : i32 to index
      %get3A_455 = arith.constant 0 : index
      %get3A_456 = tpu.vector_load %arg13[%get3A_454, %get3A_455] {strides = array<i32>} : memref<256x128xf32, #tpu.memory_space<vmem>>, vector<16xf32>,
      %sub3A_457 = arith.subf %add3A_453, %get3A_456 : vector<16xf32>
      %mul3A_458 = arith.mulf %sub3A_457, %sub3A_457 : vector<16xf32>
      %add3A_459 = arith.addf %broadcast_in_dim3A_446, %mul3A_458 : vector<16xf32>
      %get3A_460 = arith.index_cast %add3A_444 : i32 to index
      %get3A_461 = arith.constant 16 : index
      %get3A_462 = tpu.vector_load %arg11[%get3A_460, %get3A_461] {strides = array<i32>} : memref<256x128xf32, #tpu.memory_space<vmem>>, vector<16xf32>,
      %get3A_463 = arith.index_cast %add3A_444 : i32 to index
      %get3A_464 = arith.constant 16 : index
      %get3A_465 = tpu.vector_load %arg12[%get3A_463, %get3A_464] {strides = array<i32>} : memref<256x64xf32, #tpu.memory_space<vmem>>, vector<16xf32>,
      %add3A_466 = arith.addf %get3A_462, %get3A_465 : vector<16xf32>
      %get3A_467 = arith.index_cast %add3A_444 : i32 to index
      %get3A_468 = arith.constant 16 : index
      %get3A_469 = tpu.vector_load %arg13[%get3A_467, %get3A_468] {strides = array<i32>} : memref<256x128xf32, #tpu.memory_space<vmem>>, vector<16xf32>,
      %sub3A_470 = arith.subf %add3A_466, %get3A_469 : vector<16xf32>
      %mul3A_471 = arith.mulf %sub3A_470, %sub3A_470 : vector<16xf32>
      %add3A_472 = arith.addf %add3A_459, %mul3A_471 : vector<16xf32>
      %get3A_473 = arith.index_cast %add3A_444 : i32 to index
      %get3A_474 = arith.constant 32 : index
      %get3A_475 = tpu.vector_load %arg11[%get3A_473, %get3A_474] {strides = array<i32>} : memref<256x128xf32, #tpu.memory_space<vmem>>, vector<16xf32>,
      %get3A_476 = arith.index_cast %add3A_444 : i32 to index
      %get3A_477 = arith.constant 32 : index
      %get3A_478 = tpu.vector_load %arg12[%get3A_476, %get3A_477] {strides = array<i32>} : memref<256x64xf32, #tpu.memory_space<vmem>>, vector<16xf32>,
      %add3A_479 = arith.addf %get3A_475, %get3A_478 : vector<16xf32>
      %get3A_480 = arith.index_cast %add3A_444 : i32 to index
      %get3A_481 = arith.constant 32 : index
      %get3A_482 = tpu.vector_load %arg13[%get3A_480, %get3A_481] {strides = array<i32>} : memref<256x128xf32, #tpu.memory_space<vmem>>, vector<16xf32>,
      %sub3A_483 = arith.subf %add3A_479, %get3A_482 : vector<16xf32>
      %mul3A_484 = arith.mulf %sub3A_483, %sub3A_483 : vector<16xf32>
      %add3A_485 = arith.addf %add3A_472, %mul3A_484 : vector<16xf32>
      %get3A_486 = arith.index_cast %add3A_444 : i32 to index
      %get3A_487 = arith.constant 48 : index
      %get3A_488 = tpu.vector_load %arg11[%get3A_486, %get3A_487] {strides = array<i32>} : memref<256x128xf32, #tpu.memory_space<vmem>>, vector<16xf32>,
      %get3A_489 = arith.index_cast %add3A_444 : i32 to index
      %get3A_490 = arith.constant 48 : index
      %get3A_491 = tpu.vector_load %arg12[%get3A_489, %get3A_490] {strides = array<i32>} : memref<256x64xf32, #tpu.memory_space<vmem>>, vector<16xf32>,
      %add3A_492 = arith.addf %get3A_488, %get3A_491 : vector<16xf32>
      %get3A_493 = arith.index_cast %add3A_444 : i32 to index
      %get3A_494 = arith.constant 48 : index
      %get3A_495 = tpu.vector_load %arg13[%get3A_493, %get3A_494] {strides = array<i32>} : memref<256x128xf32, #tpu.memory_space<vmem>>, vector<16xf32>,
      %sub3A_496 = arith.subf %add3A_492, %get3A_495 : vector<16xf32>
      %mul3A_497 = arith.mulf %sub3A_496, %sub3A_496 : vector<16xf32>
      %add3A_498 = arith.addf %add3A_485, %mul3A_497 : vector<16xf32>
      %swap3A_499 = arith.constant 4 : i32
      %swap3A_500 = arith.index_cast %swap3A_499 : i32 to index
      %swap3A_501 = arith.constant 0 : index
      %swap3A_502 = tpu.vector_load %arg14[%swap3A_500, %swap3A_501] {strides = array<i32>} : memref<16x17xf32, #tpu.memory_space<vmem>>, vector<16xf32>,
      tpu.vector_store %arg14[%swap3A_500, %swap3A_501], %add3A_498 {strides = array<i32>} : memref<16x17xf32, #tpu.memory_space<vmem>>, vector<16xf32>,
      %add3A_503 = arith.constant 5 : i32
      %add3A_504 = arith.addi %mul3A_206, %add3A_503 : i32
      %broadcast_in_dim3A_505 = arith.constant 0.000000e+00 : f32
      %broadcast_in_dim3A_506 = vector.broadcast %broadcast_in_dim3A_505 : f32 to vector<16xf32>
      %get3A_507 = arith.index_cast %add3A_504 : i32 to index
      %get3A_508 = arith.constant 0 : index
      %get3A_509 = tpu.vector_load %arg11[%get3A_507, %get3A_508] {strides = array<i32>} : memref<256x128xf32, #tpu.memory_space<vmem>>, vector<16xf32>,
      %get3A_510 = arith.index_cast %add3A_504 : i32 to index
      %get3A_511 = arith.constant 0 : index
      %get3A_512 = tpu.vector_load %arg12[%get3A_510, %get3A_511] {strides = array<i32>} : memref<256x64xf32, #tpu.memory_space<vmem>>, vector<16xf32>,
      %add3A_513 = arith.addf %get3A_509, %get3A_512 : vector<16xf32>
      %get3A_514 = arith.index_cast %add3A_504 : i32 to index
      %get3A_515 = arith.constant 0 : index
      %get3A_516 = tpu.vector_load %arg13[%get3A_514, %get3A_515] {strides = array<i32>} : memref<256x128xf32, #tpu.memory_space<vmem>>, vector<16xf32>,
      %sub3A_517 = arith.subf %add3A_513, %get3A_516 : vector<16xf32>
      %mul3A_518 = arith.mulf %sub3A_517, %sub3A_517 : vector<16xf32>
      %add3A_519 = arith.addf %broadcast_in_dim3A_506, %mul3A_518 : vector<16xf32>
      %get3A_520 = arith.index_cast %add3A_504 : i32 to index
      %get3A_521 = arith.constant 16 : index
      %get3A_522 = tpu.vector_load %arg11[%get3A_520, %get3A_521] {strides = array<i32>} : memref<256x128xf32, #tpu.memory_space<vmem>>, vector<16xf32>,
      %get3A_523 = arith.index_cast %add3A_504 : i32 to index
      %get3A_524 = arith.constant 16 : index
      %get3A_525 = tpu.vector_load %arg12[%get3A_523, %get3A_524] {strides = array<i32>} : memref<256x64xf32, #tpu.memory_space<vmem>>, vector<16xf32>,
      %add3A_526 = arith.addf %get3A_522, %get3A_525 : vector<16xf32>
      %get3A_527 = arith.index_cast %add3A_504 : i32 to index
      %get3A_528 = arith.constant 16 : index
      %get3A_529 = tpu.vector_load %arg13[%get3A_527, %get3A_528] {strides = array<i32>} : memref<256x128xf32, #tpu.memory_space<vmem>>, vector<16xf32>,
      %sub3A_530 = arith.subf %add3A_526, %get3A_529 : vector<16xf32>
      %mul3A_531 = arith.mulf %sub3A_530, %sub3A_530 : vector<16xf32>
      %add3A_532 = arith.addf %add3A_519, %mul3A_531 : vector<16xf32>
      %get3A_533 = arith.index_cast %add3A_504 : i32 to index
      %get3A_534 = arith.constant 32 : index
      %get3A_535 = tpu.vector_load %arg11[%get3A_533, %get3A_534] {strides = array<i32>} : memref<256x128xf32, #tpu.memory_space<vmem>>, vector<16xf32>,
      %get3A_536 = arith.index_cast %add3A_504 : i32 to index
      %get3A_537 = arith.constant 32 : index
      %get3A_538 = tpu.vector_load %arg12[%get3A_536, %get3A_537] {strides = array<i32>} : memref<256x64xf32, #tpu.memory_space<vmem>>, vector<16xf32>,
      %add3A_539 = arith.addf %get3A_535, %get3A_538 : vector<16xf32>
      %get3A_540 = arith.index_cast %add3A_504 : i32 to index
      %get3A_541 = arith.constant 32 : index
      %get3A_542 = tpu.vector_load %arg13[%get3A_540, %get3A_541] {strides = array<i32>} : memref<256x128xf32, #tpu.memory_space<vmem>>, vector<16xf32>,
      %sub3A_543 = arith.subf %add3A_539, %get3A_542 : vector<16xf32>
      %mul3A_544 = arith.mulf %sub3A_543, %sub3A_543 : vector<16xf32>
      %add3A_545 = arith.addf %add3A_532, %mul3A_544 : vector<16xf32>
      %get3A_546 = arith.index_cast %add3A_504 : i32 to index
      %get3A_547 = arith.constant 48 : index
      %get3A_548 = tpu.vector_load %arg11[%get3A_546, %get3A_547] {strides = array<i32>} : memref<256x128xf32, #tpu.memory_space<vmem>>, vector<16xf32>,
      %get3A_549 = arith.index_cast %add3A_504 : i32 to index
      %get3A_550 = arith.constant 48 : index
      %get3A_551 = tpu.vector_load %arg12[%get3A_549, %get3A_550] {strides = array<i32>} : memref<256x64xf32, #tpu.memory_space<vmem>>, vector<16xf32>,
      %add3A_552 = arith.addf %get3A_548, %get3A_551 : vector<16xf32>
      %get3A_553 = arith.index_cast %add3A_504 : i32 to index
      %get3A_554 = arith.constant 48 : index
      %get3A_555 = tpu.vector_load %arg13[%get3A_553, %get3A_554] {strides = array<i32>} : memref<256x128xf32, #tpu.memory_space<vmem>>, vector<16xf32>,
      %sub3A_556 = arith.subf %add3A_552, %get3A_555 : vector<16xf32>
      %mul3A_557 = arith.mulf %sub3A_556, %sub3A_556 : vector<16xf32>
      %add3A_558 = arith.addf %add3A_545, %mul3A_557 : vector<16xf32>
      %swap3A_559 = arith.constant 5 : i32
      %swap3A_560 = arith.index_cast %swap3A_559 : i32 to index
      %swap3A_561 = arith.constant 0 : index
      %swap3A_562 = tpu.vector_load %arg14[%swap3A_560, %swap3A_561] {strides = array<i32>} : memref<16x17xf32, #tpu.memory_space<vmem>>, vector<16xf32>,
      tpu.vector_store %arg14[%swap3A_560, %swap3A_561], %add3A_558 {strides = array<i32>} : memref<16x17xf32, #tpu.memory_space<vmem>>, vector<16xf32>,
      %add3A_563 = arith.constant 6 : i32
      %add3A_564 = arith.addi %mul3A_206, %add3A_563 : i32
      %broadcast_in_dim3A_565 = arith.constant 0.000000e+00 : f32
      %broadcast_in_dim3A_566 = vector.broadcast %broadcast_in_dim3A_565 : f32 to vector<16xf32>
      %get3A_567 = arith.index_cast %add3A_564 : i32 to index
      %get3A_568 = arith.constant 0 : index
      %get3A_569 = tpu.vector_load %arg11[%get3A_567, %get3A_568] {strides = array<i32>} : memref<256x128xf32, #tpu.memory_space<vmem>>, vector<16xf32>,
      %get3A_570 = arith.index_cast %add3A_564 : i32 to index
      %get3A_571 = arith.constant 0 : index
      %get3A_572 = tpu.vector_load %arg12[%get3A_570, %get3A_571] {strides = array<i32>} : memref<256x64xf32, #tpu.memory_space<vmem>>, vector<16xf32>,
      %add3A_573 = arith.addf %get3A_569, %get3A_572 : vector<16xf32>
      %get3A_574 = arith.index_cast %add3A_564 : i32 to index
      %get3A_575 = arith.constant 0 : index
      %get3A_576 = tpu.vector_load %arg13[%get3A_574, %get3A_575] {strides = array<i32>} : memref<256x128xf32, #tpu.memory_space<vmem>>, vector<16xf32>,
      %sub3A_577 = arith.subf %add3A_573, %get3A_576 : vector<16xf32>
      %mul3A_578 = arith.mulf %sub3A_577, %sub3A_577 : vector<16xf32>
      %add3A_579 = arith.addf %broadcast_in_dim3A_566, %mul3A_578 : vector<16xf32>
      %get3A_580 = arith.index_cast %add3A_564 : i32 to index
      %get3A_581 = arith.constant 16 : index
      %get3A_582 = tpu.vector_load %arg11[%get3A_580, %get3A_581] {strides = array<i32>} : memref<256x128xf32, #tpu.memory_space<vmem>>, vector<16xf32>,
      %get3A_583 = arith.index_cast %add3A_564 : i32 to index
      %get3A_584 = arith.constant 16 : index
      %get3A_585 = tpu.vector_load %arg12[%get3A_583, %get3A_584] {strides = array<i32>} : memref<256x64xf32, #tpu.memory_space<vmem>>, vector<16xf32>,
      %add3A_586 = arith.addf %get3A_582, %get3A_585 : vector<16xf32>
      %get3A_587 = arith.index_cast %add3A_564 : i32 to index
      %get3A_588 = arith.constant 16 : index
      %get3A_589 = tpu.vector_load %arg13[%get3A_587, %get3A_588] {strides = array<i32>} : memref<256x128xf32, #tpu.memory_space<vmem>>, vector<16xf32>,
      %sub3A_590 = arith.subf %add3A_586, %get3A_589 : vector<16xf32>
      %mul3A_591 = arith.mulf %sub3A_590, %sub3A_590 : vector<16xf32>
      %add3A_592 = arith.addf %add3A_579, %mul3A_591 : vector<16xf32>
      %get3A_593 = arith.index_cast %add3A_564 : i32 to index
      %get3A_594 = arith.constant 32 : index
      %get3A_595 = tpu.vector_load %arg11[%get3A_593, %get3A_594] {strides = array<i32>} : memref<256x128xf32, #tpu.memory_space<vmem>>, vector<16xf32>,
      %get3A_596 = arith.index_cast %add3A_564 : i32 to index
      %get3A_597 = arith.constant 32 : index
      %get3A_598 = tpu.vector_load %arg12[%get3A_596, %get3A_597] {strides = array<i32>} : memref<256x64xf32, #tpu.memory_space<vmem>>, vector<16xf32>,
      %add3A_599 = arith.addf %get3A_595, %get3A_598 : vector<16xf32>
      %get3A_600 = arith.index_cast %add3A_564 : i32 to index
      %get3A_601 = arith.constant 32 : index
      %get3A_602 = tpu.vector_load %arg13[%get3A_600, %get3A_601] {strides = array<i32>} : memref<256x128xf32, #tpu.memory_space<vmem>>, vector<16xf32>,
      %sub3A_603 = arith.subf %add3A_599, %get3A_602 : vector<16xf32>
      %mul3A_604 = arith.mulf %sub3A_603, %sub3A_603 : vector<16xf32>
      %add3A_605 = arith.addf %add3A_592, %mul3A_604 : vector<16xf32>
      %get3A_606 = arith.index_cast %add3A_564 : i32 to index
      %get3A_607 = arith.constant 48 : index
      %get3A_608 = tpu.vector_load %arg11[%get3A_606, %get3A_607] {strides = array<i32>} : memref<256x128xf32, #tpu.memory_space<vmem>>, vector<16xf32>,
      %get3A_609 = arith.index_cast %add3A_564 : i32 to index
      %get3A_610 = arith.constant 48 : index
      %get3A_611 = tpu.vector_load %arg12[%get3A_609, %get3A_610] {strides = array<i32>} : memref<256x64xf32, #tpu.memory_space<vmem>>, vector<16xf32>,
      %add3A_612 = arith.addf %get3A_608, %get3A_611 : vector<16xf32>
      %get3A_613 = arith.index_cast %add3A_564 : i32 to index
      %get3A_614 = arith.constant 48 : index
      %get3A_615 = tpu.vector_load %arg13[%get3A_613, %get3A_614] {strides = array<i32>} : memref<256x128xf32, #tpu.memory_space<vmem>>, vector<16xf32>,
      %sub3A_616 = arith.subf %add3A_612, %get3A_615 : vector<16xf32>
      %mul3A_617 = arith.mulf %sub3A_616, %sub3A_616 : vector<16xf32>
      %add3A_618 = arith.addf %add3A_605, %mul3A_617 : vector<16xf32>
      %swap3A_619 = arith.constant 6 : i32
      %swap3A_620 = arith.index_cast %swap3A_619 : i32 to index
      %swap3A_621 = arith.constant 0 : index
      %swap3A_622 = tpu.vector_load %arg14[%swap3A_620, %swap3A_621] {strides = array<i32>} : memref<16x17xf32, #tpu.memory_space<vmem>>, vector<16xf32>,
      tpu.vector_store %arg14[%swap3A_620, %swap3A_621], %add3A_618 {strides = array<i32>} : memref<16x17xf32, #tpu.memory_space<vmem>>, vector<16xf32>,
      %add3A_623 = arith.constant 7 : i32
      %add3A_624 = arith.addi %mul3A_206, %add3A_623 : i32
      %broadcast_in_dim3A_625 = arith.constant 0.000000e+00 : f32
      %broadcast_in_dim3A_626 = vector.broadcast %broadcast_in_dim3A_625 : f32 to vector<16xf32>
      %get3A_627 = arith.index_cast %add3A_624 : i32 to index
      %get3A_628 = arith.constant 0 : index
      %get3A_629 = tpu.vector_load %arg11[%get3A_627, %get3A_628] {strides = array<i32>} : memref<256x128xf32, #tpu.memory_space<vmem>>, vector<16xf32>,
      %get3A_630 = arith.index_cast %add3A_624 : i32 to index
      %get3A_631 = arith.constant 0 : index
      %get3A_632 = tpu.vector_load %arg12[%get3A_630, %get3A_631] {strides = array<i32>} : memref<256x64xf32, #tpu.memory_space<vmem>>, vector<16xf32>,
      %add3A_633 = arith.addf %get3A_629, %get3A_632 : vector<16xf32>
      %get3A_634 = arith.index_cast %add3A_624 : i32 to index
      %get3A_635 = arith.constant 0 : index
      %get3A_636 = tpu.vector_load %arg13[%get3A_634, %get3A_635] {strides = array<i32>} : memref<256x128xf32, #tpu.memory_space<vmem>>, vector<16xf32>,
      %sub3A_637 = arith.subf %add3A_633, %get3A_636 : vector<16xf32>
      %mul3A_638 = arith.mulf %sub3A_637, %sub3A_637 : vector<16xf32>
      %add3A_639 = arith.addf %broadcast_in_dim3A_626, %mul3A_638 : vector<16xf32>
      %get3A_640 = arith.index_cast %add3A_624 : i32 to index
      %get3A_641 = arith.constant 16 : index
      %get3A_642 = tpu.vector_load %arg11[%get3A_640, %get3A_641] {strides = array<i32>} : memref<256x128xf32, #tpu.memory_space<vmem>>, vector<16xf32>,
      %get3A_643 = arith.index_cast %add3A_624 : i32 to index
      %get3A_644 = arith.constant 16 : index
      %get3A_645 = tpu.vector_load %arg12[%get3A_643, %get3A_644] {strides = array<i32>} : memref<256x64xf32, #tpu.memory_space<vmem>>, vector<16xf32>,
      %add3A_646 = arith.addf %get3A_642, %get3A_645 : vector<16xf32>
      %get3A_647 = arith.index_cast %add3A_624 : i32 to index
      %get3A_648 = arith.constant 16 : index
      %get3A_649 = tpu.vector_load %arg13[%get3A_647, %get3A_648] {strides = array<i32>} : memref<256x128xf32, #tpu.memory_space<vmem>>, vector<16xf32>,
      %sub3A_650 = arith.subf %add3A_646, %get3A_649 : vector<16xf32>
      %mul3A_651 = arith.mulf %sub3A_650, %sub3A_650 : vector<16xf32>
      %add3A_652 = arith.addf %add3A_639, %mul3A_651 : vector<16xf32>
      %get3A_653 = arith.index_cast %add3A_624 : i32 to index
      %get3A_654 = arith.constant 32 : index
      %get3A_655 = tpu.vector_load %arg11[%get3A_653, %get3A_654] {strides = array<i32>} : memref<256x128xf32, #tpu.memory_space<vmem>>, vector<16xf32>,
      %get3A_656 = arith.index_cast %add3A_624 : i32 to index
      %get3A_657 = arith.constant 32 : index
      %get3A_658 = tpu.vector_load %arg12[%get3A_656, %get3A_657] {strides = array<i32>} : memref<256x64xf32, #tpu.memory_space<vmem>>, vector<16xf32>,
      %add3A_659 = arith.addf %get3A_655, %get3A_658 : vector<16xf32>
      %get3A_660 = arith.index_cast %add3A_624 : i32 to index
      %get3A_661 = arith.constant 32 : index
      %get3A_662 = tpu.vector_load %arg13[%get3A_660, %get3A_661] {strides = array<i32>} : memref<256x128xf32, #tpu.memory_space<vmem>>, vector<16xf32>,
      %sub3A_663 = arith.subf %add3A_659, %get3A_662 : vector<16xf32>
      %mul3A_664 = arith.mulf %sub3A_663, %sub3A_663 : vector<16xf32>
      %add3A_665 = arith.addf %add3A_652, %mul3A_664 : vector<16xf32>
      %get3A_666 = arith.index_cast %add3A_624 : i32 to index
      %get3A_667 = arith.constant 48 : index
      %get3A_668 = tpu.vector_load %arg11[%get3A_666, %get3A_667] {strides = array<i32>} : memref<256x128xf32, #tpu.memory_space<vmem>>, vector<16xf32>,
      %get3A_669 = arith.index_cast %add3A_624 : i32 to index
      %get3A_670 = arith.constant 48 : index
      %get3A_671 = tpu.vector_load %arg12[%get3A_669, %get3A_670] {strides = array<i32>} : memref<256x64xf32, #tpu.memory_space<vmem>>, vector<16xf32>,
      %add3A_672 = arith.addf %get3A_668, %get3A_671 : vector<16xf32>
      %get3A_673 = arith.index_cast %add3A_624 : i32 to index
      %get3A_674 = arith.constant 48 : index
      %get3A_675 = tpu.vector_load %arg13[%get3A_673, %get3A_674] {strides = array<i32>} : memref<256x128xf32, #tpu.memory_space<vmem>>, vector<16xf32>,
      %sub3A_676 = arith.subf %add3A_672, %get3A_675 : vector<16xf32>
      %mul3A_677 = arith.mulf %sub3A_676, %sub3A_676 : vector<16xf32>
      %add3A_678 = arith.addf %add3A_665, %mul3A_677 : vector<16xf32>
      %swap3A_679 = arith.constant 7 : i32
      %swap3A_680 = arith.index_cast %swap3A_679 : i32 to index
      %swap3A_681 = arith.constant 0 : index
      %swap3A_682 = tpu.vector_load %arg14[%swap3A_680, %swap3A_681] {strides = array<i32>} : memref<16x17xf32, #tpu.memory_space<vmem>>, vector<16xf32>,
      tpu.vector_store %arg14[%swap3A_680, %swap3A_681], %add3A_678 {strides = array<i32>} : memref<16x17xf32, #tpu.memory_space<vmem>>, vector<16xf32>,
      %add3A_683 = arith.constant 8 : i32
      %add3A_684 = arith.addi %mul3A_206, %add3A_683 : i32
      %broadcast_in_dim3A_685 = arith.constant 0.000000e+00 : f32
      %broadcast_in_dim3A_686 = vector.broadcast %broadcast_in_dim3A_685 : f32 to vector<16xf32>
      %get3A_687 = arith.index_cast %add3A_684 : i32 to index
      %get3A_688 = arith.constant 0 : index
      %get3A_689 = tpu.vector_load %arg11[%get3A_687, %get3A_688] {strides = array<i32>} : memref<256x128xf32, #tpu.memory_space<vmem>>, vector<16xf32>,
      %get3A_690 = arith.index_cast %add3A_684 : i32 to index
      %get3A_691 = arith.constant 0 : index
      %get3A_692 = tpu.vector_load %arg12[%get3A_690, %get3A_691] {strides = array<i32>} : memref<256x64xf32, #tpu.memory_space<vmem>>, vector<16xf32>,
      %add3A_693 = arith.addf %get3A_689, %get3A_692 : vector<16xf32>
      %get3A_694 = arith.index_cast %add3A_684 : i32 to index
      %get3A_695 = arith.constant 0 : index
      %get3A_696 = tpu.vector_load %arg13[%get3A_694, %get3A_695] {strides = array<i32>} : memref<256x128xf32, #tpu.memory_space<vmem>>, vector<16xf32>,
      %sub3A_697 = arith.subf %add3A_693, %get3A_696 : vector<16xf32>
      %mul3A_698 = arith.mulf %sub3A_697, %sub3A_697 : vector<16xf32>
      %add3A_699 = arith.addf %broadcast_in_dim3A_686, %mul3A_698 : vector<16xf32>
      %get3A_700 = arith.index_cast %add3A_684 : i32 to index
      %get3A_701 = arith.constant 16 : index
      %get3A_702 = tpu.vector_load %arg11[%get3A_700, %get3A_701] {strides = array<i32>} : memref<256x128xf32, #tpu.memory_space<vmem>>, vector<16xf32>,
      %get3A_703 = arith.index_cast %add3A_684 : i32 to index
      %get3A_704 = arith.constant 16 : index
      %get3A_705 = tpu.vector_load %arg12[%get3A_703, %get3A_704] {strides = array<i32>} : memref<256x64xf32, #tpu.memory_space<vmem>>, vector<16xf32>,
      %add3A_706 = arith.addf %get3A_702, %get3A_705 : vector<16xf32>
      %get3A_707 = arith.index_cast %add3A_684 : i32 to index
      %get3A_708 = arith.constant 16 : index
      %get3A_709 = tpu.vector_load %arg13[%get3A_707, %get3A_708] {strides = array<i32>} : memref<256x128xf32, #tpu.memory_space<vmem>>, vector<16xf32>,
      %sub3A_710 = arith.subf %add3A_706, %get3A_709 : vector<16xf32>
      %mul3A_711 = arith.mulf %sub3A_710, %sub3A_710 : vector<16xf32>
      %add3A_712 = arith.addf %add3A_699, %mul3A_711 : vector<16xf32>
      %get3A_713 = arith.index_cast %add3A_684 : i32 to index
      %get3A_714 = arith.constant 32 : index
      %get3A_715 = tpu.vector_load %arg11[%get3A_713, %get3A_714] {strides = array<i32>} : memref<256x128xf32, #tpu.memory_space<vmem>>, vector<16xf32>,
      %get3A_716 = arith.index_cast %add3A_684 : i32 to index
      %get3A_717 = arith.constant 32 : index
      %get3A_718 = tpu.vector_load %arg12[%get3A_716, %get3A_717] {strides = array<i32>} : memref<256x64xf32, #tpu.memory_space<vmem>>, vector<16xf32>,
      %add3A_719 = arith.addf %get3A_715, %get3A_718 : vector<16xf32>
      %get3A_720 = arith.index_cast %add3A_684 : i32 to index
      %get3A_721 = arith.constant 32 : index
      %get3A_722 = tpu.vector_load %arg13[%get3A_720, %get3A_721] {strides = array<i32>} : memref<256x128xf32, #tpu.memory_space<vmem>>, vector<16xf32>,
      %sub3A_723 = arith.subf %add3A_719, %get3A_722 : vector<16xf32>
      %mul3A_724 = arith.mulf %sub3A_723, %sub3A_723 : vector<16xf32>
      %add3A_725 = arith.addf %add3A_712, %mul3A_724 : vector<16xf32>
      %get3A_726 = arith.index_cast %add3A_684 : i32 to index
      %get3A_727 = arith.constant 48 : index
      %get3A_728 = tpu.vector_load %arg11[%get3A_726, %get3A_727] {strides = array<i32>} : memref<256x128xf32, #tpu.memory_space<vmem>>, vector<16xf32>,
      %get3A_729 = arith.index_cast %add3A_684 : i32 to index
      %get3A_730 = arith.constant 48 : index
      %get3A_731 = tpu.vector_load %arg12[%get3A_729, %get3A_730] {strides = array<i32>} : memref<256x64xf32, #tpu.memory_space<vmem>>, vector<16xf32>,
      %add3A_732 = arith.addf %get3A_728, %get3A_731 : vector<16xf32>
      %get3A_733 = arith.index_cast %add3A_684 : i32 to index
      %get3A_734 = arith.constant 48 : index
      %get3A_735 = tpu.vector_load %arg13[%get3A_733, %get3A_734] {strides = array<i32>} : memref<256x128xf32, #tpu.memory_space<vmem>>, vector<16xf32>,
      %sub3A_736 = arith.subf %add3A_732, %get3A_735 : vector<16xf32>
      %mul3A_737 = arith.mulf %sub3A_736, %sub3A_736 : vector<16xf32>
      %add3A_738 = arith.addf %add3A_725, %mul3A_737 : vector<16xf32>
      %swap3A_739 = arith.constant 8 : i32
      %swap3A_740 = arith.index_cast %swap3A_739 : i32 to index
      %swap3A_741 = arith.constant 0 : index
      %swap3A_742 = tpu.vector_load %arg14[%swap3A_740, %swap3A_741] {strides = array<i32>} : memref<16x17xf32, #tpu.memory_space<vmem>>, vector<16xf32>,
      tpu.vector_store %arg14[%swap3A_740, %swap3A_741], %add3A_738 {strides = array<i32>} : memref<16x17xf32, #tpu.memory_space<vmem>>, vector<16xf32>,
      %add3A_743 = arith.constant 9 : i32
      %add3A_744 = arith.addi %mul3A_206, %add3A_743 : i32
      %broadcast_in_dim3A_745 = arith.constant 0.000000e+00 : f32
      %broadcast_in_dim3A_746 = vector.broadcast %broadcast_in_dim3A_745 : f32 to vector<16xf32>
      %get3A_747 = arith.index_cast %add3A_744 : i32 to index
      %get3A_748 = arith.constant 0 : index
      %get3A_749 = tpu.vector_load %arg11[%get3A_747, %get3A_748] {strides = array<i32>} : memref<256x128xf32, #tpu.memory_space<vmem>>, vector<16xf32>,
      %get3A_750 = arith.index_cast %add3A_744 : i32 to index
      %get3A_751 = arith.constant 0 : index
      %get3A_752 = tpu.vector_load %arg12[%get3A_750, %get3A_751] {strides = array<i32>} : memref<256x64xf32, #tpu.memory_space<vmem>>, vector<16xf32>,
      %add3A_753 = arith.addf %get3A_749, %get3A_752 : vector<16xf32>
      %get3A_754 = arith.index_cast %add3A_744 : i32 to index
      %get3A_755 = arith.constant 0 : index
      %get3A_756 = tpu.vector_load %arg13[%get3A_754, %get3A_755] {strides = array<i32>} : memref<256x128xf32, #tpu.memory_space<vmem>>, vector<16xf32>,
      %sub3A_757 = arith.subf %add3A_753, %get3A_756 : vector<16xf32>
      %mul3A_758 = arith.mulf %sub3A_757, %sub3A_757 : vector<16xf32>
      %add3A_759 = arith.addf %broadcast_in_dim3A_746, %mul3A_758 : vector<16xf32>
      %get3A_760 = arith.index_cast %add3A_744 : i32 to index
      %get3A_761 = arith.constant 16 : index
      %get3A_762 = tpu.vector_load %arg11[%get3A_760, %get3A_761] {strides = array<i32>} : memref<256x128xf32, #tpu.memory_space<vmem>>, vector<16xf32>,
      %get3A_763 = arith.index_cast %add3A_744 : i32 to index
      %get3A_764 = arith.constant 16 : index
      %get3A_765 = tpu.vector_load %arg12[%get3A_763, %get3A_764] {strides = array<i32>} : memref<256x64xf32, #tpu.memory_space<vmem>>, vector<16xf32>,
      %add3A_766 = arith.addf %get3A_762, %get3A_765 : vector<16xf32>
      %get3A_767 = arith.index_cast %add3A_744 : i32 to index
      %get3A_768 = arith.constant 16 : index
      %get3A_769 = tpu.vector_load %arg13[%get3A_767, %get3A_768] {strides = array<i32>} : memref<256x128xf32, #tpu.memory_space<vmem>>, vector<16xf32>,
      %sub3A_770 = arith.subf %add3A_766, %get3A_769 : vector<16xf32>
      %mul3A_771 = arith.mulf %sub3A_770, %sub3A_770 : vector<16xf32>
      %add3A_772 = arith.addf %add3A_759, %mul3A_771 : vector<16xf32>
      %get3A_773 = arith.index_cast %add3A_744 : i32 to index
      %get3A_774 = arith.constant 32 : index
      %get3A_775 = tpu.vector_load %arg11[%get3A_773, %get3A_774] {strides = array<i32>} : memref<256x128xf32, #tpu.memory_space<vmem>>, vector<16xf32>,
      %get3A_776 = arith.index_cast %add3A_744 : i32 to index
      %get3A_777 = arith.constant 32 : index
      %get3A_778 = tpu.vector_load %arg12[%get3A_776, %get3A_777] {strides = array<i32>} : memref<256x64xf32, #tpu.memory_space<vmem>>, vector<16xf32>,
      %add3A_779 = arith.addf %get3A_775, %get3A_778 : vector<16xf32>
      %get3A_780 = arith.index_cast %add3A_744 : i32 to index
      %get3A_781 = arith.constant 32 : index
      %get3A_782 = tpu.vector_load %arg13[%get3A_780, %get3A_781] {strides = array<i32>} : memref<256x128xf32, #tpu.memory_space<vmem>>, vector<16xf32>,
      %sub3A_783 = arith.subf %add3A_779, %get3A_782 : vector<16xf32>
      %mul3A_784 = arith.mulf %sub3A_783, %sub3A_783 : vector<16xf32>
      %add3A_785 = arith.addf %add3A_772, %mul3A_784 : vector<16xf32>
      %get3A_786 = arith.index_cast %add3A_744 : i32 to index
      %get3A_787 = arith.constant 48 : index
      %get3A_788 = tpu.vector_load %arg11[%get3A_786, %get3A_787] {strides = array<i32>} : memref<256x128xf32, #tpu.memory_space<vmem>>, vector<16xf32>,
      %get3A_789 = arith.index_cast %add3A_744 : i32 to index
      %get3A_790 = arith.constant 48 : index
      %get3A_791 = tpu.vector_load %arg12[%get3A_789, %get3A_790] {strides = array<i32>} : memref<256x64xf32, #tpu.memory_space<vmem>>, vector<16xf32>,
      %add3A_792 = arith.addf %get3A_788, %get3A_791 : vector<16xf32>
      %get3A_793 = arith.index_cast %add3A_744 : i32 to index
      %get3A_794 = arith.constant 48 : index
      %get3A_795 = tpu.vector_load %arg13[%get3A_793, %get3A_794] {strides = array<i32>} : memref<256x128xf32, #tpu.memory_space<vmem>>, vector<16xf32>,
      %sub3A_796 = arith.subf %add3A_792, %get3A_795 : vector<16xf32>
      %mul3A_797 = arith.mulf %sub3A_796, %sub3A_796 : vector<16xf32>
      %add3A_798 = arith.addf %add3A_785, %mul3A_797 : vector<16xf32>
      %swap3A_799 = arith.constant 9 : i32
      %swap3A_800 = arith.index_cast %swap3A_799 : i32 to index
      %swap3A_801 = arith.constant 0 : index
      %swap3A_802 = tpu.vector_load %arg14[%swap3A_800, %swap3A_801] {strides = array<i32>} : memref<16x17xf32, #tpu.memory_space<vmem>>, vector<16xf32>,
      tpu.vector_store %arg14[%swap3A_800, %swap3A_801], %add3A_798 {strides = array<i32>} : memref<16x17xf32, #tpu.memory_space<vmem>>, vector<16xf32>,
      %add3A_803 = arith.constant 10 : i32
      %add3A_804 = arith.addi %mul3A_206, %add3A_803 : i32
      %broadcast_in_dim3A_805 = arith.constant 0.000000e+00 : f32
      %broadcast_in_dim3A_806 = vector.broadcast %broadcast_in_dim3A_805 : f32 to vector<16xf32>
      %get3A_807 = arith.index_cast %add3A_804 : i32 to index
      %get3A_808 = arith.constant 0 : index
      %get3A_809 = tpu.vector_load %arg11[%get3A_807, %get3A_808] {strides = array<i32>} : memref<256x128xf32, #tpu.memory_space<vmem>>, vector<16xf32>,
      %get3A_810 = arith.index_cast %add3A_804 : i32 to index
      %get3A_811 = arith.constant 0 : index
      %get3A_812 = tpu.vector_load %arg12[%get3A_810, %get3A_811] {strides = array<i32>} : memref<256x64xf32, #tpu.memory_space<vmem>>, vector<16xf32>,
      %add3A_813 = arith.addf %get3A_809, %get3A_812 : vector<16xf32>
      %get3A_814 = arith.index_cast %add3A_804 : i32 to index
      %get3A_815 = arith.constant 0 : index
      %get3A_816 = tpu.vector_load %arg13[%get3A_814, %get3A_815] {strides = array<i32>} : memref<256x128xf32, #tpu.memory_space<vmem>>, vector<16xf32>,
      %sub3A_817 = arith.subf %add3A_813, %get3A_816 : vector<16xf32>
      %mul3A_818 = arith.mulf %sub3A_817, %sub3A_817 : vector<16xf32>
      %add3A_819 = arith.addf %broadcast_in_dim3A_806, %mul3A_818 : vector<16xf32>
      %get3A_820 = arith.index_cast %add3A_804 : i32 to index
      %get3A_821 = arith.constant 16 : index
      %get3A_822 = tpu.vector_load %arg11[%get3A_820, %get3A_821] {strides = array<i32>} : memref<256x128xf32, #tpu.memory_space<vmem>>, vector<16xf32>,
      %get3A_823 = arith.index_cast %add3A_804 : i32 to index
      %get3A_824 = arith.constant 16 : index
      %get3A_825 = tpu.vector_load %arg12[%get3A_823, %get3A_824] {strides = array<i32>} : memref<256x64xf32, #tpu.memory_space<vmem>>, vector<16xf32>,
      %add3A_826 = arith.addf %get3A_822, %get3A_825 : vector<16xf32>
      %get3A_827 = arith.index_cast %add3A_804 : i32 to index
      %get3A_828 = arith.constant 16 : index
      %get3A_829 = tpu.vector_load %arg13[%get3A_827, %get3A_828] {strides = array<i32>} : memref<256x128xf32, #tpu.memory_space<vmem>>, vector<16xf32>,
      %sub3A_830 = arith.subf %add3A_826, %get3A_829 : vector<16xf32>
      %mul3A_831 = arith.mulf %sub3A_830, %sub3A_830 : vector<16xf32>
      %add3A_832 = arith.addf %add3A_819, %mul3A_831 : vector<16xf32>
      %get3A_833 = arith.index_cast %add3A_804 : i32 to index
      %get3A_834 = arith.constant 32 : index
      %get3A_835 = tpu.vector_load %arg11[%get3A_833, %get3A_834] {strides = array<i32>} : memref<256x128xf32, #tpu.memory_space<vmem>>, vector<16xf32>,
      %get3A_836 = arith.index_cast %add3A_804 : i32 to index
      %get3A_837 = arith.constant 32 : index
      %get3A_838 = tpu.vector_load %arg12[%get3A_836, %get3A_837] {strides = array<i32>} : memref<256x64xf32, #tpu.memory_space<vmem>>, vector<16xf32>,
      %add3A_839 = arith.addf %get3A_835, %get3A_838 : vector<16xf32>
      %get3A_840 = arith.index_cast %add3A_804 : i32 to index
      %get3A_841 = arith.constant 32 : index
      %get3A_842 = tpu.vector_load %arg13[%get3A_840, %get3A_841] {strides = array<i32>} : memref<256x128xf32, #tpu.memory_space<vmem>>, vector<16xf32>,
      %sub3A_843 = arith.subf %add3A_839, %get3A_842 : vector<16xf32>
      %mul3A_844 = arith.mulf %sub3A_843, %sub3A_843 : vector<16xf32>
      %add3A_845 = arith.addf %add3A_832, %mul3A_844 : vector<16xf32>
      %get3A_846 = arith.index_cast %add3A_804 : i32 to index
      %get3A_847 = arith.constant 48 : index
      %get3A_848 = tpu.vector_load %arg11[%get3A_846, %get3A_847] {strides = array<i32>} : memref<256x128xf32, #tpu.memory_space<vmem>>, vector<16xf32>,
      %get3A_849 = arith.index_cast %add3A_804 : i32 to index
      %get3A_850 = arith.constant 48 : index
      %get3A_851 = tpu.vector_load %arg12[%get3A_849, %get3A_850] {strides = array<i32>} : memref<256x64xf32, #tpu.memory_space<vmem>>, vector<16xf32>,
      %add3A_852 = arith.addf %get3A_848, %get3A_851 : vector<16xf32>
      %get3A_853 = arith.index_cast %add3A_804 : i32 to index
      %get3A_854 = arith.constant 48 : index
      %get3A_855 = tpu.vector_load %arg13[%get3A_853, %get3A_854] {strides = array<i32>} : memref<256x128xf32, #tpu.memory_space<vmem>>, vector<16xf32>,
      %sub3A_856 = arith.subf %add3A_852, %get3A_855 : vector<16xf32>
      %mul3A_857 = arith.mulf %sub3A_856, %sub3A_856 : vector<16xf32>
      %add3A_858 = arith.addf %add3A_845, %mul3A_857 : vector<16xf32>
      %swap3A_859 = arith.constant 10 : i32
      %swap3A_860 = arith.index_cast %swap3A_859 : i32 to index
      %swap3A_861 = arith.constant 0 : index
      %swap3A_862 = tpu.vector_load %arg14[%swap3A_860, %swap3A_861] {strides = array<i32>} : memref<16x17xf32, #tpu.memory_space<vmem>>, vector<16xf32>,
      tpu.vector_store %arg14[%swap3A_860, %swap3A_861], %add3A_858 {strides = array<i32>} : memref<16x17xf32, #tpu.memory_space<vmem>>, vector<16xf32>,
      %add3A_863 = arith.constant 11 : i32
      %add3A_864 = arith.addi %mul3A_206, %add3A_863 : i32
      %broadcast_in_dim3A_865 = arith.constant 0.000000e+00 : f32
      %broadcast_in_dim3A_866 = vector.broadcast %broadcast_in_dim3A_865 : f32 to vector<16xf32>
      %get3A_867 = arith.index_cast %add3A_864 : i32 to index
      %get3A_868 = arith.constant 0 : index
      %get3A_869 = tpu.vector_load %arg11[%get3A_867, %get3A_868] {strides = array<i32>} : memref<256x128xf32, #tpu.memory_space<vmem>>, vector<16xf32>,
      %get3A_870 = arith.index_cast %add3A_864 : i32 to index
      %get3A_871 = arith.constant 0 : index
      %get3A_872 = tpu.vector_load %arg12[%get3A_870, %get3A_871] {strides = array<i32>} : memref<256x64xf32, #tpu.memory_space<vmem>>, vector<16xf32>,
      %add3A_873 = arith.addf %get3A_869, %get3A_872 : vector<16xf32>
      %get3A_874 = arith.index_cast %add3A_864 : i32 to index
      %get3A_875 = arith.constant 0 : index
      %get3A_876 = tpu.vector_load %arg13[%get3A_874, %get3A_875] {strides = array<i32>} : memref<256x128xf32, #tpu.memory_space<vmem>>, vector<16xf32>,
      %sub3A_877 = arith.subf %add3A_873, %get3A_876 : vector<16xf32>
      %mul3A_878 = arith.mulf %sub3A_877, %sub3A_877 : vector<16xf32>
      %add3A_879 = arith.addf %broadcast_in_dim3A_866, %mul3A_878 : vector<16xf32>
      %get3A_880 = arith.index_cast %add3A_864 : i32 to index
      %get3A_881 = arith.constant 16 : index
      %get3A_882 = tpu.vector_load %arg11[%get3A_880, %get3A_881] {strides = array<i32>} : memref<256x128xf32, #tpu.memory_space<vmem>>, vector<16xf32>,
      %get3A_883 = arith.index_cast %add3A_864 : i32 to index
      %get3A_884 = arith.constant 16 : index
      %get3A_885 = tpu.vector_load %arg12[%get3A_883, %get3A_884] {strides = array<i32>} : memref<256x64xf32, #tpu.memory_space<vmem>>, vector<16xf32>,
      %add3A_886 = arith.addf %get3A_882, %get3A_885 : vector<16xf32>
      %get3A_887 = arith.index_cast %add3A_864 : i32 to index
      %get3A_888 = arith.constant 16 : index
      %get3A_889 = tpu.vector_load %arg13[%get3A_887, %get3A_888] {strides = array<i32>} : memref<256x128xf32, #tpu.memory_space<vmem>>, vector<16xf32>,
      %sub3A_890 = arith.subf %add3A_886, %get3A_889 : vector<16xf32>
      %mul3A_891 = arith.mulf %sub3A_890, %sub3A_890 : vector<16xf32>
      %add3A_892 = arith.addf %add3A_879, %mul3A_891 : vector<16xf32>
      %get3A_893 = arith.index_cast %add3A_864 : i32 to index
      %get3A_894 = arith.constant 32 : index
      %get3A_895 = tpu.vector_load %arg11[%get3A_893, %get3A_894] {strides = array<i32>} : memref<256x128xf32, #tpu.memory_space<vmem>>, vector<16xf32>,
      %get3A_896 = arith.index_cast %add3A_864 : i32 to index
      %get3A_897 = arith.constant 32 : index
      %get3A_898 = tpu.vector_load %arg12[%get3A_896, %get3A_897] {strides = array<i32>} : memref<256x64xf32, #tpu.memory_space<vmem>>, vector<16xf32>,
      %add3A_899 = arith.addf %get3A_895, %get3A_898 : vector<16xf32>
      %get3A_900 = arith.index_cast %add3A_864 : i32 to index
      %get3A_901 = arith.constant 32 : index
      %get3A_902 = tpu.vector_load %arg13[%get3A_900, %get3A_901] {strides = array<i32>} : memref<256x128xf32, #tpu.memory_space<vmem>>, vector<16xf32>,
      %sub3A_903 = arith.subf %add3A_899, %get3A_902 : vector<16xf32>
      %mul3A_904 = arith.mulf %sub3A_903, %sub3A_903 : vector<16xf32>
      %add3A_905 = arith.addf %add3A_892, %mul3A_904 : vector<16xf32>
      %get3A_906 = arith.index_cast %add3A_864 : i32 to index
      %get3A_907 = arith.constant 48 : index
      %get3A_908 = tpu.vector_load %arg11[%get3A_906, %get3A_907] {strides = array<i32>} : memref<256x128xf32, #tpu.memory_space<vmem>>, vector<16xf32>,
      %get3A_909 = arith.index_cast %add3A_864 : i32 to index
      %get3A_910 = arith.constant 48 : index
      %get3A_911 = tpu.vector_load %arg12[%get3A_909, %get3A_910] {strides = array<i32>} : memref<256x64xf32, #tpu.memory_space<vmem>>, vector<16xf32>,
      %add3A_912 = arith.addf %get3A_908, %get3A_911 : vector<16xf32>
      %get3A_913 = arith.index_cast %add3A_864 : i32 to index
      %get3A_914 = arith.constant 48 : index
      %get3A_915 = tpu.vector_load %arg13[%get3A_913, %get3A_914] {strides = array<i32>} : memref<256x128xf32, #tpu.memory_space<vmem>>, vector<16xf32>,
      %sub3A_916 = arith.subf %add3A_912, %get3A_915 : vector<16xf32>
      %mul3A_917 = arith.mulf %sub3A_916, %sub3A_916 : vector<16xf32>
      %add3A_918 = arith.addf %add3A_905, %mul3A_917 : vector<16xf32>
      %swap3A_919 = arith.constant 11 : i32
      %swap3A_920 = arith.index_cast %swap3A_919 : i32 to index
      %swap3A_921 = arith.constant 0 : index
      %swap3A_922 = tpu.vector_load %arg14[%swap3A_920, %swap3A_921] {strides = array<i32>} : memref<16x17xf32, #tpu.memory_space<vmem>>, vector<16xf32>,
      tpu.vector_store %arg14[%swap3A_920, %swap3A_921], %add3A_918 {strides = array<i32>} : memref<16x17xf32, #tpu.memory_space<vmem>>, vector<16xf32>,
      %add3A_923 = arith.constant 12 : i32
      %add3A_924 = arith.addi %mul3A_206, %add3A_923 : i32
      %broadcast_in_dim3A_925 = arith.constant 0.000000e+00 : f32
      %broadcast_in_dim3A_926 = vector.broadcast %broadcast_in_dim3A_925 : f32 to vector<16xf32>
      %get3A_927 = arith.index_cast %add3A_924 : i32 to index
      %get3A_928 = arith.constant 0 : index
      %get3A_929 = tpu.vector_load %arg11[%get3A_927, %get3A_928] {strides = array<i32>} : memref<256x128xf32, #tpu.memory_space<vmem>>, vector<16xf32>,
      %get3A_930 = arith.index_cast %add3A_924 : i32 to index
      %get3A_931 = arith.constant 0 : index
      %get3A_932 = tpu.vector_load %arg12[%get3A_930, %get3A_931] {strides = array<i32>} : memref<256x64xf32, #tpu.memory_space<vmem>>, vector<16xf32>,
      %add3A_933 = arith.addf %get3A_929, %get3A_932 : vector<16xf32>
      %get3A_934 = arith.index_cast %add3A_924 : i32 to index
      %get3A_935 = arith.constant 0 : index
      %get3A_936 = tpu.vector_load %arg13[%get3A_934, %get3A_935] {strides = array<i32>} : memref<256x128xf32, #tpu.memory_space<vmem>>, vector<16xf32>,
      %sub3A_937 = arith.subf %add3A_933, %get3A_936 : vector<16xf32>
      %mul3A_938 = arith.mulf %sub3A_937, %sub3A_937 : vector<16xf32>
      %add3A_939 = arith.addf %broadcast_in_dim3A_926, %mul3A_938 : vector<16xf32>
      %get3A_940 = arith.index_cast %add3A_924 : i32 to index
      %get3A_941 = arith.constant 16 : index
      %get3A_942 = tpu.vector_load %arg11[%get3A_940, %get3A_941] {strides = array<i32>} : memref<256x128xf32, #tpu.memory_space<vmem>>, vector<16xf32>,
      %get3A_943 = arith.index_cast %add3A_924 : i32 to index
      %get3A_944 = arith.constant 16 : index
      %get3A_945 = tpu.vector_load %arg12[%get3A_943, %get3A_944] {strides = array<i32>} : memref<256x64xf32, #tpu.memory_space<vmem>>, vector<16xf32>,
      %add3A_946 = arith.addf %get3A_942, %get3A_945 : vector<16xf32>
      %get3A_947 = arith.index_cast %add3A_924 : i32 to index
      %get3A_948 = arith.constant 16 : index
      %get3A_949 = tpu.vector_load %arg13[%get3A_947, %get3A_948] {strides = array<i32>} : memref<256x128xf32, #tpu.memory_space<vmem>>, vector<16xf32>,
      %sub3A_950 = arith.subf %add3A_946, %get3A_949 : vector<16xf32>
      %mul3A_951 = arith.mulf %sub3A_950, %sub3A_950 : vector<16xf32>
      %add3A_952 = arith.addf %add3A_939, %mul3A_951 : vector<16xf32>
      %get3A_953 = arith.index_cast %add3A_924 : i32 to index
      %get3A_954 = arith.constant 32 : index
      %get3A_955 = tpu.vector_load %arg11[%get3A_953, %get3A_954] {strides = array<i32>} : memref<256x128xf32, #tpu.memory_space<vmem>>, vector<16xf32>,
      %get3A_956 = arith.index_cast %add3A_924 : i32 to index
      %get3A_957 = arith.constant 32 : index
      %get3A_958 = tpu.vector_load %arg12[%get3A_956, %get3A_957] {strides = array<i32>} : memref<256x64xf32, #tpu.memory_space<vmem>>, vector<16xf32>,
      %add3A_959 = arith.addf %get3A_955, %get3A_958 : vector<16xf32>
      %get3A_960 = arith.index_cast %add3A_924 : i32 to index
      %get3A_961 = arith.constant 32 : index
      %get3A_962 = tpu.vector_load %arg13[%get3A_960, %get3A_961] {strides = array<i32>} : memref<256x128xf32, #tpu.memory_space<vmem>>, vector<16xf32>,
      %sub3A_963 = arith.subf %add3A_959, %get3A_962 : vector<16xf32>
      %mul3A_964 = arith.mulf %sub3A_963, %sub3A_963 : vector<16xf32>
      %add3A_965 = arith.addf %add3A_952, %mul3A_964 : vector<16xf32>
      %get3A_966 = arith.index_cast %add3A_924 : i32 to index
      %get3A_967 = arith.constant 48 : index
      %get3A_968 = tpu.vector_load %arg11[%get3A_966, %get3A_967] {strides = array<i32>} : memref<256x128xf32, #tpu.memory_space<vmem>>, vector<16xf32>,
      %get3A_969 = arith.index_cast %add3A_924 : i32 to index
      %get3A_970 = arith.constant 48 : index
      %get3A_971 = tpu.vector_load %arg12[%get3A_969, %get3A_970] {strides = array<i32>} : memref<256x64xf32, #tpu.memory_space<vmem>>, vector<16xf32>,
      %add3A_972 = arith.addf %get3A_968, %get3A_971 : vector<16xf32>
      %get3A_973 = arith.index_cast %add3A_924 : i32 to index
      %get3A_974 = arith.constant 48 : index
      %get3A_975 = tpu.vector_load %arg13[%get3A_973, %get3A_974] {strides = array<i32>} : memref<256x128xf32, #tpu.memory_space<vmem>>, vector<16xf32>,
      %sub3A_976 = arith.subf %add3A_972, %get3A_975 : vector<16xf32>
      %mul3A_977 = arith.mulf %sub3A_976, %sub3A_976 : vector<16xf32>
      %add3A_978 = arith.addf %add3A_965, %mul3A_977 : vector<16xf32>
      %swap3A_979 = arith.constant 12 : i32
      %swap3A_980 = arith.index_cast %swap3A_979 : i32 to index
      %swap3A_981 = arith.constant 0 : index
      %swap3A_982 = tpu.vector_load %arg14[%swap3A_980, %swap3A_981] {strides = array<i32>} : memref<16x17xf32, #tpu.memory_space<vmem>>, vector<16xf32>,
      tpu.vector_store %arg14[%swap3A_980, %swap3A_981], %add3A_978 {strides = array<i32>} : memref<16x17xf32, #tpu.memory_space<vmem>>, vector<16xf32>,
      %add3A_983 = arith.constant 13 : i32
      %add3A_984 = arith.addi %mul3A_206, %add3A_983 : i32
      %broadcast_in_dim3A_985 = arith.constant 0.000000e+00 : f32
      %broadcast_in_dim3A_986 = vector.broadcast %broadcast_in_dim3A_985 : f32 to vector<16xf32>
      %get3A_987 = arith.index_cast %add3A_984 : i32 to index
      %get3A_988 = arith.constant 0 : index
      %get3A_989 = tpu.vector_load %arg11[%get3A_987, %get3A_988] {strides = array<i32>} : memref<256x128xf32, #tpu.memory_space<vmem>>, vector<16xf32>,
      %get3A_990 = arith.index_cast %add3A_984 : i32 to index
      %get3A_991 = arith.constant 0 : index
      %get3A_992 = tpu.vector_load %arg12[%get3A_990, %get3A_991] {strides = array<i32>} : memref<256x64xf32, #tpu.memory_space<vmem>>, vector<16xf32>,
      %add3A_993 = arith.addf %get3A_989, %get3A_992 : vector<16xf32>
      %get3A_994 = arith.index_cast %add3A_984 : i32 to index
      %get3A_995 = arith.constant 0 : index
      %get3A_996 = tpu.vector_load %arg13[%get3A_994, %get3A_995] {strides = array<i32>} : memref<256x128xf32, #tpu.memory_space<vmem>>, vector<16xf32>,
      %sub3A_997 = arith.subf %add3A_993, %get3A_996 : vector<16xf32>
      %mul3A_998 = arith.mulf %sub3A_997, %sub3A_997 : vector<16xf32>
      %add3A_999 = arith.addf %broadcast_in_dim3A_986, %mul3A_998 : vector<16xf32>
      %get3A_1000 = arith.index_cast %add3A_984 : i32 to index
      %get3A_1001 = arith.constant 16 : index
      %get3A_1002 = tpu.vector_load %arg11[%get3A_1000, %get3A_1001] {strides = array<i32>} : memref<256x128xf32, #tpu.memory_space<vmem>>, vector<16xf32>,
      %get3A_1003 = arith.index_cast %add3A_984 : i32 to index
      %get3A_1004 = arith.constant 16 : index
      %get3A_1005 = tpu.vector_load %arg12[%get3A_1003, %get3A_1004] {strides = array<i32>} : memref<256x64xf32, #tpu.memory_space<vmem>>, vector<16xf32>,
      %add3A_1006 = arith.addf %get3A_1002, %get3A_1005 : vector<16xf32>
      %get3A_1007 = arith.index_cast %add3A_984 : i32 to index
      %get3A_1008 = arith.constant 16 : index
      %get3A_1009 = tpu.vector_load %arg13[%get3A_1007, %get3A_1008] {strides = array<i32>} : memref<256x128xf32, #tpu.memory_space<vmem>>, vector<16xf32>,
      %sub3A_1010 = arith.subf %add3A_1006, %get3A_1009 : vector<16xf32>
      %mul3A_1011 = arith.mulf %sub3A_1010, %sub3A_1010 : vector<16xf32>
      %add3A_1012 = arith.addf %add3A_999, %mul3A_1011 : vector<16xf32>
      %get3A_1013 = arith.index_cast %add3A_984 : i32 to index
      %get3A_1014 = arith.constant 32 : index
      %get3A_1015 = tpu.vector_load %arg11[%get3A_1013, %get3A_1014] {strides = array<i32>} : memref<256x128xf32, #tpu.memory_space<vmem>>, vector<16xf32>,
      %get3A_1016 = arith.index_cast %add3A_984 : i32 to index
      %get3A_1017 = arith.constant 32 : index
      %get3A_1018 = tpu.vector_load %arg12[%get3A_1016, %get3A_1017] {strides = array<i32>} : memref<256x64xf32, #tpu.memory_space<vmem>>, vector<16xf32>,
      %add3A_1019 = arith.addf %get3A_1015, %get3A_1018 : vector<16xf32>
      %get3A_1020 = arith.index_cast %add3A_984 : i32 to index
      %get3A_1021 = arith.constant 32 : index
      %get3A_1022 = tpu.vector_load %arg13[%get3A_1020, %get3A_1021] {strides = array<i32>} : memref<256x128xf32, #tpu.memory_space<vmem>>, vector<16xf32>,
      %sub3A_1023 = arith.subf %add3A_1019, %get3A_1022 : vector<16xf32>
      %mul3A_1024 = arith.mulf %sub3A_1023, %sub3A_1023 : vector<16xf32>
      %add3A_1025 = arith.addf %add3A_1012, %mul3A_1024 : vector<16xf32>
      %get3A_1026 = arith.index_cast %add3A_984 : i32 to index
      %get3A_1027 = arith.constant 48 : index
      %get3A_1028 = tpu.vector_load %arg11[%get3A_1026, %get3A_1027] {strides = array<i32>} : memref<256x128xf32, #tpu.memory_space<vmem>>, vector<16xf32>,
      %get3A_1029 = arith.index_cast %add3A_984 : i32 to index
      %get3A_1030 = arith.constant 48 : index
      %get3A_1031 = tpu.vector_load %arg12[%get3A_1029, %get3A_1030] {strides = array<i32>} : memref<256x64xf32, #tpu.memory_space<vmem>>, vector<16xf32>,
      %add3A_1032 = arith.addf %get3A_1028, %get3A_1031 : vector<16xf32>
      %get3A_1033 = arith.index_cast %add3A_984 : i32 to index
      %get3A_1034 = arith.constant 48 : index
      %get3A_1035 = tpu.vector_load %arg13[%get3A_1033, %get3A_1034] {strides = array<i32>} : memref<256x128xf32, #tpu.memory_space<vmem>>, vector<16xf32>,
      %sub3A_1036 = arith.subf %add3A_1032, %get3A_1035 : vector<16xf32>
      %mul3A_1037 = arith.mulf %sub3A_1036, %sub3A_1036 : vector<16xf32>
      %add3A_1038 = arith.addf %add3A_1025, %mul3A_1037 : vector<16xf32>
      %swap3A_1039 = arith.constant 13 : i32
      %swap3A_1040 = arith.index_cast %swap3A_1039 : i32 to index
      %swap3A_1041 = arith.constant 0 : index
      %swap3A_1042 = tpu.vector_load %arg14[%swap3A_1040, %swap3A_1041] {strides = array<i32>} : memref<16x17xf32, #tpu.memory_space<vmem>>, vector<16xf32>,
      tpu.vector_store %arg14[%swap3A_1040, %swap3A_1041], %add3A_1038 {strides = array<i32>} : memref<16x17xf32, #tpu.memory_space<vmem>>, vector<16xf32>,
      %add3A_1043 = arith.constant 14 : i32
      %add3A_1044 = arith.addi %mul3A_206, %add3A_1043 : i32
      %broadcast_in_dim3A_1045 = arith.constant 0.000000e+00 : f32
      %broadcast_in_dim3A_1046 = vector.broadcast %broadcast_in_dim3A_1045 : f32 to vector<16xf32>
      %get3A_1047 = arith.index_cast %add3A_1044 : i32 to index
      %get3A_1048 = arith.constant 0 : index
      %get3A_1049 = tpu.vector_load %arg11[%get3A_1047, %get3A_1048] {strides = array<i32>} : memref<256x128xf32, #tpu.memory_space<vmem>>, vector<16xf32>,
      %get3A_1050 = arith.index_cast %add3A_1044 : i32 to index
      %get3A_1051 = arith.constant 0 : index
      %get3A_1052 = tpu.vector_load %arg12[%get3A_1050, %get3A_1051] {strides = array<i32>} : memref<256x64xf32, #tpu.memory_space<vmem>>, vector<16xf32>,
      %add3A_1053 = arith.addf %get3A_1049, %get3A_1052 : vector<16xf32>
      %get3A_1054 = arith.index_cast %add3A_1044 : i32 to index
      %get3A_1055 = arith.constant 0 : index
      %get3A_1056 = tpu.vector_load %arg13[%get3A_1054, %get3A_1055] {strides = array<i32>} : memref<256x128xf32, #tpu.memory_space<vmem>>, vector<16xf32>,
      %sub3A_1057 = arith.subf %add3A_1053, %get3A_1056 : vector<16xf32>
      %mul3A_1058 = arith.mulf %sub3A_1057, %sub3A_1057 : vector<16xf32>
      %add3A_1059 = arith.addf %broadcast_in_dim3A_1046, %mul3A_1058 : vector<16xf32>
      %get3A_1060 = arith.index_cast %add3A_1044 : i32 to index
      %get3A_1061 = arith.constant 16 : index
      %get3A_1062 = tpu.vector_load %arg11[%get3A_1060, %get3A_1061] {strides = array<i32>} : memref<256x128xf32, #tpu.memory_space<vmem>>, vector<16xf32>,
      %get3A_1063 = arith.index_cast %add3A_1044 : i32 to index
      %get3A_1064 = arith.constant 16 : index
      %get3A_1065 = tpu.vector_load %arg12[%get3A_1063, %get3A_1064] {strides = array<i32>} : memref<256x64xf32, #tpu.memory_space<vmem>>, vector<16xf32>,
      %add3A_1066 = arith.addf %get3A_1062, %get3A_1065 : vector<16xf32>
      %get3A_1067 = arith.index_cast %add3A_1044 : i32 to index
      %get3A_1068 = arith.constant 16 : index
      %get3A_1069 = tpu.vector_load %arg13[%get3A_1067, %get3A_1068] {strides = array<i32>} : memref<256x128xf32, #tpu.memory_space<vmem>>, vector<16xf32>,
      %sub3A_1070 = arith.subf %add3A_1066, %get3A_1069 : vector<16xf32>
      %mul3A_1071 = arith.mulf %sub3A_1070, %sub3A_1070 : vector<16xf32>
      %add3A_1072 = arith.addf %add3A_1059, %mul3A_1071 : vector<16xf32>
      %get3A_1073 = arith.index_cast %add3A_1044 : i32 to index
      %get3A_1074 = arith.constant 32 : index
      %get3A_1075 = tpu.vector_load %arg11[%get3A_1073, %get3A_1074] {strides = array<i32>} : memref<256x128xf32, #tpu.memory_space<vmem>>, vector<16xf32>,
      %get3A_1076 = arith.index_cast %add3A_1044 : i32 to index
      %get3A_1077 = arith.constant 32 : index
      %get3A_1078 = tpu.vector_load %arg12[%get3A_1076, %get3A_1077] {strides = array<i32>} : memref<256x64xf32, #tpu.memory_space<vmem>>, vector<16xf32>,
      %add3A_1079 = arith.addf %get3A_1075, %get3A_1078 : vector<16xf32>
      %get3A_1080 = arith.index_cast %add3A_1044 : i32 to index
      %get3A_1081 = arith.constant 32 : index
      %get3A_1082 = tpu.vector_load %arg13[%get3A_1080, %get3A_1081] {strides = array<i32>} : memref<256x128xf32, #tpu.memory_space<vmem>>, vector<16xf32>,
      %sub3A_1083 = arith.subf %add3A_1079, %get3A_1082 : vector<16xf32>
      %mul3A_1084 = arith.mulf %sub3A_1083, %sub3A_1083 : vector<16xf32>
      %add3A_1085 = arith.addf %add3A_1072, %mul3A_1084 : vector<16xf32>
      %get3A_1086 = arith.index_cast %add3A_1044 : i32 to index
      %get3A_1087 = arith.constant 48 : index
      %get3A_1088 = tpu.vector_load %arg11[%get3A_1086, %get3A_1087] {strides = array<i32>} : memref<256x128xf32, #tpu.memory_space<vmem>>, vector<16xf32>,
      %get3A_1089 = arith.index_cast %add3A_1044 : i32 to index
      %get3A_1090 = arith.constant 48 : index
      %get3A_1091 = tpu.vector_load %arg12[%get3A_1089, %get3A_1090] {strides = array<i32>} : memref<256x64xf32, #tpu.memory_space<vmem>>, vector<16xf32>,
      %add3A_1092 = arith.addf %get3A_1088, %get3A_1091 : vector<16xf32>
      %get3A_1093 = arith.index_cast %add3A_1044 : i32 to index
      %get3A_1094 = arith.constant 48 : index
      %get3A_1095 = tpu.vector_load %arg13[%get3A_1093, %get3A_1094] {strides = array<i32>} : memref<256x128xf32, #tpu.memory_space<vmem>>, vector<16xf32>,
      %sub3A_1096 = arith.subf %add3A_1092, %get3A_1095 : vector<16xf32>
      %mul3A_1097 = arith.mulf %sub3A_1096, %sub3A_1096 : vector<16xf32>
      %add3A_1098 = arith.addf %add3A_1085, %mul3A_1097 : vector<16xf32>
      %swap3A_1099 = arith.constant 14 : i32
      %swap3A_1100 = arith.index_cast %swap3A_1099 : i32 to index
      %swap3A_1101 = arith.constant 0 : index
      %swap3A_1102 = tpu.vector_load %arg14[%swap3A_1100, %swap3A_1101] {strides = array<i32>} : memref<16x17xf32, #tpu.memory_space<vmem>>, vector<16xf32>,
      tpu.vector_store %arg14[%swap3A_1100, %swap3A_1101], %add3A_1098 {strides = array<i32>} : memref<16x17xf32, #tpu.memory_space<vmem>>, vector<16xf32>,
      %add3A_1103 = arith.constant 15 : i32
      %add3A_1104 = arith.addi %mul3A_206, %add3A_1103 : i32
      %broadcast_in_dim3A_1105 = arith.constant 0.000000e+00 : f32
      %broadcast_in_dim3A_1106 = vector.broadcast %broadcast_in_dim3A_1105 : f32 to vector<16xf32>
      %get3A_1107 = arith.index_cast %add3A_1104 : i32 to index
      %get3A_1108 = arith.constant 0 : index
      %get3A_1109 = tpu.vector_load %arg11[%get3A_1107, %get3A_1108] {strides = array<i32>} : memref<256x128xf32, #tpu.memory_space<vmem>>, vector<16xf32>,
      %get3A_1110 = arith.index_cast %add3A_1104 : i32 to index
      %get3A_1111 = arith.constant 0 : index
      %get3A_1112 = tpu.vector_load %arg12[%get3A_1110, %get3A_1111] {strides = array<i32>} : memref<256x64xf32, #tpu.memory_space<vmem>>, vector<16xf32>,
      %add3A_1113 = arith.addf %get3A_1109, %get3A_1112 : vector<16xf32>
      %get3A_1114 = arith.index_cast %add3A_1104 : i32 to index
      %get3A_1115 = arith.constant 0 : index
      %get3A_1116 = tpu.vector_load %arg13[%get3A_1114, %get3A_1115] {strides = array<i32>} : memref<256x128xf32, #tpu.memory_space<vmem>>, vector<16xf32>,
      %sub3A_1117 = arith.subf %add3A_1113, %get3A_1116 : vector<16xf32>
      %mul3A_1118 = arith.mulf %sub3A_1117, %sub3A_1117 : vector<16xf32>
      %add3A_1119 = arith.addf %broadcast_in_dim3A_1106, %mul3A_1118 : vector<16xf32>
      %get3A_1120 = arith.index_cast %add3A_1104 : i32 to index
      %get3A_1121 = arith.constant 16 : index
      %get3A_1122 = tpu.vector_load %arg11[%get3A_1120, %get3A_1121] {strides = array<i32>} : memref<256x128xf32, #tpu.memory_space<vmem>>, vector<16xf32>,
      %get3A_1123 = arith.index_cast %add3A_1104 : i32 to index
      %get3A_1124 = arith.constant 16 : index
      %get3A_1125 = tpu.vector_load %arg12[%get3A_1123, %get3A_1124] {strides = array<i32>} : memref<256x64xf32, #tpu.memory_space<vmem>>, vector<16xf32>,
      %add3A_1126 = arith.addf %get3A_1122, %get3A_1125 : vector<16xf32>
      %get3A_1127 = arith.index_cast %add3A_1104 : i32 to index
      %get3A_1128 = arith.constant 16 : index
      %get3A_1129 = tpu.vector_load %arg13[%get3A_1127, %get3A_1128] {strides = array<i32>} : memref<256x128xf32, #tpu.memory_space<vmem>>, vector<16xf32>,
      %sub3A_1130 = arith.subf %add3A_1126, %get3A_1129 : vector<16xf32>
      %mul3A_1131 = arith.mulf %sub3A_1130, %sub3A_1130 : vector<16xf32>
      %add3A_1132 = arith.addf %add3A_1119, %mul3A_1131 : vector<16xf32>
      %get3A_1133 = arith.index_cast %add3A_1104 : i32 to index
      %get3A_1134 = arith.constant 32 : index
      %get3A_1135 = tpu.vector_load %arg11[%get3A_1133, %get3A_1134] {strides = array<i32>} : memref<256x128xf32, #tpu.memory_space<vmem>>, vector<16xf32>,
      %get3A_1136 = arith.index_cast %add3A_1104 : i32 to index
      %get3A_1137 = arith.constant 32 : index
      %get3A_1138 = tpu.vector_load %arg12[%get3A_1136, %get3A_1137] {strides = array<i32>} : memref<256x64xf32, #tpu.memory_space<vmem>>, vector<16xf32>,
      %add3A_1139 = arith.addf %get3A_1135, %get3A_1138 : vector<16xf32>
      %get3A_1140 = arith.index_cast %add3A_1104 : i32 to index
      %get3A_1141 = arith.constant 32 : index
      %get3A_1142 = tpu.vector_load %arg13[%get3A_1140, %get3A_1141] {strides = array<i32>} : memref<256x128xf32, #tpu.memory_space<vmem>>, vector<16xf32>,
      %sub3A_1143 = arith.subf %add3A_1139, %get3A_1142 : vector<16xf32>
      %mul3A_1144 = arith.mulf %sub3A_1143, %sub3A_1143 : vector<16xf32>
      %add3A_1145 = arith.addf %add3A_1132, %mul3A_1144 : vector<16xf32>
      %get3A_1146 = arith.index_cast %add3A_1104 : i32 to index
      %get3A_1147 = arith.constant 48 : index
      %get3A_1148 = tpu.vector_load %arg11[%get3A_1146, %get3A_1147] {strides = array<i32>} : memref<256x128xf32, #tpu.memory_space<vmem>>, vector<16xf32>,
      %get3A_1149 = arith.index_cast %add3A_1104 : i32 to index
      %get3A_1150 = arith.constant 48 : index
      %get3A_1151 = tpu.vector_load %arg12[%get3A_1149, %get3A_1150] {strides = array<i32>} : memref<256x64xf32, #tpu.memory_space<vmem>>, vector<16xf32>,
      %add3A_1152 = arith.addf %get3A_1148, %get3A_1151 : vector<16xf32>
      %get3A_1153 = arith.index_cast %add3A_1104 : i32 to index
      %get3A_1154 = arith.constant 48 : index
      %get3A_1155 = tpu.vector_load %arg13[%get3A_1153, %get3A_1154] {strides = array<i32>} : memref<256x128xf32, #tpu.memory_space<vmem>>, vector<16xf32>,
      %sub3A_1156 = arith.subf %add3A_1152, %get3A_1155 : vector<16xf32>
      %mul3A_1157 = arith.mulf %sub3A_1156, %sub3A_1156 : vector<16xf32>
      %add3A_1158 = arith.addf %add3A_1145, %mul3A_1157 : vector<16xf32>
      %swap3A_1159 = arith.constant 15 : i32
      %swap3A_1160 = arith.index_cast %swap3A_1159 : i32 to index
      %swap3A_1161 = arith.constant 0 : index
      %swap3A_1162 = tpu.vector_load %arg14[%swap3A_1160, %swap3A_1161] {strides = array<i32>} : memref<16x17xf32, #tpu.memory_space<vmem>>, vector<16xf32>,
      tpu.vector_store %arg14[%swap3A_1160, %swap3A_1161], %add3A_1158 {strides = array<i32>} : memref<16x17xf32, #tpu.memory_space<vmem>>, vector<16xf32>,
      %broadcast_in_dim3A_1163 = arith.constant 0.000000e+00 : f32
      %broadcast_in_dim3A_1164 = vector.broadcast %broadcast_in_dim3A_1163 : f32 to vector<16xf32>
      %broadcast_in_dim3A_1165 = arith.constant 0 : i32
      %broadcast_in_dim3A_1166 = vector.broadcast %broadcast_in_dim3A_1165 : i32 to vector<16xi32>
      %gather3A = tpu.vector_load_idx %arg14[%iota3A, %broadcast_in_dim3A_1166] : memref<16x17xf32, #tpu.memory_space<vmem>>[vector<16xi32>, vector<16xi32>], vector<16xf32>,
      %add3A_1167 = arith.addf %broadcast_in_dim3A_1164, %gather3A : vector<16xf32>
      %broadcast_in_dim3A_1168 = arith.constant 1 : i32
      %broadcast_in_dim3A_1169 = vector.broadcast %broadcast_in_dim3A_1168 : i32 to vector<16xi32>
      %gather3A_1170 = tpu.vector_load_idx %arg14[%iota3A, %broadcast_in_dim3A_1169] : memref<16x17xf32, #tpu.memory_space<vmem>>[vector<16xi32>, vector<16xi32>], vector<16xf32>,
      %add3A_1171 = arith.addf %add3A_1167, %gather3A_1170 : vector<16xf32>
      %broadcast_in_dim3A_1172 = arith.constant 2 : i32
      %broadcast_in_dim3A_1173 = vector.broadcast %broadcast_in_dim3A_1172 : i32 to vector<16xi32>
      %gather3A_1174 = tpu.vector_load_idx %arg14[%iota3A, %broadcast_in_dim3A_1173] : memref<16x17xf32, #tpu.memory_space<vmem>>[vector<16xi32>, vector<16xi32>], vector<16xf32>,
      %add3A_1175 = arith.addf %add3A_1171, %gather3A_1174 : vector<16xf32>
      %broadcast_in_dim3A_1176 = arith.constant 3 : i32
      %broadcast_in_dim3A_1177 = vector.broadcast %broadcast_in_dim3A_1176 : i32 to vector<16xi32>
      %gather3A_1178 = tpu.vector_load_idx %arg14[%iota3A, %broadcast_in_dim3A_1177] : memref<16x17xf32, #tpu.memory_space<vmem>>[vector<16xi32>, vector<16xi32>], vector<16xf32>,
      %add3A_1179 = arith.addf %add3A_1175, %gather3A_1178 : vector<16xf32>
      %broadcast_in_dim3A_1180 = arith.constant 4 : i32
      %broadcast_in_dim3A_1181 = vector.broadcast %broadcast_in_dim3A_1180 : i32 to vector<16xi32>
      %gather3A_1182 = tpu.vector_load_idx %arg14[%iota3A, %broadcast_in_dim3A_1181] : memref<16x17xf32, #tpu.memory_space<vmem>>[vector<16xi32>, vector<16xi32>], vector<16xf32>,
      %add3A_1183 = arith.addf %add3A_1179, %gather3A_1182 : vector<16xf32>
      %broadcast_in_dim3A_1184 = arith.constant 5 : i32
      %broadcast_in_dim3A_1185 = vector.broadcast %broadcast_in_dim3A_1184 : i32 to vector<16xi32>
      %gather3A_1186 = tpu.vector_load_idx %arg14[%iota3A, %broadcast_in_dim3A_1185] : memref<16x17xf32, #tpu.memory_space<vmem>>[vector<16xi32>, vector<16xi32>], vector<16xf32>,
      %add3A_1187 = arith.addf %add3A_1183, %gather3A_1186 : vector<16xf32>
      %broadcast_in_dim3A_1188 = arith.constant 6 : i32
      %broadcast_in_dim3A_1189 = vector.broadcast %broadcast_in_dim3A_1188 : i32 to vector<16xi32>
      %gather3A_1190 = tpu.vector_load_idx %arg14[%iota3A, %broadcast_in_dim3A_1189] : memref<16x17xf32, #tpu.memory_space<vmem>>[vector<16xi32>, vector<16xi32>], vector<16xf32>,
      %add3A_1191 = arith.addf %add3A_1187, %gather3A_1190 : vector<16xf32>
      %broadcast_in_dim3A_1192 = arith.constant 7 : i32
      %broadcast_in_dim3A_1193 = vector.broadcast %broadcast_in_dim3A_1192 : i32 to vector<16xi32>
      %gather3A_1194 = tpu.vector_load_idx %arg14[%iota3A, %broadcast_in_dim3A_1193] : memref<16x17xf32, #tpu.memory_space<vmem>>[vector<16xi32>, vector<16xi32>], vector<16xf32>,
      %add3A_1195 = arith.addf %add3A_1191, %gather3A_1194 : vector<16xf32>
      %broadcast_in_dim3A_1196 = arith.constant 8 : i32
      %broadcast_in_dim3A_1197 = vector.broadcast %broadcast_in_dim3A_1196 : i32 to vector<16xi32>
      %gather3A_1198 = tpu.vector_load_idx %arg14[%iota3A, %broadcast_in_dim3A_1197] : memref<16x17xf32, #tpu.memory_space<vmem>>[vector<16xi32>, vector<16xi32>], vector<16xf32>,
      %add3A_1199 = arith.addf %add3A_1195, %gather3A_1198 : vector<16xf32>
      %broadcast_in_dim3A_1200 = arith.constant 9 : i32
      %broadcast_in_dim3A_1201 = vector.broadcast %broadcast_in_dim3A_1200 : i32 to vector<16xi32>
      %gather3A_1202 = tpu.vector_load_idx %arg14[%iota3A, %broadcast_in_dim3A_1201] : memref<16x17xf32, #tpu.memory_space<vmem>>[vector<16xi32>, vector<16xi32>], vector<16xf32>,
      %add3A_1203 = arith.addf %add3A_1199, %gather3A_1202 : vector<16xf32>
      %broadcast_in_dim3A_1204 = arith.constant 10 : i32
      %broadcast_in_dim3A_1205 = vector.broadcast %broadcast_in_dim3A_1204 : i32 to vector<16xi32>
      %gather3A_1206 = tpu.vector_load_idx %arg14[%iota3A, %broadcast_in_dim3A_1205] : memref<16x17xf32, #tpu.memory_space<vmem>>[vector<16xi32>, vector<16xi32>], vector<16xf32>,
      %add3A_1207 = arith.addf %add3A_1203, %gather3A_1206 : vector<16xf32>
      %broadcast_in_dim3A_1208 = arith.constant 11 : i32
      %broadcast_in_dim3A_1209 = vector.broadcast %broadcast_in_dim3A_1208 : i32 to vector<16xi32>
      %gather3A_1210 = tpu.vector_load_idx %arg14[%iota3A, %broadcast_in_dim3A_1209] : memref<16x17xf32, #tpu.memory_space<vmem>>[vector<16xi32>, vector<16xi32>], vector<16xf32>,
      %add3A_1211 = arith.addf %add3A_1207, %gather3A_1210 : vector<16xf32>
      %broadcast_in_dim3A_1212 = arith.constant 12 : i32
      %broadcast_in_dim3A_1213 = vector.broadcast %broadcast_in_dim3A_1212 : i32 to vector<16xi32>
      %gather3A_1214 = tpu.vector_load_idx %arg14[%iota3A, %broadcast_in_dim3A_1213] : memref<16x17xf32, #tpu.memory_space<vmem>>[vector<16xi32>, vector<16xi32>], vector<16xf32>,
      %add3A_1215 = arith.addf %add3A_1211, %gather3A_1214 : vector<16xf32>
      %broadcast_in_dim3A_1216 = arith.constant 13 : i32
      %broadcast_in_dim3A_1217 = vector.broadcast %broadcast_in_dim3A_1216 : i32 to vector<16xi32>
      %gather3A_1218 = tpu.vector_load_idx %arg14[%iota3A, %broadcast_in_dim3A_1217] : memref<16x17xf32, #tpu.memory_space<vmem>>[vector<16xi32>, vector<16xi32>], vector<16xf32>,
      %add3A_1219 = arith.addf %add3A_1215, %gather3A_1218 : vector<16xf32>
      %broadcast_in_dim3A_1220 = arith.constant 14 : i32
      %broadcast_in_dim3A_1221 = vector.broadcast %broadcast_in_dim3A_1220 : i32 to vector<16xi32>
      %gather3A_1222 = tpu.vector_load_idx %arg14[%iota3A, %broadcast_in_dim3A_1221] : memref<16x17xf32, #tpu.memory_space<vmem>>[vector<16xi32>, vector<16xi32>], vector<16xf32>,
      %add3A_1223 = arith.addf %add3A_1219, %gather3A_1222 : vector<16xf32>
      %broadcast_in_dim3A_1224 = arith.constant 15 : i32
      %broadcast_in_dim3A_1225 = vector.broadcast %broadcast_in_dim3A_1224 : i32 to vector<16xi32>
      %gather3A_1226 = tpu.vector_load_idx %arg14[%iota3A, %broadcast_in_dim3A_1225] : memref<16x17xf32, #tpu.memory_space<vmem>>[vector<16xi32>, vector<16xi32>], vector<16xf32>,
      %add3A_1227 = arith.addf %add3A_1223, %gather3A_1226 : vector<16xf32>
      %max3A = arith.constant 1.000000e-30 : f32
      %max3A_1228 = vector.broadcast %max3A : f32 to vector<16xf32>
      %max3A_1229 = arith.maximumf %add3A_1227, %max3A_1228 : vector<16xf32>
      %bitcast3A = vector.bitcast %max3A_1229 : vector<16xf32> to vector<16xi32>
      %shift_right_arithmetic3A = arith.constant 1 : i32
      %shift_right_arithmetic3A_1230 = vector.broadcast %shift_right_arithmetic3A : i32 to vector<16xi32>
      %shift_right_arithmetic3A_1231 = arith.shrsi %bitcast3A, %shift_right_arithmetic3A_1230 : vector<16xi32>
      %sub3A_1232 = arith.constant 1597463007 : i32
      %sub3A_1233 = vector.broadcast %sub3A_1232 : i32 to vector<16xi32>
      %sub3A_1234 = arith.subi %sub3A_1233, %shift_right_arithmetic3A_1231 : vector<16xi32>
      %bitcast3A_1235 = vector.bitcast %sub3A_1234 : vector<16xi32> to vector<16xf32>
      %mul3A_1236 = arith.constant 5.000000e-01 : f32
      %mul3A_1237 = vector.broadcast %mul3A_1236 : f32 to vector<16xf32>
      %mul3A_1238 = arith.mulf %mul3A_1237, %max3A_1229 : vector<16xf32>
      %mul3A_1239 = arith.mulf %mul3A_1238, %bitcast3A_1235 : vector<16xf32>
      %mul3A_1240 = arith.mulf %mul3A_1239, %bitcast3A_1235 : vector<16xf32>
      %sub3A_1241 = arith.constant 1.500000e+00 : f32
      %sub3A_1242 = vector.broadcast %sub3A_1241 : f32 to vector<16xf32>
      %sub3A_1243 = arith.subf %sub3A_1242, %mul3A_1240 : vector<16xf32>
      %mul3A_1244 = arith.mulf %bitcast3A_1235, %sub3A_1243 : vector<16xf32>
      %mul3A_1245 = arith.mulf %mul3A_1238, %mul3A_1244 : vector<16xf32>
      %mul3A_1246 = arith.mulf %mul3A_1245, %mul3A_1244 : vector<16xf32>
      %sub3A_1247 = arith.constant 1.500000e+00 : f32
      %sub3A_1248 = vector.broadcast %sub3A_1247 : f32 to vector<16xf32>
      %sub3A_1249 = arith.subf %sub3A_1248, %mul3A_1246 : vector<16xf32>
      %mul3A_1250 = arith.mulf %mul3A_1244, %sub3A_1249 : vector<16xf32>
      %mul3A_1251 = arith.mulf %mul3A_1238, %mul3A_1250 : vector<16xf32>
      %mul3A_1252 = arith.mulf %mul3A_1251, %mul3A_1250 : vector<16xf32>
      %sub3A_1253 = arith.constant 1.500000e+00 : f32
      %sub3A_1254 = vector.broadcast %sub3A_1253 : f32 to vector<16xf32>
      %sub3A_1255 = arith.subf %sub3A_1254, %mul3A_1252 : vector<16xf32>
      %mul3A_1256 = arith.mulf %mul3A_1250, %sub3A_1255 : vector<16xf32>
      %mul3A_1257 = arith.mulf %max3A_1229, %mul3A_1256 : vector<16xf32>
      %add3A_1258 = arith.constant 0 : i32
      %add3A_1259 = arith.addi %add3A_1258, %mul3A_206 : i32
      %swap3A_1260 = arith.index_cast %add3A_1259 : i32 to index
      %swap3A_1261 = tpu.vector_load %arg15[%swap3A_1260] {strides = array<i32>} : memref<512xf32, #tpu.memory_space<vmem>>, vector<16xf32>,
      tpu.vector_store %arg15[%swap3A_1260], %mul3A_1257 {strides = array<i32>} : memref<512xf32, #tpu.memory_space<vmem>>, vector<16xf32>,
    }
    %scan3A_101 = arith.constant 16 : i32
    %dma_start3A_102 = arith.constant 0 : i32
    %dma_start3A_103 = arith.constant 0 : i32
    %dma_start3A_104 = tpu.memref_slice %arg11[%dma_start3A_102, %dma_start3A_103] : memref<256x128xf32, #tpu.memory_space<vmem>> -> memref<128x128xf32, #tpu.memory_space<vmem>>
    %dma_start3A_105 = arith.constant 256 : i32
    %dma_start3A_106 = tpu.memref_slice %arg8[%dma_start3A_105] : memref<512xi32, #tpu.memory_space<vmem>> -> memref<128xi32, #tpu.memory_space<vmem>>
    %dma_start3A_107 = arith.constant 0 : i32
    %dma_start3A_108 = arith.constant 0 : i32
    %dma_start3A_109 = tpu.memref_slice %arg5[%dma_start3A_107, %dma_start3A_108] : memref<1000000x128xf32, #tpu.memory_space<hbm>> -> memref<1000000x128xf32, #tpu.memory_space<hbm>>
    tpu.enqueue_indirect_dma source(%dma_start3A_109 : memref<1000000x128xf32, #tpu.memory_space<hbm>>) target(%dma_start3A_104 : memref<128x128xf32, #tpu.memory_space<vmem>>) offsets(%dma_start3A_106 : memref<128xi32, #tpu.memory_space<vmem>>) semaphore(%arg16 : memref<!tpu.dma_semaphore, #tpu.memory_space<semaphore_mem>>)
    %dma_start3A_110 = arith.constant 0 : i32
    %dma_start3A_111 = arith.constant 0 : i32
    %dma_start3A_112 = tpu.memref_slice %arg12[%dma_start3A_110, %dma_start3A_111] : memref<256x64xf32, #tpu.memory_space<vmem>> -> memref<128x64xf32, #tpu.memory_space<vmem>>
    %dma_start3A_113 = arith.constant 256 : i32
    %dma_start3A_114 = tpu.memref_slice %arg9[%dma_start3A_113] : memref<512xi32, #tpu.memory_space<vmem>> -> memref<128xi32, #tpu.memory_space<vmem>>
    %dma_start3A_115 = arith.constant 0 : i32
    %dma_start3A_116 = arith.constant 0 : i32
    %dma_start3A_117 = tpu.memref_slice %arg6[%dma_start3A_115, %dma_start3A_116] : memref<1000x64xf32, #tpu.memory_space<hbm>> -> memref<1000x64xf32, #tpu.memory_space<hbm>>
    tpu.enqueue_indirect_dma source(%dma_start3A_117 : memref<1000x64xf32, #tpu.memory_space<hbm>>) target(%dma_start3A_112 : memref<128x64xf32, #tpu.memory_space<vmem>>) offsets(%dma_start3A_114 : memref<128xi32, #tpu.memory_space<vmem>>) semaphore(%arg17 : memref<!tpu.dma_semaphore, #tpu.memory_space<semaphore_mem>>)
    %dma_start3A_118 = arith.constant 0 : i32
    %dma_start3A_119 = arith.constant 0 : i32
    %dma_start3A_120 = tpu.memref_slice %arg13[%dma_start3A_118, %dma_start3A_119] : memref<256x128xf32, #tpu.memory_space<vmem>> -> memref<128x128xf32, #tpu.memory_space<vmem>>
    %dma_start3A_121 = arith.constant 256 : i32
    %dma_start3A_122 = tpu.memref_slice %arg10[%dma_start3A_121] : memref<512xi32, #tpu.memory_space<vmem>> -> memref<128xi32, #tpu.memory_space<vmem>>
    %dma_start3A_123 = arith.constant 0 : i32
    %dma_start3A_124 = arith.constant 0 : i32
    %dma_start3A_125 = tpu.memref_slice %arg5[%dma_start3A_123, %dma_start3A_124] : memref<1000000x128xf32, #tpu.memory_space<hbm>> -> memref<1000000x128xf32, #tpu.memory_space<hbm>>
    tpu.enqueue_indirect_dma source(%dma_start3A_125 : memref<1000000x128xf32, #tpu.memory_space<hbm>>) target(%dma_start3A_120 : memref<128x128xf32, #tpu.memory_space<vmem>>) offsets(%dma_start3A_122 : memref<128xi32, #tpu.memory_space<vmem>>) semaphore(%arg18 : memref<!tpu.dma_semaphore, #tpu.memory_space<semaphore_mem>>)
    %dma_start3A_126 = arith.constant 128 : i32
    %dma_start3A_127 = arith.constant 0 : i32
    %dma_start3A_128 = tpu.memref_slice %arg11[%dma_start3A_126, %dma_start3A_127] : memref<256x128xf32, #tpu.memory_space<vmem>> -> memref<128x128xf32, #tpu.memory_space<vmem>>
    %dma_start3A_129 = arith.constant 384 : i32
    %dma_start3A_130 = tpu.memref_slice %arg8[%dma_start3A_129] : memref<512xi32, #tpu.memory_space<vmem>> -> memref<128xi32, #tpu.memory_space<vmem>>
    %dma_start3A_131 = arith.constant 0 : i32
    %dma_start3A_132 = arith.constant 0 : i32
    %dma_start3A_133 = tpu.memref_slice %arg5[%dma_start3A_131, %dma_start3A_132] : memref<1000000x128xf32, #tpu.memory_space<hbm>> -> memref<1000000x128xf32, #tpu.memory_space<hbm>>
    tpu.enqueue_indirect_dma source(%dma_start3A_133 : memref<1000000x128xf32, #tpu.memory_space<hbm>>) target(%dma_start3A_128 : memref<128x128xf32, #tpu.memory_space<vmem>>) offsets(%dma_start3A_130 : memref<128xi32, #tpu.memory_space<vmem>>) semaphore(%arg16 : memref<!tpu.dma_semaphore, #tpu.memory_space<semaphore_mem>>)
    %dma_start3A_134 = arith.constant 128 : i32
    %dma_start3A_135 = arith.constant 0 : i32
    %dma_start3A_136 = tpu.memref_slice %arg12[%dma_start3A_134, %dma_start3A_135] : memref<256x64xf32, #tpu.memory_space<vmem>> -> memref<128x64xf32, #tpu.memory_space<vmem>>
    %dma_start3A_137 = arith.constant 384 : i32
    %dma_start3A_138 = tpu.memref_slice %arg9[%dma_start3A_137] : memref<512xi32, #tpu.memory_space<vmem>> -> memref<128xi32, #tpu.memory_space<vmem>>
    %dma_start3A_139 = arith.constant 0 : i32
    %dma_start3A_140 = arith.constant 0 : i32
    %dma_start3A_141 = tpu.memref_slice %arg6[%dma_start3A_139, %dma_start3A_140] : memref<1000x64xf32, #tpu.memory_space<hbm>> -> memref<1000x64xf32, #tpu.memory_space<hbm>>
    tpu.enqueue_indirect_dma source(%dma_start3A_141 : memref<1000x64xf32, #tpu.memory_space<hbm>>) target(%dma_start3A_136 : memref<128x64xf32, #tpu.memory_space<vmem>>) offsets(%dma_start3A_138 : memref<128xi32, #tpu.memory_space<vmem>>) semaphore(%arg17 : memref<!tpu.dma_semaphore, #tpu.memory_space<semaphore_mem>>)
    %dma_start3A_142 = arith.constant 128 : i32
    %dma_start3A_143 = arith.constant 0 : i32
    %dma_start3A_144 = tpu.memref_slice %arg13[%dma_start3A_142, %dma_start3A_143] : memref<256x128xf32, #tpu.memory_space<vmem>> -> memref<128x128xf32, #tpu.memory_space<vmem>>
    %dma_start3A_145 = arith.constant 384 : i32
    %dma_start3A_146 = tpu.memref_slice %arg10[%dma_start3A_145] : memref<512xi32, #tpu.memory_space<vmem>> -> memref<128xi32, #tpu.memory_space<vmem>>
    %dma_start3A_147 = arith.constant 0 : i32
    %dma_start3A_148 = arith.constant 0 : i32
    %dma_start3A_149 = tpu.memref_slice %arg5[%dma_start3A_147, %dma_start3A_148] : memref<1000000x128xf32, #tpu.memory_space<hbm>> -> memref<1000000x128xf32, #tpu.memory_space<hbm>>
    tpu.enqueue_indirect_dma source(%dma_start3A_149 : memref<1000000x128xf32, #tpu.memory_space<hbm>>) target(%dma_start3A_144 : memref<128x128xf32, #tpu.memory_space<vmem>>) offsets(%dma_start3A_146 : memref<128xi32, #tpu.memory_space<vmem>>) semaphore(%arg18 : memref<!tpu.dma_semaphore, #tpu.memory_space<semaphore_mem>>)
    %dma_wait3A_150 = arith.constant 0 : i32
    %dma_wait3A_151 = arith.constant 0 : i32
    %dma_wait3A_152 = tpu.memref_slice %arg11[%dma_wait3A_150, %dma_wait3A_151] : memref<256x128xf32, #tpu.memory_space<vmem>> -> memref<128x128xf32, #tpu.memory_space<vmem>>
    %dma_wait3A_153 = arith.constant 256 : i32
    %dma_wait3A_154 = tpu.memref_slice %arg8[%dma_wait3A_153] : memref<512xi32, #tpu.memory_space<vmem>> -> memref<128xi32, #tpu.memory_space<vmem>>
    %dma_wait3A_155 = arith.constant 0 : i32
    %dma_wait3A_156 = arith.constant 0 : i32
    %dma_wait3A_157 = tpu.memref_slice %arg5[%dma_wait3A_155, %dma_wait3A_156] : memref<1000000x128xf32, #tpu.memory_space<hbm>> -> memref<1000000x128xf32, #tpu.memory_space<hbm>>
    tpu.wait_indirect_dma semaphore(%arg16 : memref<!tpu.dma_semaphore, #tpu.memory_space<semaphore_mem>>) src(%dma_wait3A_157 : memref<1000000x128xf32, #tpu.memory_space<hbm>>) dst(%dma_wait3A_152 : memref<128x128xf32, #tpu.memory_space<vmem>>)
    %dma_wait3A_158 = arith.constant 0 : i32
    %dma_wait3A_159 = arith.constant 0 : i32
    %dma_wait3A_160 = tpu.memref_slice %arg12[%dma_wait3A_158, %dma_wait3A_159] : memref<256x64xf32, #tpu.memory_space<vmem>> -> memref<128x64xf32, #tpu.memory_space<vmem>>
    %dma_wait3A_161 = arith.constant 256 : i32
    %dma_wait3A_162 = tpu.memref_slice %arg9[%dma_wait3A_161] : memref<512xi32, #tpu.memory_space<vmem>> -> memref<128xi32, #tpu.memory_space<vmem>>
    %dma_wait3A_163 = arith.constant 0 : i32
    %dma_wait3A_164 = arith.constant 0 : i32
    %dma_wait3A_165 = tpu.memref_slice %arg6[%dma_wait3A_163, %dma_wait3A_164] : memref<1000x64xf32, #tpu.memory_space<hbm>> -> memref<1000x64xf32, #tpu.memory_space<hbm>>
    tpu.wait_indirect_dma semaphore(%arg17 : memref<!tpu.dma_semaphore, #tpu.memory_space<semaphore_mem>>) src(%dma_wait3A_165 : memref<1000x64xf32, #tpu.memory_space<hbm>>) dst(%dma_wait3A_160 : memref<128x64xf32, #tpu.memory_space<vmem>>)
    %dma_wait3A_166 = arith.constant 0 : i32
    %dma_wait3A_167 = arith.constant 0 : i32
    %dma_wait3A_168 = tpu.memref_slice %arg13[%dma_wait3A_166, %dma_wait3A_167] : memref<256x128xf32, #tpu.memory_space<vmem>> -> memref<128x128xf32, #tpu.memory_space<vmem>>
    %dma_wait3A_169 = arith.constant 256 : i32
    %dma_wait3A_170 = tpu.memref_slice %arg10[%dma_wait3A_169] : memref<512xi32, #tpu.memory_space<vmem>> -> memref<128xi32, #tpu.memory_space<vmem>>
    %dma_wait3A_171 = arith.constant 0 : i32
    %dma_wait3A_172 = arith.constant 0 : i32
    %dma_wait3A_173 = tpu.memref_slice %arg5[%dma_wait3A_171, %dma_wait3A_172] : memref<1000000x128xf32, #tpu.memory_space<hbm>> -> memref<1000000x128xf32, #tpu.memory_space<hbm>>
    tpu.wait_indirect_dma semaphore(%arg18 : memref<!tpu.dma_semaphore, #tpu.memory_space<semaphore_mem>>) src(%dma_wait3A_173 : memref<1000000x128xf32, #tpu.memory_space<hbm>>) dst(%dma_wait3A_168 : memref<128x128xf32, #tpu.memory_space<vmem>>)
    %dma_wait3A_174 = arith.constant 128 : i32
    %dma_wait3A_175 = arith.constant 0 : i32
    %dma_wait3A_176 = tpu.memref_slice %arg11[%dma_wait3A_174, %dma_wait3A_175] : memref<256x128xf32, #tpu.memory_space<vmem>> -> memref<128x128xf32, #tpu.memory_space<vmem>>
    %dma_wait3A_177 = arith.constant 384 : i32
    %dma_wait3A_178 = tpu.memref_slice %arg8[%dma_wait3A_177] : memref<512xi32, #tpu.memory_space<vmem>> -> memref<128xi32, #tpu.memory_space<vmem>>
    %dma_wait3A_179 = arith.constant 0 : i32
    %dma_wait3A_180 = arith.constant 0 : i32
    %dma_wait3A_181 = tpu.memref_slice %arg5[%dma_wait3A_179, %dma_wait3A_180] : memref<1000000x128xf32, #tpu.memory_space<hbm>> -> memref<1000000x128xf32, #tpu.memory_space<hbm>>
    tpu.wait_indirect_dma semaphore(%arg16 : memref<!tpu.dma_semaphore, #tpu.memory_space<semaphore_mem>>) src(%dma_wait3A_181 : memref<1000000x128xf32, #tpu.memory_space<hbm>>) dst(%dma_wait3A_176 : memref<128x128xf32, #tpu.memory_space<vmem>>)
    %dma_wait3A_182 = arith.constant 128 : i32
    %dma_wait3A_183 = arith.constant 0 : i32
    %dma_wait3A_184 = tpu.memref_slice %arg12[%dma_wait3A_182, %dma_wait3A_183] : memref<256x64xf32, #tpu.memory_space<vmem>> -> memref<128x64xf32, #tpu.memory_space<vmem>>
    %dma_wait3A_185 = arith.constant 384 : i32
    %dma_wait3A_186 = tpu.memref_slice %arg9[%dma_wait3A_185] : memref<512xi32, #tpu.memory_space<vmem>> -> memref<128xi32, #tpu.memory_space<vmem>>
    %dma_wait3A_187 = arith.constant 0 : i32
    %dma_wait3A_188 = arith.constant 0 : i32
    %dma_wait3A_189 = tpu.memref_slice %arg6[%dma_wait3A_187, %dma_wait3A_188] : memref<1000x64xf32, #tpu.memory_space<hbm>> -> memref<1000x64xf32, #tpu.memory_space<hbm>>
    tpu.wait_indirect_dma semaphore(%arg17 : memref<!tpu.dma_semaphore, #tpu.memory_space<semaphore_mem>>) src(%dma_wait3A_189 : memref<1000x64xf32, #tpu.memory_space<hbm>>) dst(%dma_wait3A_184 : memref<128x64xf32, #tpu.memory_space<vmem>>)
    %dma_wait3A_190 = arith.constant 128 : i32
    %dma_wait3A_191 = arith.constant 0 : i32
    %dma_wait3A_192 = tpu.memref_slice %arg13[%dma_wait3A_190, %dma_wait3A_191] : memref<256x128xf32, #tpu.memory_space<vmem>> -> memref<128x128xf32, #tpu.memory_space<vmem>>
    %dma_wait3A_193 = arith.constant 384 : i32
    %dma_wait3A_194 = tpu.memref_slice %arg10[%dma_wait3A_193] : memref<512xi32, #tpu.memory_space<vmem>> -> memref<128xi32, #tpu.memory_space<vmem>>
    %dma_wait3A_195 = arith.constant 0 : i32
    %dma_wait3A_196 = arith.constant 0 : i32
    %dma_wait3A_197 = tpu.memref_slice %arg5[%dma_wait3A_195, %dma_wait3A_196] : memref<1000000x128xf32, #tpu.memory_space<hbm>> -> memref<1000000x128xf32, #tpu.memory_space<hbm>>
    tpu.wait_indirect_dma semaphore(%arg18 : memref<!tpu.dma_semaphore, #tpu.memory_space<semaphore_mem>>) src(%dma_wait3A_197 : memref<1000000x128xf32, #tpu.memory_space<hbm>>) dst(%dma_wait3A_192 : memref<128x128xf32, #tpu.memory_space<vmem>>)
    %scan3A_198 = arith.constant 0 : i32
    %scan3A_199 = arith.constant 0 : i32
    %scan3A_200 = arith.constant 16 : i32
    %scan3A_201 = arith.addi %scan3A_199, %scan3A_200 : i32
    %scan3A_202 = arith.constant 1 : i32
    scf.for %scan3A_204 = %scan3A_199 to %scan3A_201 step %scan3A_202  : i32 {
      %mul3A_205 = arith.constant 16 : i32
      %mul3A_206 = arith.muli %scan3A_204, %mul3A_205 : i32
      %add3A_207 = arith.constant 0 : i32
      %add3A_208 = arith.addi %mul3A_206, %add3A_207 : i32
      %broadcast_in_dim3A = arith.constant 0.000000e+00 : f32
      %broadcast_in_dim3A_209 = vector.broadcast %broadcast_in_dim3A : f32 to vector<16xf32>
      %get3A = arith.index_cast %add3A_208 : i32 to index
      %get3A_210 = arith.constant 0 : index
      %get3A_211 = tpu.vector_load %arg11[%get3A, %get3A_210] {strides = array<i32>} : memref<256x128xf32, #tpu.memory_space<vmem>>, vector<16xf32>,
      %get3A_212 = arith.index_cast %add3A_208 : i32 to index
      %get3A_213 = arith.constant 0 : index
      %get3A_214 = tpu.vector_load %arg12[%get3A_212, %get3A_213] {strides = array<i32>} : memref<256x64xf32, #tpu.memory_space<vmem>>, vector<16xf32>,
      %add3A_215 = arith.addf %get3A_211, %get3A_214 : vector<16xf32>
      %get3A_216 = arith.index_cast %add3A_208 : i32 to index
      %get3A_217 = arith.constant 0 : index
      %get3A_218 = tpu.vector_load %arg13[%get3A_216, %get3A_217] {strides = array<i32>} : memref<256x128xf32, #tpu.memory_space<vmem>>, vector<16xf32>,
      %sub3A = arith.subf %add3A_215, %get3A_218 : vector<16xf32>
      %mul3A_219 = arith.mulf %sub3A, %sub3A : vector<16xf32>
      %add3A_220 = arith.addf %broadcast_in_dim3A_209, %mul3A_219 : vector<16xf32>
      %get3A_221 = arith.index_cast %add3A_208 : i32 to index
      %get3A_222 = arith.constant 16 : index
      %get3A_223 = tpu.vector_load %arg11[%get3A_221, %get3A_222] {strides = array<i32>} : memref<256x128xf32, #tpu.memory_space<vmem>>, vector<16xf32>,
      %get3A_224 = arith.index_cast %add3A_208 : i32 to index
      %get3A_225 = arith.constant 16 : index
      %get3A_226 = tpu.vector_load %arg12[%get3A_224, %get3A_225] {strides = array<i32>} : memref<256x64xf32, #tpu.memory_space<vmem>>, vector<16xf32>,
      %add3A_227 = arith.addf %get3A_223, %get3A_226 : vector<16xf32>
      %get3A_228 = arith.index_cast %add3A_208 : i32 to index
      %get3A_229 = arith.constant 16 : index
      %get3A_230 = tpu.vector_load %arg13[%get3A_228, %get3A_229] {strides = array<i32>} : memref<256x128xf32, #tpu.memory_space<vmem>>, vector<16xf32>,
      %sub3A_231 = arith.subf %add3A_227, %get3A_230 : vector<16xf32>
      %mul3A_232 = arith.mulf %sub3A_231, %sub3A_231 : vector<16xf32>
      %add3A_233 = arith.addf %add3A_220, %mul3A_232 : vector<16xf32>
      %get3A_234 = arith.index_cast %add3A_208 : i32 to index
      %get3A_235 = arith.constant 32 : index
      %get3A_236 = tpu.vector_load %arg11[%get3A_234, %get3A_235] {strides = array<i32>} : memref<256x128xf32, #tpu.memory_space<vmem>>, vector<16xf32>,
      %get3A_237 = arith.index_cast %add3A_208 : i32 to index
      %get3A_238 = arith.constant 32 : index
      %get3A_239 = tpu.vector_load %arg12[%get3A_237, %get3A_238] {strides = array<i32>} : memref<256x64xf32, #tpu.memory_space<vmem>>, vector<16xf32>,
      %add3A_240 = arith.addf %get3A_236, %get3A_239 : vector<16xf32>
      %get3A_241 = arith.index_cast %add3A_208 : i32 to index
      %get3A_242 = arith.constant 32 : index
      %get3A_243 = tpu.vector_load %arg13[%get3A_241, %get3A_242] {strides = array<i32>} : memref<256x128xf32, #tpu.memory_space<vmem>>, vector<16xf32>,
      %sub3A_244 = arith.subf %add3A_240, %get3A_243 : vector<16xf32>
      %mul3A_245 = arith.mulf %sub3A_244, %sub3A_244 : vector<16xf32>
      %add3A_246 = arith.addf %add3A_233, %mul3A_245 : vector<16xf32>
      %get3A_247 = arith.index_cast %add3A_208 : i32 to index
      %get3A_248 = arith.constant 48 : index
      %get3A_249 = tpu.vector_load %arg11[%get3A_247, %get3A_248] {strides = array<i32>} : memref<256x128xf32, #tpu.memory_space<vmem>>, vector<16xf32>,
      %get3A_250 = arith.index_cast %add3A_208 : i32 to index
      %get3A_251 = arith.constant 48 : index
      %get3A_252 = tpu.vector_load %arg12[%get3A_250, %get3A_251] {strides = array<i32>} : memref<256x64xf32, #tpu.memory_space<vmem>>, vector<16xf32>,
      %add3A_253 = arith.addf %get3A_249, %get3A_252 : vector<16xf32>
      %get3A_254 = arith.index_cast %add3A_208 : i32 to index
      %get3A_255 = arith.constant 48 : index
      %get3A_256 = tpu.vector_load %arg13[%get3A_254, %get3A_255] {strides = array<i32>} : memref<256x128xf32, #tpu.memory_space<vmem>>, vector<16xf32>,
      %sub3A_257 = arith.subf %add3A_253, %get3A_256 : vector<16xf32>
      %mul3A_258 = arith.mulf %sub3A_257, %sub3A_257 : vector<16xf32>
      %add3A_259 = arith.addf %add3A_246, %mul3A_258 : vector<16xf32>
      %swap3A = arith.constant 0 : i32
      %swap3A_260 = arith.index_cast %swap3A : i32 to index
      %swap3A_261 = arith.constant 0 : index
      %swap3A_262 = tpu.vector_load %arg14[%swap3A_260, %swap3A_261] {strides = array<i32>} : memref<16x17xf32, #tpu.memory_space<vmem>>, vector<16xf32>,
      tpu.vector_store %arg14[%swap3A_260, %swap3A_261], %add3A_259 {strides = array<i32>} : memref<16x17xf32, #tpu.memory_space<vmem>>, vector<16xf32>,
      %add3A_263 = arith.constant 1 : i32
      %add3A_264 = arith.addi %mul3A_206, %add3A_263 : i32
      %broadcast_in_dim3A_265 = arith.constant 0.000000e+00 : f32
      %broadcast_in_dim3A_266 = vector.broadcast %broadcast_in_dim3A_265 : f32 to vector<16xf32>
      %get3A_267 = arith.index_cast %add3A_264 : i32 to index
      %get3A_268 = arith.constant 0 : index
      %get3A_269 = tpu.vector_load %arg11[%get3A_267, %get3A_268] {strides = array<i32>} : memref<256x128xf32, #tpu.memory_space<vmem>>, vector<16xf32>,
      %get3A_270 = arith.index_cast %add3A_264 : i32 to index
      %get3A_271 = arith.constant 0 : index
      %get3A_272 = tpu.vector_load %arg12[%get3A_270, %get3A_271] {strides = array<i32>} : memref<256x64xf32, #tpu.memory_space<vmem>>, vector<16xf32>,
      %add3A_273 = arith.addf %get3A_269, %get3A_272 : vector<16xf32>
      %get3A_274 = arith.index_cast %add3A_264 : i32 to index
      %get3A_275 = arith.constant 0 : index
      %get3A_276 = tpu.vector_load %arg13[%get3A_274, %get3A_275] {strides = array<i32>} : memref<256x128xf32, #tpu.memory_space<vmem>>, vector<16xf32>,
      %sub3A_277 = arith.subf %add3A_273, %get3A_276 : vector<16xf32>
      %mul3A_278 = arith.mulf %sub3A_277, %sub3A_277 : vector<16xf32>
      %add3A_279 = arith.addf %broadcast_in_dim3A_266, %mul3A_278 : vector<16xf32>
      %get3A_280 = arith.index_cast %add3A_264 : i32 to index
      %get3A_281 = arith.constant 16 : index
      %get3A_282 = tpu.vector_load %arg11[%get3A_280, %get3A_281] {strides = array<i32>} : memref<256x128xf32, #tpu.memory_space<vmem>>, vector<16xf32>,
      %get3A_283 = arith.index_cast %add3A_264 : i32 to index
      %get3A_284 = arith.constant 16 : index
      %get3A_285 = tpu.vector_load %arg12[%get3A_283, %get3A_284] {strides = array<i32>} : memref<256x64xf32, #tpu.memory_space<vmem>>, vector<16xf32>,
      %add3A_286 = arith.addf %get3A_282, %get3A_285 : vector<16xf32>
      %get3A_287 = arith.index_cast %add3A_264 : i32 to index
      %get3A_288 = arith.constant 16 : index
      %get3A_289 = tpu.vector_load %arg13[%get3A_287, %get3A_288] {strides = array<i32>} : memref<256x128xf32, #tpu.memory_space<vmem>>, vector<16xf32>,
      %sub3A_290 = arith.subf %add3A_286, %get3A_289 : vector<16xf32>
      %mul3A_291 = arith.mulf %sub3A_290, %sub3A_290 : vector<16xf32>
      %add3A_292 = arith.addf %add3A_279, %mul3A_291 : vector<16xf32>
      %get3A_293 = arith.index_cast %add3A_264 : i32 to index
      %get3A_294 = arith.constant 32 : index
      %get3A_295 = tpu.vector_load %arg11[%get3A_293, %get3A_294] {strides = array<i32>} : memref<256x128xf32, #tpu.memory_space<vmem>>, vector<16xf32>,
      %get3A_296 = arith.index_cast %add3A_264 : i32 to index
      %get3A_297 = arith.constant 32 : index
      %get3A_298 = tpu.vector_load %arg12[%get3A_296, %get3A_297] {strides = array<i32>} : memref<256x64xf32, #tpu.memory_space<vmem>>, vector<16xf32>,
      %add3A_299 = arith.addf %get3A_295, %get3A_298 : vector<16xf32>
      %get3A_300 = arith.index_cast %add3A_264 : i32 to index
      %get3A_301 = arith.constant 32 : index
      %get3A_302 = tpu.vector_load %arg13[%get3A_300, %get3A_301] {strides = array<i32>} : memref<256x128xf32, #tpu.memory_space<vmem>>, vector<16xf32>,
      %sub3A_303 = arith.subf %add3A_299, %get3A_302 : vector<16xf32>
      %mul3A_304 = arith.mulf %sub3A_303, %sub3A_303 : vector<16xf32>
      %add3A_305 = arith.addf %add3A_292, %mul3A_304 : vector<16xf32>
      %get3A_306 = arith.index_cast %add3A_264 : i32 to index
      %get3A_307 = arith.constant 48 : index
      %get3A_308 = tpu.vector_load %arg11[%get3A_306, %get3A_307] {strides = array<i32>} : memref<256x128xf32, #tpu.memory_space<vmem>>, vector<16xf32>,
      %get3A_309 = arith.index_cast %add3A_264 : i32 to index
      %get3A_310 = arith.constant 48 : index
      %get3A_311 = tpu.vector_load %arg12[%get3A_309, %get3A_310] {strides = array<i32>} : memref<256x64xf32, #tpu.memory_space<vmem>>, vector<16xf32>,
      %add3A_312 = arith.addf %get3A_308, %get3A_311 : vector<16xf32>
      %get3A_313 = arith.index_cast %add3A_264 : i32 to index
      %get3A_314 = arith.constant 48 : index
      %get3A_315 = tpu.vector_load %arg13[%get3A_313, %get3A_314] {strides = array<i32>} : memref<256x128xf32, #tpu.memory_space<vmem>>, vector<16xf32>,
      %sub3A_316 = arith.subf %add3A_312, %get3A_315 : vector<16xf32>
      %mul3A_317 = arith.mulf %sub3A_316, %sub3A_316 : vector<16xf32>
      %add3A_318 = arith.addf %add3A_305, %mul3A_317 : vector<16xf32>
      %swap3A_319 = arith.constant 1 : i32
      %swap3A_320 = arith.index_cast %swap3A_319 : i32 to index
      %swap3A_321 = arith.constant 0 : index
      %swap3A_322 = tpu.vector_load %arg14[%swap3A_320, %swap3A_321] {strides = array<i32>} : memref<16x17xf32, #tpu.memory_space<vmem>>, vector<16xf32>,
      tpu.vector_store %arg14[%swap3A_320, %swap3A_321], %add3A_318 {strides = array<i32>} : memref<16x17xf32, #tpu.memory_space<vmem>>, vector<16xf32>,
      %add3A_323 = arith.constant 2 : i32
      %add3A_324 = arith.addi %mul3A_206, %add3A_323 : i32
      %broadcast_in_dim3A_325 = arith.constant 0.000000e+00 : f32
      %broadcast_in_dim3A_326 = vector.broadcast %broadcast_in_dim3A_325 : f32 to vector<16xf32>
      %get3A_327 = arith.index_cast %add3A_324 : i32 to index
      %get3A_328 = arith.constant 0 : index
      %get3A_329 = tpu.vector_load %arg11[%get3A_327, %get3A_328] {strides = array<i32>} : memref<256x128xf32, #tpu.memory_space<vmem>>, vector<16xf32>,
      %get3A_330 = arith.index_cast %add3A_324 : i32 to index
      %get3A_331 = arith.constant 0 : index
      %get3A_332 = tpu.vector_load %arg12[%get3A_330, %get3A_331] {strides = array<i32>} : memref<256x64xf32, #tpu.memory_space<vmem>>, vector<16xf32>,
      %add3A_333 = arith.addf %get3A_329, %get3A_332 : vector<16xf32>
      %get3A_334 = arith.index_cast %add3A_324 : i32 to index
      %get3A_335 = arith.constant 0 : index
      %get3A_336 = tpu.vector_load %arg13[%get3A_334, %get3A_335] {strides = array<i32>} : memref<256x128xf32, #tpu.memory_space<vmem>>, vector<16xf32>,
      %sub3A_337 = arith.subf %add3A_333, %get3A_336 : vector<16xf32>
      %mul3A_338 = arith.mulf %sub3A_337, %sub3A_337 : vector<16xf32>
      %add3A_339 = arith.addf %broadcast_in_dim3A_326, %mul3A_338 : vector<16xf32>
      %get3A_340 = arith.index_cast %add3A_324 : i32 to index
      %get3A_341 = arith.constant 16 : index
      %get3A_342 = tpu.vector_load %arg11[%get3A_340, %get3A_341] {strides = array<i32>} : memref<256x128xf32, #tpu.memory_space<vmem>>, vector<16xf32>,
      %get3A_343 = arith.index_cast %add3A_324 : i32 to index
      %get3A_344 = arith.constant 16 : index
      %get3A_345 = tpu.vector_load %arg12[%get3A_343, %get3A_344] {strides = array<i32>} : memref<256x64xf32, #tpu.memory_space<vmem>>, vector<16xf32>,
      %add3A_346 = arith.addf %get3A_342, %get3A_345 : vector<16xf32>
      %get3A_347 = arith.index_cast %add3A_324 : i32 to index
      %get3A_348 = arith.constant 16 : index
      %get3A_349 = tpu.vector_load %arg13[%get3A_347, %get3A_348] {strides = array<i32>} : memref<256x128xf32, #tpu.memory_space<vmem>>, vector<16xf32>,
      %sub3A_350 = arith.subf %add3A_346, %get3A_349 : vector<16xf32>
      %mul3A_351 = arith.mulf %sub3A_350, %sub3A_350 : vector<16xf32>
      %add3A_352 = arith.addf %add3A_339, %mul3A_351 : vector<16xf32>
      %get3A_353 = arith.index_cast %add3A_324 : i32 to index
      %get3A_354 = arith.constant 32 : index
      %get3A_355 = tpu.vector_load %arg11[%get3A_353, %get3A_354] {strides = array<i32>} : memref<256x128xf32, #tpu.memory_space<vmem>>, vector<16xf32>,
      %get3A_356 = arith.index_cast %add3A_324 : i32 to index
      %get3A_357 = arith.constant 32 : index
      %get3A_358 = tpu.vector_load %arg12[%get3A_356, %get3A_357] {strides = array<i32>} : memref<256x64xf32, #tpu.memory_space<vmem>>, vector<16xf32>,
      %add3A_359 = arith.addf %get3A_355, %get3A_358 : vector<16xf32>
      %get3A_360 = arith.index_cast %add3A_324 : i32 to index
      %get3A_361 = arith.constant 32 : index
      %get3A_362 = tpu.vector_load %arg13[%get3A_360, %get3A_361] {strides = array<i32>} : memref<256x128xf32, #tpu.memory_space<vmem>>, vector<16xf32>,
      %sub3A_363 = arith.subf %add3A_359, %get3A_362 : vector<16xf32>
      %mul3A_364 = arith.mulf %sub3A_363, %sub3A_363 : vector<16xf32>
      %add3A_365 = arith.addf %add3A_352, %mul3A_364 : vector<16xf32>
      %get3A_366 = arith.index_cast %add3A_324 : i32 to index
      %get3A_367 = arith.constant 48 : index
      %get3A_368 = tpu.vector_load %arg11[%get3A_366, %get3A_367] {strides = array<i32>} : memref<256x128xf32, #tpu.memory_space<vmem>>, vector<16xf32>,
      %get3A_369 = arith.index_cast %add3A_324 : i32 to index
      %get3A_370 = arith.constant 48 : index
      %get3A_371 = tpu.vector_load %arg12[%get3A_369, %get3A_370] {strides = array<i32>} : memref<256x64xf32, #tpu.memory_space<vmem>>, vector<16xf32>,
      %add3A_372 = arith.addf %get3A_368, %get3A_371 : vector<16xf32>
      %get3A_373 = arith.index_cast %add3A_324 : i32 to index
      %get3A_374 = arith.constant 48 : index
      %get3A_375 = tpu.vector_load %arg13[%get3A_373, %get3A_374] {strides = array<i32>} : memref<256x128xf32, #tpu.memory_space<vmem>>, vector<16xf32>,
      %sub3A_376 = arith.subf %add3A_372, %get3A_375 : vector<16xf32>
      %mul3A_377 = arith.mulf %sub3A_376, %sub3A_376 : vector<16xf32>
      %add3A_378 = arith.addf %add3A_365, %mul3A_377 : vector<16xf32>
      %swap3A_379 = arith.constant 2 : i32
      %swap3A_380 = arith.index_cast %swap3A_379 : i32 to index
      %swap3A_381 = arith.constant 0 : index
      %swap3A_382 = tpu.vector_load %arg14[%swap3A_380, %swap3A_381] {strides = array<i32>} : memref<16x17xf32, #tpu.memory_space<vmem>>, vector<16xf32>,
      tpu.vector_store %arg14[%swap3A_380, %swap3A_381], %add3A_378 {strides = array<i32>} : memref<16x17xf32, #tpu.memory_space<vmem>>, vector<16xf32>,
      %add3A_383 = arith.constant 3 : i32
      %add3A_384 = arith.addi %mul3A_206, %add3A_383 : i32
      %broadcast_in_dim3A_385 = arith.constant 0.000000e+00 : f32
      %broadcast_in_dim3A_386 = vector.broadcast %broadcast_in_dim3A_385 : f32 to vector<16xf32>
      %get3A_387 = arith.index_cast %add3A_384 : i32 to index
      %get3A_388 = arith.constant 0 : index
      %get3A_389 = tpu.vector_load %arg11[%get3A_387, %get3A_388] {strides = array<i32>} : memref<256x128xf32, #tpu.memory_space<vmem>>, vector<16xf32>,
      %get3A_390 = arith.index_cast %add3A_384 : i32 to index
      %get3A_391 = arith.constant 0 : index
      %get3A_392 = tpu.vector_load %arg12[%get3A_390, %get3A_391] {strides = array<i32>} : memref<256x64xf32, #tpu.memory_space<vmem>>, vector<16xf32>,
      %add3A_393 = arith.addf %get3A_389, %get3A_392 : vector<16xf32>
      %get3A_394 = arith.index_cast %add3A_384 : i32 to index
      %get3A_395 = arith.constant 0 : index
      %get3A_396 = tpu.vector_load %arg13[%get3A_394, %get3A_395] {strides = array<i32>} : memref<256x128xf32, #tpu.memory_space<vmem>>, vector<16xf32>,
      %sub3A_397 = arith.subf %add3A_393, %get3A_396 : vector<16xf32>
      %mul3A_398 = arith.mulf %sub3A_397, %sub3A_397 : vector<16xf32>
      %add3A_399 = arith.addf %broadcast_in_dim3A_386, %mul3A_398 : vector<16xf32>
      %get3A_400 = arith.index_cast %add3A_384 : i32 to index
      %get3A_401 = arith.constant 16 : index
      %get3A_402 = tpu.vector_load %arg11[%get3A_400, %get3A_401] {strides = array<i32>} : memref<256x128xf32, #tpu.memory_space<vmem>>, vector<16xf32>,
      %get3A_403 = arith.index_cast %add3A_384 : i32 to index
      %get3A_404 = arith.constant 16 : index
      %get3A_405 = tpu.vector_load %arg12[%get3A_403, %get3A_404] {strides = array<i32>} : memref<256x64xf32, #tpu.memory_space<vmem>>, vector<16xf32>,
      %add3A_406 = arith.addf %get3A_402, %get3A_405 : vector<16xf32>
      %get3A_407 = arith.index_cast %add3A_384 : i32 to index
      %get3A_408 = arith.constant 16 : index
      %get3A_409 = tpu.vector_load %arg13[%get3A_407, %get3A_408] {strides = array<i32>} : memref<256x128xf32, #tpu.memory_space<vmem>>, vector<16xf32>,
      %sub3A_410 = arith.subf %add3A_406, %get3A_409 : vector<16xf32>
      %mul3A_411 = arith.mulf %sub3A_410, %sub3A_410 : vector<16xf32>
      %add3A_412 = arith.addf %add3A_399, %mul3A_411 : vector<16xf32>
      %get3A_413 = arith.index_cast %add3A_384 : i32 to index
      %get3A_414 = arith.constant 32 : index
      %get3A_415 = tpu.vector_load %arg11[%get3A_413, %get3A_414] {strides = array<i32>} : memref<256x128xf32, #tpu.memory_space<vmem>>, vector<16xf32>,
      %get3A_416 = arith.index_cast %add3A_384 : i32 to index
      %get3A_417 = arith.constant 32 : index
      %get3A_418 = tpu.vector_load %arg12[%get3A_416, %get3A_417] {strides = array<i32>} : memref<256x64xf32, #tpu.memory_space<vmem>>, vector<16xf32>,
      %add3A_419 = arith.addf %get3A_415, %get3A_418 : vector<16xf32>
      %get3A_420 = arith.index_cast %add3A_384 : i32 to index
      %get3A_421 = arith.constant 32 : index
      %get3A_422 = tpu.vector_load %arg13[%get3A_420, %get3A_421] {strides = array<i32>} : memref<256x128xf32, #tpu.memory_space<vmem>>, vector<16xf32>,
      %sub3A_423 = arith.subf %add3A_419, %get3A_422 : vector<16xf32>
      %mul3A_424 = arith.mulf %sub3A_423, %sub3A_423 : vector<16xf32>
      %add3A_425 = arith.addf %add3A_412, %mul3A_424 : vector<16xf32>
      %get3A_426 = arith.index_cast %add3A_384 : i32 to index
      %get3A_427 = arith.constant 48 : index
      %get3A_428 = tpu.vector_load %arg11[%get3A_426, %get3A_427] {strides = array<i32>} : memref<256x128xf32, #tpu.memory_space<vmem>>, vector<16xf32>,
      %get3A_429 = arith.index_cast %add3A_384 : i32 to index
      %get3A_430 = arith.constant 48 : index
      %get3A_431 = tpu.vector_load %arg12[%get3A_429, %get3A_430] {strides = array<i32>} : memref<256x64xf32, #tpu.memory_space<vmem>>, vector<16xf32>,
      %add3A_432 = arith.addf %get3A_428, %get3A_431 : vector<16xf32>
      %get3A_433 = arith.index_cast %add3A_384 : i32 to index
      %get3A_434 = arith.constant 48 : index
      %get3A_435 = tpu.vector_load %arg13[%get3A_433, %get3A_434] {strides = array<i32>} : memref<256x128xf32, #tpu.memory_space<vmem>>, vector<16xf32>,
      %sub3A_436 = arith.subf %add3A_432, %get3A_435 : vector<16xf32>
      %mul3A_437 = arith.mulf %sub3A_436, %sub3A_436 : vector<16xf32>
      %add3A_438 = arith.addf %add3A_425, %mul3A_437 : vector<16xf32>
      %swap3A_439 = arith.constant 3 : i32
      %swap3A_440 = arith.index_cast %swap3A_439 : i32 to index
      %swap3A_441 = arith.constant 0 : index
      %swap3A_442 = tpu.vector_load %arg14[%swap3A_440, %swap3A_441] {strides = array<i32>} : memref<16x17xf32, #tpu.memory_space<vmem>>, vector<16xf32>,
      tpu.vector_store %arg14[%swap3A_440, %swap3A_441], %add3A_438 {strides = array<i32>} : memref<16x17xf32, #tpu.memory_space<vmem>>, vector<16xf32>,
      %add3A_443 = arith.constant 4 : i32
      %add3A_444 = arith.addi %mul3A_206, %add3A_443 : i32
      %broadcast_in_dim3A_445 = arith.constant 0.000000e+00 : f32
      %broadcast_in_dim3A_446 = vector.broadcast %broadcast_in_dim3A_445 : f32 to vector<16xf32>
      %get3A_447 = arith.index_cast %add3A_444 : i32 to index
      %get3A_448 = arith.constant 0 : index
      %get3A_449 = tpu.vector_load %arg11[%get3A_447, %get3A_448] {strides = array<i32>} : memref<256x128xf32, #tpu.memory_space<vmem>>, vector<16xf32>,
      %get3A_450 = arith.index_cast %add3A_444 : i32 to index
      %get3A_451 = arith.constant 0 : index
      %get3A_452 = tpu.vector_load %arg12[%get3A_450, %get3A_451] {strides = array<i32>} : memref<256x64xf32, #tpu.memory_space<vmem>>, vector<16xf32>,
      %add3A_453 = arith.addf %get3A_449, %get3A_452 : vector<16xf32>
      %get3A_454 = arith.index_cast %add3A_444 : i32 to index
      %get3A_455 = arith.constant 0 : index
      %get3A_456 = tpu.vector_load %arg13[%get3A_454, %get3A_455] {strides = array<i32>} : memref<256x128xf32, #tpu.memory_space<vmem>>, vector<16xf32>,
      %sub3A_457 = arith.subf %add3A_453, %get3A_456 : vector<16xf32>
      %mul3A_458 = arith.mulf %sub3A_457, %sub3A_457 : vector<16xf32>
      %add3A_459 = arith.addf %broadcast_in_dim3A_446, %mul3A_458 : vector<16xf32>
      %get3A_460 = arith.index_cast %add3A_444 : i32 to index
      %get3A_461 = arith.constant 16 : index
      %get3A_462 = tpu.vector_load %arg11[%get3A_460, %get3A_461] {strides = array<i32>} : memref<256x128xf32, #tpu.memory_space<vmem>>, vector<16xf32>,
      %get3A_463 = arith.index_cast %add3A_444 : i32 to index
      %get3A_464 = arith.constant 16 : index
      %get3A_465 = tpu.vector_load %arg12[%get3A_463, %get3A_464] {strides = array<i32>} : memref<256x64xf32, #tpu.memory_space<vmem>>, vector<16xf32>,
      %add3A_466 = arith.addf %get3A_462, %get3A_465 : vector<16xf32>
      %get3A_467 = arith.index_cast %add3A_444 : i32 to index
      %get3A_468 = arith.constant 16 : index
      %get3A_469 = tpu.vector_load %arg13[%get3A_467, %get3A_468] {strides = array<i32>} : memref<256x128xf32, #tpu.memory_space<vmem>>, vector<16xf32>,
      %sub3A_470 = arith.subf %add3A_466, %get3A_469 : vector<16xf32>
      %mul3A_471 = arith.mulf %sub3A_470, %sub3A_470 : vector<16xf32>
      %add3A_472 = arith.addf %add3A_459, %mul3A_471 : vector<16xf32>
      %get3A_473 = arith.index_cast %add3A_444 : i32 to index
      %get3A_474 = arith.constant 32 : index
      %get3A_475 = tpu.vector_load %arg11[%get3A_473, %get3A_474] {strides = array<i32>} : memref<256x128xf32, #tpu.memory_space<vmem>>, vector<16xf32>,
      %get3A_476 = arith.index_cast %add3A_444 : i32 to index
      %get3A_477 = arith.constant 32 : index
      %get3A_478 = tpu.vector_load %arg12[%get3A_476, %get3A_477] {strides = array<i32>} : memref<256x64xf32, #tpu.memory_space<vmem>>, vector<16xf32>,
      %add3A_479 = arith.addf %get3A_475, %get3A_478 : vector<16xf32>
      %get3A_480 = arith.index_cast %add3A_444 : i32 to index
      %get3A_481 = arith.constant 32 : index
      %get3A_482 = tpu.vector_load %arg13[%get3A_480, %get3A_481] {strides = array<i32>} : memref<256x128xf32, #tpu.memory_space<vmem>>, vector<16xf32>,
      %sub3A_483 = arith.subf %add3A_479, %get3A_482 : vector<16xf32>
      %mul3A_484 = arith.mulf %sub3A_483, %sub3A_483 : vector<16xf32>
      %add3A_485 = arith.addf %add3A_472, %mul3A_484 : vector<16xf32>
      %get3A_486 = arith.index_cast %add3A_444 : i32 to index
      %get3A_487 = arith.constant 48 : index
      %get3A_488 = tpu.vector_load %arg11[%get3A_486, %get3A_487] {strides = array<i32>} : memref<256x128xf32, #tpu.memory_space<vmem>>, vector<16xf32>,
      %get3A_489 = arith.index_cast %add3A_444 : i32 to index
      %get3A_490 = arith.constant 48 : index
      %get3A_491 = tpu.vector_load %arg12[%get3A_489, %get3A_490] {strides = array<i32>} : memref<256x64xf32, #tpu.memory_space<vmem>>, vector<16xf32>,
      %add3A_492 = arith.addf %get3A_488, %get3A_491 : vector<16xf32>
      %get3A_493 = arith.index_cast %add3A_444 : i32 to index
      %get3A_494 = arith.constant 48 : index
      %get3A_495 = tpu.vector_load %arg13[%get3A_493, %get3A_494] {strides = array<i32>} : memref<256x128xf32, #tpu.memory_space<vmem>>, vector<16xf32>,
      %sub3A_496 = arith.subf %add3A_492, %get3A_495 : vector<16xf32>
      %mul3A_497 = arith.mulf %sub3A_496, %sub3A_496 : vector<16xf32>
      %add3A_498 = arith.addf %add3A_485, %mul3A_497 : vector<16xf32>
      %swap3A_499 = arith.constant 4 : i32
      %swap3A_500 = arith.index_cast %swap3A_499 : i32 to index
      %swap3A_501 = arith.constant 0 : index
      %swap3A_502 = tpu.vector_load %arg14[%swap3A_500, %swap3A_501] {strides = array<i32>} : memref<16x17xf32, #tpu.memory_space<vmem>>, vector<16xf32>,
      tpu.vector_store %arg14[%swap3A_500, %swap3A_501], %add3A_498 {strides = array<i32>} : memref<16x17xf32, #tpu.memory_space<vmem>>, vector<16xf32>,
      %add3A_503 = arith.constant 5 : i32
      %add3A_504 = arith.addi %mul3A_206, %add3A_503 : i32
      %broadcast_in_dim3A_505 = arith.constant 0.000000e+00 : f32
      %broadcast_in_dim3A_506 = vector.broadcast %broadcast_in_dim3A_505 : f32 to vector<16xf32>
      %get3A_507 = arith.index_cast %add3A_504 : i32 to index
      %get3A_508 = arith.constant 0 : index
      %get3A_509 = tpu.vector_load %arg11[%get3A_507, %get3A_508] {strides = array<i32>} : memref<256x128xf32, #tpu.memory_space<vmem>>, vector<16xf32>,
      %get3A_510 = arith.index_cast %add3A_504 : i32 to index
      %get3A_511 = arith.constant 0 : index
      %get3A_512 = tpu.vector_load %arg12[%get3A_510, %get3A_511] {strides = array<i32>} : memref<256x64xf32, #tpu.memory_space<vmem>>, vector<16xf32>,
      %add3A_513 = arith.addf %get3A_509, %get3A_512 : vector<16xf32>
      %get3A_514 = arith.index_cast %add3A_504 : i32 to index
      %get3A_515 = arith.constant 0 : index
      %get3A_516 = tpu.vector_load %arg13[%get3A_514, %get3A_515] {strides = array<i32>} : memref<256x128xf32, #tpu.memory_space<vmem>>, vector<16xf32>,
      %sub3A_517 = arith.subf %add3A_513, %get3A_516 : vector<16xf32>
      %mul3A_518 = arith.mulf %sub3A_517, %sub3A_517 : vector<16xf32>
      %add3A_519 = arith.addf %broadcast_in_dim3A_506, %mul3A_518 : vector<16xf32>
      %get3A_520 = arith.index_cast %add3A_504 : i32 to index
      %get3A_521 = arith.constant 16 : index
      %get3A_522 = tpu.vector_load %arg11[%get3A_520, %get3A_521] {strides = array<i32>} : memref<256x128xf32, #tpu.memory_space<vmem>>, vector<16xf32>,
      %get3A_523 = arith.index_cast %add3A_504 : i32 to index
      %get3A_524 = arith.constant 16 : index
      %get3A_525 = tpu.vector_load %arg12[%get3A_523, %get3A_524] {strides = array<i32>} : memref<256x64xf32, #tpu.memory_space<vmem>>, vector<16xf32>,
      %add3A_526 = arith.addf %get3A_522, %get3A_525 : vector<16xf32>
      %get3A_527 = arith.index_cast %add3A_504 : i32 to index
      %get3A_528 = arith.constant 16 : index
      %get3A_529 = tpu.vector_load %arg13[%get3A_527, %get3A_528] {strides = array<i32>} : memref<256x128xf32, #tpu.memory_space<vmem>>, vector<16xf32>,
      %sub3A_530 = arith.subf %add3A_526, %get3A_529 : vector<16xf32>
      %mul3A_531 = arith.mulf %sub3A_530, %sub3A_530 : vector<16xf32>
      %add3A_532 = arith.addf %add3A_519, %mul3A_531 : vector<16xf32>
      %get3A_533 = arith.index_cast %add3A_504 : i32 to index
      %get3A_534 = arith.constant 32 : index
      %get3A_535 = tpu.vector_load %arg11[%get3A_533, %get3A_534] {strides = array<i32>} : memref<256x128xf32, #tpu.memory_space<vmem>>, vector<16xf32>,
      %get3A_536 = arith.index_cast %add3A_504 : i32 to index
      %get3A_537 = arith.constant 32 : index
      %get3A_538 = tpu.vector_load %arg12[%get3A_536, %get3A_537] {strides = array<i32>} : memref<256x64xf32, #tpu.memory_space<vmem>>, vector<16xf32>,
      %add3A_539 = arith.addf %get3A_535, %get3A_538 : vector<16xf32>
      %get3A_540 = arith.index_cast %add3A_504 : i32 to index
      %get3A_541 = arith.constant 32 : index
      %get3A_542 = tpu.vector_load %arg13[%get3A_540, %get3A_541] {strides = array<i32>} : memref<256x128xf32, #tpu.memory_space<vmem>>, vector<16xf32>,
      %sub3A_543 = arith.subf %add3A_539, %get3A_542 : vector<16xf32>
      %mul3A_544 = arith.mulf %sub3A_543, %sub3A_543 : vector<16xf32>
      %add3A_545 = arith.addf %add3A_532, %mul3A_544 : vector<16xf32>
      %get3A_546 = arith.index_cast %add3A_504 : i32 to index
      %get3A_547 = arith.constant 48 : index
      %get3A_548 = tpu.vector_load %arg11[%get3A_546, %get3A_547] {strides = array<i32>} : memref<256x128xf32, #tpu.memory_space<vmem>>, vector<16xf32>,
      %get3A_549 = arith.index_cast %add3A_504 : i32 to index
      %get3A_550 = arith.constant 48 : index
      %get3A_551 = tpu.vector_load %arg12[%get3A_549, %get3A_550] {strides = array<i32>} : memref<256x64xf32, #tpu.memory_space<vmem>>, vector<16xf32>,
      %add3A_552 = arith.addf %get3A_548, %get3A_551 : vector<16xf32>
      %get3A_553 = arith.index_cast %add3A_504 : i32 to index
      %get3A_554 = arith.constant 48 : index
      %get3A_555 = tpu.vector_load %arg13[%get3A_553, %get3A_554] {strides = array<i32>} : memref<256x128xf32, #tpu.memory_space<vmem>>, vector<16xf32>,
      %sub3A_556 = arith.subf %add3A_552, %get3A_555 : vector<16xf32>
      %mul3A_557 = arith.mulf %sub3A_556, %sub3A_556 : vector<16xf32>
      %add3A_558 = arith.addf %add3A_545, %mul3A_557 : vector<16xf32>
      %swap3A_559 = arith.constant 5 : i32
      %swap3A_560 = arith.index_cast %swap3A_559 : i32 to index
      %swap3A_561 = arith.constant 0 : index
      %swap3A_562 = tpu.vector_load %arg14[%swap3A_560, %swap3A_561] {strides = array<i32>} : memref<16x17xf32, #tpu.memory_space<vmem>>, vector<16xf32>,
      tpu.vector_store %arg14[%swap3A_560, %swap3A_561], %add3A_558 {strides = array<i32>} : memref<16x17xf32, #tpu.memory_space<vmem>>, vector<16xf32>,
      %add3A_563 = arith.constant 6 : i32
      %add3A_564 = arith.addi %mul3A_206, %add3A_563 : i32
      %broadcast_in_dim3A_565 = arith.constant 0.000000e+00 : f32
      %broadcast_in_dim3A_566 = vector.broadcast %broadcast_in_dim3A_565 : f32 to vector<16xf32>
      %get3A_567 = arith.index_cast %add3A_564 : i32 to index
      %get3A_568 = arith.constant 0 : index
      %get3A_569 = tpu.vector_load %arg11[%get3A_567, %get3A_568] {strides = array<i32>} : memref<256x128xf32, #tpu.memory_space<vmem>>, vector<16xf32>,
      %get3A_570 = arith.index_cast %add3A_564 : i32 to index
      %get3A_571 = arith.constant 0 : index
      %get3A_572 = tpu.vector_load %arg12[%get3A_570, %get3A_571] {strides = array<i32>} : memref<256x64xf32, #tpu.memory_space<vmem>>, vector<16xf32>,
      %add3A_573 = arith.addf %get3A_569, %get3A_572 : vector<16xf32>
      %get3A_574 = arith.index_cast %add3A_564 : i32 to index
      %get3A_575 = arith.constant 0 : index
      %get3A_576 = tpu.vector_load %arg13[%get3A_574, %get3A_575] {strides = array<i32>} : memref<256x128xf32, #tpu.memory_space<vmem>>, vector<16xf32>,
      %sub3A_577 = arith.subf %add3A_573, %get3A_576 : vector<16xf32>
      %mul3A_578 = arith.mulf %sub3A_577, %sub3A_577 : vector<16xf32>
      %add3A_579 = arith.addf %broadcast_in_dim3A_566, %mul3A_578 : vector<16xf32>
      %get3A_580 = arith.index_cast %add3A_564 : i32 to index
      %get3A_581 = arith.constant 16 : index
      %get3A_582 = tpu.vector_load %arg11[%get3A_580, %get3A_581] {strides = array<i32>} : memref<256x128xf32, #tpu.memory_space<vmem>>, vector<16xf32>,
      %get3A_583 = arith.index_cast %add3A_564 : i32 to index
      %get3A_584 = arith.constant 16 : index
      %get3A_585 = tpu.vector_load %arg12[%get3A_583, %get3A_584] {strides = array<i32>} : memref<256x64xf32, #tpu.memory_space<vmem>>, vector<16xf32>,
      %add3A_586 = arith.addf %get3A_582, %get3A_585 : vector<16xf32>
      %get3A_587 = arith.index_cast %add3A_564 : i32 to index
      %get3A_588 = arith.constant 16 : index
      %get3A_589 = tpu.vector_load %arg13[%get3A_587, %get3A_588] {strides = array<i32>} : memref<256x128xf32, #tpu.memory_space<vmem>>, vector<16xf32>,
      %sub3A_590 = arith.subf %add3A_586, %get3A_589 : vector<16xf32>
      %mul3A_591 = arith.mulf %sub3A_590, %sub3A_590 : vector<16xf32>
      %add3A_592 = arith.addf %add3A_579, %mul3A_591 : vector<16xf32>
      %get3A_593 = arith.index_cast %add3A_564 : i32 to index
      %get3A_594 = arith.constant 32 : index
      %get3A_595 = tpu.vector_load %arg11[%get3A_593, %get3A_594] {strides = array<i32>} : memref<256x128xf32, #tpu.memory_space<vmem>>, vector<16xf32>,
      %get3A_596 = arith.index_cast %add3A_564 : i32 to index
      %get3A_597 = arith.constant 32 : index
      %get3A_598 = tpu.vector_load %arg12[%get3A_596, %get3A_597] {strides = array<i32>} : memref<256x64xf32, #tpu.memory_space<vmem>>, vector<16xf32>,
      %add3A_599 = arith.addf %get3A_595, %get3A_598 : vector<16xf32>
      %get3A_600 = arith.index_cast %add3A_564 : i32 to index
      %get3A_601 = arith.constant 32 : index
      %get3A_602 = tpu.vector_load %arg13[%get3A_600, %get3A_601] {strides = array<i32>} : memref<256x128xf32, #tpu.memory_space<vmem>>, vector<16xf32>,
      %sub3A_603 = arith.subf %add3A_599, %get3A_602 : vector<16xf32>
      %mul3A_604 = arith.mulf %sub3A_603, %sub3A_603 : vector<16xf32>
      %add3A_605 = arith.addf %add3A_592, %mul3A_604 : vector<16xf32>
      %get3A_606 = arith.index_cast %add3A_564 : i32 to index
      %get3A_607 = arith.constant 48 : index
      %get3A_608 = tpu.vector_load %arg11[%get3A_606, %get3A_607] {strides = array<i32>} : memref<256x128xf32, #tpu.memory_space<vmem>>, vector<16xf32>,
      %get3A_609 = arith.index_cast %add3A_564 : i32 to index
      %get3A_610 = arith.constant 48 : index
      %get3A_611 = tpu.vector_load %arg12[%get3A_609, %get3A_610] {strides = array<i32>} : memref<256x64xf32, #tpu.memory_space<vmem>>, vector<16xf32>,
      %add3A_612 = arith.addf %get3A_608, %get3A_611 : vector<16xf32>
      %get3A_613 = arith.index_cast %add3A_564 : i32 to index
      %get3A_614 = arith.constant 48 : index
      %get3A_615 = tpu.vector_load %arg13[%get3A_613, %get3A_614] {strides = array<i32>} : memref<256x128xf32, #tpu.memory_space<vmem>>, vector<16xf32>,
      %sub3A_616 = arith.subf %add3A_612, %get3A_615 : vector<16xf32>
      %mul3A_617 = arith.mulf %sub3A_616, %sub3A_616 : vector<16xf32>
      %add3A_618 = arith.addf %add3A_605, %mul3A_617 : vector<16xf32>
      %swap3A_619 = arith.constant 6 : i32
      %swap3A_620 = arith.index_cast %swap3A_619 : i32 to index
      %swap3A_621 = arith.constant 0 : index
      %swap3A_622 = tpu.vector_load %arg14[%swap3A_620, %swap3A_621] {strides = array<i32>} : memref<16x17xf32, #tpu.memory_space<vmem>>, vector<16xf32>,
      tpu.vector_store %arg14[%swap3A_620, %swap3A_621], %add3A_618 {strides = array<i32>} : memref<16x17xf32, #tpu.memory_space<vmem>>, vector<16xf32>,
      %add3A_623 = arith.constant 7 : i32
      %add3A_624 = arith.addi %mul3A_206, %add3A_623 : i32
      %broadcast_in_dim3A_625 = arith.constant 0.000000e+00 : f32
      %broadcast_in_dim3A_626 = vector.broadcast %broadcast_in_dim3A_625 : f32 to vector<16xf32>
      %get3A_627 = arith.index_cast %add3A_624 : i32 to index
      %get3A_628 = arith.constant 0 : index
      %get3A_629 = tpu.vector_load %arg11[%get3A_627, %get3A_628] {strides = array<i32>} : memref<256x128xf32, #tpu.memory_space<vmem>>, vector<16xf32>,
      %get3A_630 = arith.index_cast %add3A_624 : i32 to index
      %get3A_631 = arith.constant 0 : index
      %get3A_632 = tpu.vector_load %arg12[%get3A_630, %get3A_631] {strides = array<i32>} : memref<256x64xf32, #tpu.memory_space<vmem>>, vector<16xf32>,
      %add3A_633 = arith.addf %get3A_629, %get3A_632 : vector<16xf32>
      %get3A_634 = arith.index_cast %add3A_624 : i32 to index
      %get3A_635 = arith.constant 0 : index
      %get3A_636 = tpu.vector_load %arg13[%get3A_634, %get3A_635] {strides = array<i32>} : memref<256x128xf32, #tpu.memory_space<vmem>>, vector<16xf32>,
      %sub3A_637 = arith.subf %add3A_633, %get3A_636 : vector<16xf32>
      %mul3A_638 = arith.mulf %sub3A_637, %sub3A_637 : vector<16xf32>
      %add3A_639 = arith.addf %broadcast_in_dim3A_626, %mul3A_638 : vector<16xf32>
      %get3A_640 = arith.index_cast %add3A_624 : i32 to index
      %get3A_641 = arith.constant 16 : index
      %get3A_642 = tpu.vector_load %arg11[%get3A_640, %get3A_641] {strides = array<i32>} : memref<256x128xf32, #tpu.memory_space<vmem>>, vector<16xf32>,
      %get3A_643 = arith.index_cast %add3A_624 : i32 to index
      %get3A_644 = arith.constant 16 : index
      %get3A_645 = tpu.vector_load %arg12[%get3A_643, %get3A_644] {strides = array<i32>} : memref<256x64xf32, #tpu.memory_space<vmem>>, vector<16xf32>,
      %add3A_646 = arith.addf %get3A_642, %get3A_645 : vector<16xf32>
      %get3A_647 = arith.index_cast %add3A_624 : i32 to index
      %get3A_648 = arith.constant 16 : index
      %get3A_649 = tpu.vector_load %arg13[%get3A_647, %get3A_648] {strides = array<i32>} : memref<256x128xf32, #tpu.memory_space<vmem>>, vector<16xf32>,
      %sub3A_650 = arith.subf %add3A_646, %get3A_649 : vector<16xf32>
      %mul3A_651 = arith.mulf %sub3A_650, %sub3A_650 : vector<16xf32>
      %add3A_652 = arith.addf %add3A_639, %mul3A_651 : vector<16xf32>
      %get3A_653 = arith.index_cast %add3A_624 : i32 to index
      %get3A_654 = arith.constant 32 : index
      %get3A_655 = tpu.vector_load %arg11[%get3A_653, %get3A_654] {strides = array<i32>} : memref<256x128xf32, #tpu.memory_space<vmem>>, vector<16xf32>,
      %get3A_656 = arith.index_cast %add3A_624 : i32 to index
      %get3A_657 = arith.constant 32 : index
      %get3A_658 = tpu.vector_load %arg12[%get3A_656, %get3A_657] {strides = array<i32>} : memref<256x64xf32, #tpu.memory_space<vmem>>, vector<16xf32>,
      %add3A_659 = arith.addf %get3A_655, %get3A_658 : vector<16xf32>
      %get3A_660 = arith.index_cast %add3A_624 : i32 to index
      %get3A_661 = arith.constant 32 : index
      %get3A_662 = tpu.vector_load %arg13[%get3A_660, %get3A_661] {strides = array<i32>} : memref<256x128xf32, #tpu.memory_space<vmem>>, vector<16xf32>,
      %sub3A_663 = arith.subf %add3A_659, %get3A_662 : vector<16xf32>
      %mul3A_664 = arith.mulf %sub3A_663, %sub3A_663 : vector<16xf32>
      %add3A_665 = arith.addf %add3A_652, %mul3A_664 : vector<16xf32>
      %get3A_666 = arith.index_cast %add3A_624 : i32 to index
      %get3A_667 = arith.constant 48 : index
      %get3A_668 = tpu.vector_load %arg11[%get3A_666, %get3A_667] {strides = array<i32>} : memref<256x128xf32, #tpu.memory_space<vmem>>, vector<16xf32>,
      %get3A_669 = arith.index_cast %add3A_624 : i32 to index
      %get3A_670 = arith.constant 48 : index
      %get3A_671 = tpu.vector_load %arg12[%get3A_669, %get3A_670] {strides = array<i32>} : memref<256x64xf32, #tpu.memory_space<vmem>>, vector<16xf32>,
      %add3A_672 = arith.addf %get3A_668, %get3A_671 : vector<16xf32>
      %get3A_673 = arith.index_cast %add3A_624 : i32 to index
      %get3A_674 = arith.constant 48 : index
      %get3A_675 = tpu.vector_load %arg13[%get3A_673, %get3A_674] {strides = array<i32>} : memref<256x128xf32, #tpu.memory_space<vmem>>, vector<16xf32>,
      %sub3A_676 = arith.subf %add3A_672, %get3A_675 : vector<16xf32>
      %mul3A_677 = arith.mulf %sub3A_676, %sub3A_676 : vector<16xf32>
      %add3A_678 = arith.addf %add3A_665, %mul3A_677 : vector<16xf32>
      %swap3A_679 = arith.constant 7 : i32
      %swap3A_680 = arith.index_cast %swap3A_679 : i32 to index
      %swap3A_681 = arith.constant 0 : index
      %swap3A_682 = tpu.vector_load %arg14[%swap3A_680, %swap3A_681] {strides = array<i32>} : memref<16x17xf32, #tpu.memory_space<vmem>>, vector<16xf32>,
      tpu.vector_store %arg14[%swap3A_680, %swap3A_681], %add3A_678 {strides = array<i32>} : memref<16x17xf32, #tpu.memory_space<vmem>>, vector<16xf32>,
      %add3A_683 = arith.constant 8 : i32
      %add3A_684 = arith.addi %mul3A_206, %add3A_683 : i32
      %broadcast_in_dim3A_685 = arith.constant 0.000000e+00 : f32
      %broadcast_in_dim3A_686 = vector.broadcast %broadcast_in_dim3A_685 : f32 to vector<16xf32>
      %get3A_687 = arith.index_cast %add3A_684 : i32 to index
      %get3A_688 = arith.constant 0 : index
      %get3A_689 = tpu.vector_load %arg11[%get3A_687, %get3A_688] {strides = array<i32>} : memref<256x128xf32, #tpu.memory_space<vmem>>, vector<16xf32>,
      %get3A_690 = arith.index_cast %add3A_684 : i32 to index
      %get3A_691 = arith.constant 0 : index
      %get3A_692 = tpu.vector_load %arg12[%get3A_690, %get3A_691] {strides = array<i32>} : memref<256x64xf32, #tpu.memory_space<vmem>>, vector<16xf32>,
      %add3A_693 = arith.addf %get3A_689, %get3A_692 : vector<16xf32>
      %get3A_694 = arith.index_cast %add3A_684 : i32 to index
      %get3A_695 = arith.constant 0 : index
      %get3A_696 = tpu.vector_load %arg13[%get3A_694, %get3A_695] {strides = array<i32>} : memref<256x128xf32, #tpu.memory_space<vmem>>, vector<16xf32>,
      %sub3A_697 = arith.subf %add3A_693, %get3A_696 : vector<16xf32>
      %mul3A_698 = arith.mulf %sub3A_697, %sub3A_697 : vector<16xf32>
      %add3A_699 = arith.addf %broadcast_in_dim3A_686, %mul3A_698 : vector<16xf32>
      %get3A_700 = arith.index_cast %add3A_684 : i32 to index
      %get3A_701 = arith.constant 16 : index
      %get3A_702 = tpu.vector_load %arg11[%get3A_700, %get3A_701] {strides = array<i32>} : memref<256x128xf32, #tpu.memory_space<vmem>>, vector<16xf32>,
      %get3A_703 = arith.index_cast %add3A_684 : i32 to index
      %get3A_704 = arith.constant 16 : index
      %get3A_705 = tpu.vector_load %arg12[%get3A_703, %get3A_704] {strides = array<i32>} : memref<256x64xf32, #tpu.memory_space<vmem>>, vector<16xf32>,
      %add3A_706 = arith.addf %get3A_702, %get3A_705 : vector<16xf32>
      %get3A_707 = arith.index_cast %add3A_684 : i32 to index
      %get3A_708 = arith.constant 16 : index
      %get3A_709 = tpu.vector_load %arg13[%get3A_707, %get3A_708] {strides = array<i32>} : memref<256x128xf32, #tpu.memory_space<vmem>>, vector<16xf32>,
      %sub3A_710 = arith.subf %add3A_706, %get3A_709 : vector<16xf32>
      %mul3A_711 = arith.mulf %sub3A_710, %sub3A_710 : vector<16xf32>
      %add3A_712 = arith.addf %add3A_699, %mul3A_711 : vector<16xf32>
      %get3A_713 = arith.index_cast %add3A_684 : i32 to index
      %get3A_714 = arith.constant 32 : index
      %get3A_715 = tpu.vector_load %arg11[%get3A_713, %get3A_714] {strides = array<i32>} : memref<256x128xf32, #tpu.memory_space<vmem>>, vector<16xf32>,
      %get3A_716 = arith.index_cast %add3A_684 : i32 to index
      %get3A_717 = arith.constant 32 : index
      %get3A_718 = tpu.vector_load %arg12[%get3A_716, %get3A_717] {strides = array<i32>} : memref<256x64xf32, #tpu.memory_space<vmem>>, vector<16xf32>,
      %add3A_719 = arith.addf %get3A_715, %get3A_718 : vector<16xf32>
      %get3A_720 = arith.index_cast %add3A_684 : i32 to index
      %get3A_721 = arith.constant 32 : index
      %get3A_722 = tpu.vector_load %arg13[%get3A_720, %get3A_721] {strides = array<i32>} : memref<256x128xf32, #tpu.memory_space<vmem>>, vector<16xf32>,
      %sub3A_723 = arith.subf %add3A_719, %get3A_722 : vector<16xf32>
      %mul3A_724 = arith.mulf %sub3A_723, %sub3A_723 : vector<16xf32>
      %add3A_725 = arith.addf %add3A_712, %mul3A_724 : vector<16xf32>
      %get3A_726 = arith.index_cast %add3A_684 : i32 to index
      %get3A_727 = arith.constant 48 : index
      %get3A_728 = tpu.vector_load %arg11[%get3A_726, %get3A_727] {strides = array<i32>} : memref<256x128xf32, #tpu.memory_space<vmem>>, vector<16xf32>,
      %get3A_729 = arith.index_cast %add3A_684 : i32 to index
      %get3A_730 = arith.constant 48 : index
      %get3A_731 = tpu.vector_load %arg12[%get3A_729, %get3A_730] {strides = array<i32>} : memref<256x64xf32, #tpu.memory_space<vmem>>, vector<16xf32>,
      %add3A_732 = arith.addf %get3A_728, %get3A_731 : vector<16xf32>
      %get3A_733 = arith.index_cast %add3A_684 : i32 to index
      %get3A_734 = arith.constant 48 : index
      %get3A_735 = tpu.vector_load %arg13[%get3A_733, %get3A_734] {strides = array<i32>} : memref<256x128xf32, #tpu.memory_space<vmem>>, vector<16xf32>,
      %sub3A_736 = arith.subf %add3A_732, %get3A_735 : vector<16xf32>
      %mul3A_737 = arith.mulf %sub3A_736, %sub3A_736 : vector<16xf32>
      %add3A_738 = arith.addf %add3A_725, %mul3A_737 : vector<16xf32>
      %swap3A_739 = arith.constant 8 : i32
      %swap3A_740 = arith.index_cast %swap3A_739 : i32 to index
      %swap3A_741 = arith.constant 0 : index
      %swap3A_742 = tpu.vector_load %arg14[%swap3A_740, %swap3A_741] {strides = array<i32>} : memref<16x17xf32, #tpu.memory_space<vmem>>, vector<16xf32>,
      tpu.vector_store %arg14[%swap3A_740, %swap3A_741], %add3A_738 {strides = array<i32>} : memref<16x17xf32, #tpu.memory_space<vmem>>, vector<16xf32>,
      %add3A_743 = arith.constant 9 : i32
      %add3A_744 = arith.addi %mul3A_206, %add3A_743 : i32
      %broadcast_in_dim3A_745 = arith.constant 0.000000e+00 : f32
      %broadcast_in_dim3A_746 = vector.broadcast %broadcast_in_dim3A_745 : f32 to vector<16xf32>
      %get3A_747 = arith.index_cast %add3A_744 : i32 to index
      %get3A_748 = arith.constant 0 : index
      %get3A_749 = tpu.vector_load %arg11[%get3A_747, %get3A_748] {strides = array<i32>} : memref<256x128xf32, #tpu.memory_space<vmem>>, vector<16xf32>,
      %get3A_750 = arith.index_cast %add3A_744 : i32 to index
      %get3A_751 = arith.constant 0 : index
      %get3A_752 = tpu.vector_load %arg12[%get3A_750, %get3A_751] {strides = array<i32>} : memref<256x64xf32, #tpu.memory_space<vmem>>, vector<16xf32>,
      %add3A_753 = arith.addf %get3A_749, %get3A_752 : vector<16xf32>
      %get3A_754 = arith.index_cast %add3A_744 : i32 to index
      %get3A_755 = arith.constant 0 : index
      %get3A_756 = tpu.vector_load %arg13[%get3A_754, %get3A_755] {strides = array<i32>} : memref<256x128xf32, #tpu.memory_space<vmem>>, vector<16xf32>,
      %sub3A_757 = arith.subf %add3A_753, %get3A_756 : vector<16xf32>
      %mul3A_758 = arith.mulf %sub3A_757, %sub3A_757 : vector<16xf32>
      %add3A_759 = arith.addf %broadcast_in_dim3A_746, %mul3A_758 : vector<16xf32>
      %get3A_760 = arith.index_cast %add3A_744 : i32 to index
      %get3A_761 = arith.constant 16 : index
      %get3A_762 = tpu.vector_load %arg11[%get3A_760, %get3A_761] {strides = array<i32>} : memref<256x128xf32, #tpu.memory_space<vmem>>, vector<16xf32>,
      %get3A_763 = arith.index_cast %add3A_744 : i32 to index
      %get3A_764 = arith.constant 16 : index
      %get3A_765 = tpu.vector_load %arg12[%get3A_763, %get3A_764] {strides = array<i32>} : memref<256x64xf32, #tpu.memory_space<vmem>>, vector<16xf32>,
      %add3A_766 = arith.addf %get3A_762, %get3A_765 : vector<16xf32>
      %get3A_767 = arith.index_cast %add3A_744 : i32 to index
      %get3A_768 = arith.constant 16 : index
      %get3A_769 = tpu.vector_load %arg13[%get3A_767, %get3A_768] {strides = array<i32>} : memref<256x128xf32, #tpu.memory_space<vmem>>, vector<16xf32>,
      %sub3A_770 = arith.subf %add3A_766, %get3A_769 : vector<16xf32>
      %mul3A_771 = arith.mulf %sub3A_770, %sub3A_770 : vector<16xf32>
      %add3A_772 = arith.addf %add3A_759, %mul3A_771 : vector<16xf32>
      %get3A_773 = arith.index_cast %add3A_744 : i32 to index
      %get3A_774 = arith.constant 32 : index
      %get3A_775 = tpu.vector_load %arg11[%get3A_773, %get3A_774] {strides = array<i32>} : memref<256x128xf32, #tpu.memory_space<vmem>>, vector<16xf32>,
      %get3A_776 = arith.index_cast %add3A_744 : i32 to index
      %get3A_777 = arith.constant 32 : index
      %get3A_778 = tpu.vector_load %arg12[%get3A_776, %get3A_777] {strides = array<i32>} : memref<256x64xf32, #tpu.memory_space<vmem>>, vector<16xf32>,
      %add3A_779 = arith.addf %get3A_775, %get3A_778 : vector<16xf32>
      %get3A_780 = arith.index_cast %add3A_744 : i32 to index
      %get3A_781 = arith.constant 32 : index
      %get3A_782 = tpu.vector_load %arg13[%get3A_780, %get3A_781] {strides = array<i32>} : memref<256x128xf32, #tpu.memory_space<vmem>>, vector<16xf32>,
      %sub3A_783 = arith.subf %add3A_779, %get3A_782 : vector<16xf32>
      %mul3A_784 = arith.mulf %sub3A_783, %sub3A_783 : vector<16xf32>
      %add3A_785 = arith.addf %add3A_772, %mul3A_784 : vector<16xf32>
      %get3A_786 = arith.index_cast %add3A_744 : i32 to index
      %get3A_787 = arith.constant 48 : index
      %get3A_788 = tpu.vector_load %arg11[%get3A_786, %get3A_787] {strides = array<i32>} : memref<256x128xf32, #tpu.memory_space<vmem>>, vector<16xf32>,
      %get3A_789 = arith.index_cast %add3A_744 : i32 to index
      %get3A_790 = arith.constant 48 : index
      %get3A_791 = tpu.vector_load %arg12[%get3A_789, %get3A_790] {strides = array<i32>} : memref<256x64xf32, #tpu.memory_space<vmem>>, vector<16xf32>,
      %add3A_792 = arith.addf %get3A_788, %get3A_791 : vector<16xf32>
      %get3A_793 = arith.index_cast %add3A_744 : i32 to index
      %get3A_794 = arith.constant 48 : index
      %get3A_795 = tpu.vector_load %arg13[%get3A_793, %get3A_794] {strides = array<i32>} : memref<256x128xf32, #tpu.memory_space<vmem>>, vector<16xf32>,
      %sub3A_796 = arith.subf %add3A_792, %get3A_795 : vector<16xf32>
      %mul3A_797 = arith.mulf %sub3A_796, %sub3A_796 : vector<16xf32>
      %add3A_798 = arith.addf %add3A_785, %mul3A_797 : vector<16xf32>
      %swap3A_799 = arith.constant 9 : i32
      %swap3A_800 = arith.index_cast %swap3A_799 : i32 to index
      %swap3A_801 = arith.constant 0 : index
      %swap3A_802 = tpu.vector_load %arg14[%swap3A_800, %swap3A_801] {strides = array<i32>} : memref<16x17xf32, #tpu.memory_space<vmem>>, vector<16xf32>,
      tpu.vector_store %arg14[%swap3A_800, %swap3A_801], %add3A_798 {strides = array<i32>} : memref<16x17xf32, #tpu.memory_space<vmem>>, vector<16xf32>,
      %add3A_803 = arith.constant 10 : i32
      %add3A_804 = arith.addi %mul3A_206, %add3A_803 : i32
      %broadcast_in_dim3A_805 = arith.constant 0.000000e+00 : f32
      %broadcast_in_dim3A_806 = vector.broadcast %broadcast_in_dim3A_805 : f32 to vector<16xf32>
      %get3A_807 = arith.index_cast %add3A_804 : i32 to index
      %get3A_808 = arith.constant 0 : index
      %get3A_809 = tpu.vector_load %arg11[%get3A_807, %get3A_808] {strides = array<i32>} : memref<256x128xf32, #tpu.memory_space<vmem>>, vector<16xf32>,
      %get3A_810 = arith.index_cast %add3A_804 : i32 to index
      %get3A_811 = arith.constant 0 : index
      %get3A_812 = tpu.vector_load %arg12[%get3A_810, %get3A_811] {strides = array<i32>} : memref<256x64xf32, #tpu.memory_space<vmem>>, vector<16xf32>,
      %add3A_813 = arith.addf %get3A_809, %get3A_812 : vector<16xf32>
      %get3A_814 = arith.index_cast %add3A_804 : i32 to index
      %get3A_815 = arith.constant 0 : index
      %get3A_816 = tpu.vector_load %arg13[%get3A_814, %get3A_815] {strides = array<i32>} : memref<256x128xf32, #tpu.memory_space<vmem>>, vector<16xf32>,
      %sub3A_817 = arith.subf %add3A_813, %get3A_816 : vector<16xf32>
      %mul3A_818 = arith.mulf %sub3A_817, %sub3A_817 : vector<16xf32>
      %add3A_819 = arith.addf %broadcast_in_dim3A_806, %mul3A_818 : vector<16xf32>
      %get3A_820 = arith.index_cast %add3A_804 : i32 to index
      %get3A_821 = arith.constant 16 : index
      %get3A_822 = tpu.vector_load %arg11[%get3A_820, %get3A_821] {strides = array<i32>} : memref<256x128xf32, #tpu.memory_space<vmem>>, vector<16xf32>,
      %get3A_823 = arith.index_cast %add3A_804 : i32 to index
      %get3A_824 = arith.constant 16 : index
      %get3A_825 = tpu.vector_load %arg12[%get3A_823, %get3A_824] {strides = array<i32>} : memref<256x64xf32, #tpu.memory_space<vmem>>, vector<16xf32>,
      %add3A_826 = arith.addf %get3A_822, %get3A_825 : vector<16xf32>
      %get3A_827 = arith.index_cast %add3A_804 : i32 to index
      %get3A_828 = arith.constant 16 : index
      %get3A_829 = tpu.vector_load %arg13[%get3A_827, %get3A_828] {strides = array<i32>} : memref<256x128xf32, #tpu.memory_space<vmem>>, vector<16xf32>,
      %sub3A_830 = arith.subf %add3A_826, %get3A_829 : vector<16xf32>
      %mul3A_831 = arith.mulf %sub3A_830, %sub3A_830 : vector<16xf32>
      %add3A_832 = arith.addf %add3A_819, %mul3A_831 : vector<16xf32>
      %get3A_833 = arith.index_cast %add3A_804 : i32 to index
      %get3A_834 = arith.constant 32 : index
      %get3A_835 = tpu.vector_load %arg11[%get3A_833, %get3A_834] {strides = array<i32>} : memref<256x128xf32, #tpu.memory_space<vmem>>, vector<16xf32>,
      %get3A_836 = arith.index_cast %add3A_804 : i32 to index
      %get3A_837 = arith.constant 32 : index
      %get3A_838 = tpu.vector_load %arg12[%get3A_836, %get3A_837] {strides = array<i32>} : memref<256x64xf32, #tpu.memory_space<vmem>>, vector<16xf32>,
      %add3A_839 = arith.addf %get3A_835, %get3A_838 : vector<16xf32>
      %get3A_840 = arith.index_cast %add3A_804 : i32 to index
      %get3A_841 = arith.constant 32 : index
      %get3A_842 = tpu.vector_load %arg13[%get3A_840, %get3A_841] {strides = array<i32>} : memref<256x128xf32, #tpu.memory_space<vmem>>, vector<16xf32>,
      %sub3A_843 = arith.subf %add3A_839, %get3A_842 : vector<16xf32>
      %mul3A_844 = arith.mulf %sub3A_843, %sub3A_843 : vector<16xf32>
      %add3A_845 = arith.addf %add3A_832, %mul3A_844 : vector<16xf32>
      %get3A_846 = arith.index_cast %add3A_804 : i32 to index
      %get3A_847 = arith.constant 48 : index
      %get3A_848 = tpu.vector_load %arg11[%get3A_846, %get3A_847] {strides = array<i32>} : memref<256x128xf32, #tpu.memory_space<vmem>>, vector<16xf32>,
      %get3A_849 = arith.index_cast %add3A_804 : i32 to index
      %get3A_850 = arith.constant 48 : index
      %get3A_851 = tpu.vector_load %arg12[%get3A_849, %get3A_850] {strides = array<i32>} : memref<256x64xf32, #tpu.memory_space<vmem>>, vector<16xf32>,
      %add3A_852 = arith.addf %get3A_848, %get3A_851 : vector<16xf32>
      %get3A_853 = arith.index_cast %add3A_804 : i32 to index
      %get3A_854 = arith.constant 48 : index
      %get3A_855 = tpu.vector_load %arg13[%get3A_853, %get3A_854] {strides = array<i32>} : memref<256x128xf32, #tpu.memory_space<vmem>>, vector<16xf32>,
      %sub3A_856 = arith.subf %add3A_852, %get3A_855 : vector<16xf32>
      %mul3A_857 = arith.mulf %sub3A_856, %sub3A_856 : vector<16xf32>
      %add3A_858 = arith.addf %add3A_845, %mul3A_857 : vector<16xf32>
      %swap3A_859 = arith.constant 10 : i32
      %swap3A_860 = arith.index_cast %swap3A_859 : i32 to index
      %swap3A_861 = arith.constant 0 : index
      %swap3A_862 = tpu.vector_load %arg14[%swap3A_860, %swap3A_861] {strides = array<i32>} : memref<16x17xf32, #tpu.memory_space<vmem>>, vector<16xf32>,
      tpu.vector_store %arg14[%swap3A_860, %swap3A_861], %add3A_858 {strides = array<i32>} : memref<16x17xf32, #tpu.memory_space<vmem>>, vector<16xf32>,
      %add3A_863 = arith.constant 11 : i32
      %add3A_864 = arith.addi %mul3A_206, %add3A_863 : i32
      %broadcast_in_dim3A_865 = arith.constant 0.000000e+00 : f32
      %broadcast_in_dim3A_866 = vector.broadcast %broadcast_in_dim3A_865 : f32 to vector<16xf32>
      %get3A_867 = arith.index_cast %add3A_864 : i32 to index
      %get3A_868 = arith.constant 0 : index
      %get3A_869 = tpu.vector_load %arg11[%get3A_867, %get3A_868] {strides = array<i32>} : memref<256x128xf32, #tpu.memory_space<vmem>>, vector<16xf32>,
      %get3A_870 = arith.index_cast %add3A_864 : i32 to index
      %get3A_871 = arith.constant 0 : index
      %get3A_872 = tpu.vector_load %arg12[%get3A_870, %get3A_871] {strides = array<i32>} : memref<256x64xf32, #tpu.memory_space<vmem>>, vector<16xf32>,
      %add3A_873 = arith.addf %get3A_869, %get3A_872 : vector<16xf32>
      %get3A_874 = arith.index_cast %add3A_864 : i32 to index
      %get3A_875 = arith.constant 0 : index
      %get3A_876 = tpu.vector_load %arg13[%get3A_874, %get3A_875] {strides = array<i32>} : memref<256x128xf32, #tpu.memory_space<vmem>>, vector<16xf32>,
      %sub3A_877 = arith.subf %add3A_873, %get3A_876 : vector<16xf32>
      %mul3A_878 = arith.mulf %sub3A_877, %sub3A_877 : vector<16xf32>
      %add3A_879 = arith.addf %broadcast_in_dim3A_866, %mul3A_878 : vector<16xf32>
      %get3A_880 = arith.index_cast %add3A_864 : i32 to index
      %get3A_881 = arith.constant 16 : index
      %get3A_882 = tpu.vector_load %arg11[%get3A_880, %get3A_881] {strides = array<i32>} : memref<256x128xf32, #tpu.memory_space<vmem>>, vector<16xf32>,
      %get3A_883 = arith.index_cast %add3A_864 : i32 to index
      %get3A_884 = arith.constant 16 : index
      %get3A_885 = tpu.vector_load %arg12[%get3A_883, %get3A_884] {strides = array<i32>} : memref<256x64xf32, #tpu.memory_space<vmem>>, vector<16xf32>,
      %add3A_886 = arith.addf %get3A_882, %get3A_885 : vector<16xf32>
      %get3A_887 = arith.index_cast %add3A_864 : i32 to index
      %get3A_888 = arith.constant 16 : index
      %get3A_889 = tpu.vector_load %arg13[%get3A_887, %get3A_888] {strides = array<i32>} : memref<256x128xf32, #tpu.memory_space<vmem>>, vector<16xf32>,
      %sub3A_890 = arith.subf %add3A_886, %get3A_889 : vector<16xf32>
      %mul3A_891 = arith.mulf %sub3A_890, %sub3A_890 : vector<16xf32>
      %add3A_892 = arith.addf %add3A_879, %mul3A_891 : vector<16xf32>
      %get3A_893 = arith.index_cast %add3A_864 : i32 to index
      %get3A_894 = arith.constant 32 : index
      %get3A_895 = tpu.vector_load %arg11[%get3A_893, %get3A_894] {strides = array<i32>} : memref<256x128xf32, #tpu.memory_space<vmem>>, vector<16xf32>,
      %get3A_896 = arith.index_cast %add3A_864 : i32 to index
      %get3A_897 = arith.constant 32 : index
      %get3A_898 = tpu.vector_load %arg12[%get3A_896, %get3A_897] {strides = array<i32>} : memref<256x64xf32, #tpu.memory_space<vmem>>, vector<16xf32>,
      %add3A_899 = arith.addf %get3A_895, %get3A_898 : vector<16xf32>
      %get3A_900 = arith.index_cast %add3A_864 : i32 to index
      %get3A_901 = arith.constant 32 : index
      %get3A_902 = tpu.vector_load %arg13[%get3A_900, %get3A_901] {strides = array<i32>} : memref<256x128xf32, #tpu.memory_space<vmem>>, vector<16xf32>,
      %sub3A_903 = arith.subf %add3A_899, %get3A_902 : vector<16xf32>
      %mul3A_904 = arith.mulf %sub3A_903, %sub3A_903 : vector<16xf32>
      %add3A_905 = arith.addf %add3A_892, %mul3A_904 : vector<16xf32>
      %get3A_906 = arith.index_cast %add3A_864 : i32 to index
      %get3A_907 = arith.constant 48 : index
      %get3A_908 = tpu.vector_load %arg11[%get3A_906, %get3A_907] {strides = array<i32>} : memref<256x128xf32, #tpu.memory_space<vmem>>, vector<16xf32>,
      %get3A_909 = arith.index_cast %add3A_864 : i32 to index
      %get3A_910 = arith.constant 48 : index
      %get3A_911 = tpu.vector_load %arg12[%get3A_909, %get3A_910] {strides = array<i32>} : memref<256x64xf32, #tpu.memory_space<vmem>>, vector<16xf32>,
      %add3A_912 = arith.addf %get3A_908, %get3A_911 : vector<16xf32>
      %get3A_913 = arith.index_cast %add3A_864 : i32 to index
      %get3A_914 = arith.constant 48 : index
      %get3A_915 = tpu.vector_load %arg13[%get3A_913, %get3A_914] {strides = array<i32>} : memref<256x128xf32, #tpu.memory_space<vmem>>, vector<16xf32>,
      %sub3A_916 = arith.subf %add3A_912, %get3A_915 : vector<16xf32>
      %mul3A_917 = arith.mulf %sub3A_916, %sub3A_916 : vector<16xf32>
      %add3A_918 = arith.addf %add3A_905, %mul3A_917 : vector<16xf32>
      %swap3A_919 = arith.constant 11 : i32
      %swap3A_920 = arith.index_cast %swap3A_919 : i32 to index
      %swap3A_921 = arith.constant 0 : index
      %swap3A_922 = tpu.vector_load %arg14[%swap3A_920, %swap3A_921] {strides = array<i32>} : memref<16x17xf32, #tpu.memory_space<vmem>>, vector<16xf32>,
      tpu.vector_store %arg14[%swap3A_920, %swap3A_921], %add3A_918 {strides = array<i32>} : memref<16x17xf32, #tpu.memory_space<vmem>>, vector<16xf32>,
      %add3A_923 = arith.constant 12 : i32
      %add3A_924 = arith.addi %mul3A_206, %add3A_923 : i32
      %broadcast_in_dim3A_925 = arith.constant 0.000000e+00 : f32
      %broadcast_in_dim3A_926 = vector.broadcast %broadcast_in_dim3A_925 : f32 to vector<16xf32>
      %get3A_927 = arith.index_cast %add3A_924 : i32 to index
      %get3A_928 = arith.constant 0 : index
      %get3A_929 = tpu.vector_load %arg11[%get3A_927, %get3A_928] {strides = array<i32>} : memref<256x128xf32, #tpu.memory_space<vmem>>, vector<16xf32>,
      %get3A_930 = arith.index_cast %add3A_924 : i32 to index
      %get3A_931 = arith.constant 0 : index
      %get3A_932 = tpu.vector_load %arg12[%get3A_930, %get3A_931] {strides = array<i32>} : memref<256x64xf32, #tpu.memory_space<vmem>>, vector<16xf32>,
      %add3A_933 = arith.addf %get3A_929, %get3A_932 : vector<16xf32>
      %get3A_934 = arith.index_cast %add3A_924 : i32 to index
      %get3A_935 = arith.constant 0 : index
      %get3A_936 = tpu.vector_load %arg13[%get3A_934, %get3A_935] {strides = array<i32>} : memref<256x128xf32, #tpu.memory_space<vmem>>, vector<16xf32>,
      %sub3A_937 = arith.subf %add3A_933, %get3A_936 : vector<16xf32>
      %mul3A_938 = arith.mulf %sub3A_937, %sub3A_937 : vector<16xf32>
      %add3A_939 = arith.addf %broadcast_in_dim3A_926, %mul3A_938 : vector<16xf32>
      %get3A_940 = arith.index_cast %add3A_924 : i32 to index
      %get3A_941 = arith.constant 16 : index
      %get3A_942 = tpu.vector_load %arg11[%get3A_940, %get3A_941] {strides = array<i32>} : memref<256x128xf32, #tpu.memory_space<vmem>>, vector<16xf32>,
      %get3A_943 = arith.index_cast %add3A_924 : i32 to index
      %get3A_944 = arith.constant 16 : index
      %get3A_945 = tpu.vector_load %arg12[%get3A_943, %get3A_944] {strides = array<i32>} : memref<256x64xf32, #tpu.memory_space<vmem>>, vector<16xf32>,
      %add3A_946 = arith.addf %get3A_942, %get3A_945 : vector<16xf32>
      %get3A_947 = arith.index_cast %add3A_924 : i32 to index
      %get3A_948 = arith.constant 16 : index
      %get3A_949 = tpu.vector_load %arg13[%get3A_947, %get3A_948] {strides = array<i32>} : memref<256x128xf32, #tpu.memory_space<vmem>>, vector<16xf32>,
      %sub3A_950 = arith.subf %add3A_946, %get3A_949 : vector<16xf32>
      %mul3A_951 = arith.mulf %sub3A_950, %sub3A_950 : vector<16xf32>
      %add3A_952 = arith.addf %add3A_939, %mul3A_951 : vector<16xf32>
      %get3A_953 = arith.index_cast %add3A_924 : i32 to index
      %get3A_954 = arith.constant 32 : index
      %get3A_955 = tpu.vector_load %arg11[%get3A_953, %get3A_954] {strides = array<i32>} : memref<256x128xf32, #tpu.memory_space<vmem>>, vector<16xf32>,
      %get3A_956 = arith.index_cast %add3A_924 : i32 to index
      %get3A_957 = arith.constant 32 : index
      %get3A_958 = tpu.vector_load %arg12[%get3A_956, %get3A_957] {strides = array<i32>} : memref<256x64xf32, #tpu.memory_space<vmem>>, vector<16xf32>,
      %add3A_959 = arith.addf %get3A_955, %get3A_958 : vector<16xf32>
      %get3A_960 = arith.index_cast %add3A_924 : i32 to index
      %get3A_961 = arith.constant 32 : index
      %get3A_962 = tpu.vector_load %arg13[%get3A_960, %get3A_961] {strides = array<i32>} : memref<256x128xf32, #tpu.memory_space<vmem>>, vector<16xf32>,
      %sub3A_963 = arith.subf %add3A_959, %get3A_962 : vector<16xf32>
      %mul3A_964 = arith.mulf %sub3A_963, %sub3A_963 : vector<16xf32>
      %add3A_965 = arith.addf %add3A_952, %mul3A_964 : vector<16xf32>
      %get3A_966 = arith.index_cast %add3A_924 : i32 to index
      %get3A_967 = arith.constant 48 : index
      %get3A_968 = tpu.vector_load %arg11[%get3A_966, %get3A_967] {strides = array<i32>} : memref<256x128xf32, #tpu.memory_space<vmem>>, vector<16xf32>,
      %get3A_969 = arith.index_cast %add3A_924 : i32 to index
      %get3A_970 = arith.constant 48 : index
      %get3A_971 = tpu.vector_load %arg12[%get3A_969, %get3A_970] {strides = array<i32>} : memref<256x64xf32, #tpu.memory_space<vmem>>, vector<16xf32>,
      %add3A_972 = arith.addf %get3A_968, %get3A_971 : vector<16xf32>
      %get3A_973 = arith.index_cast %add3A_924 : i32 to index
      %get3A_974 = arith.constant 48 : index
      %get3A_975 = tpu.vector_load %arg13[%get3A_973, %get3A_974] {strides = array<i32>} : memref<256x128xf32, #tpu.memory_space<vmem>>, vector<16xf32>,
      %sub3A_976 = arith.subf %add3A_972, %get3A_975 : vector<16xf32>
      %mul3A_977 = arith.mulf %sub3A_976, %sub3A_976 : vector<16xf32>
      %add3A_978 = arith.addf %add3A_965, %mul3A_977 : vector<16xf32>
      %swap3A_979 = arith.constant 12 : i32
      %swap3A_980 = arith.index_cast %swap3A_979 : i32 to index
      %swap3A_981 = arith.constant 0 : index
      %swap3A_982 = tpu.vector_load %arg14[%swap3A_980, %swap3A_981] {strides = array<i32>} : memref<16x17xf32, #tpu.memory_space<vmem>>, vector<16xf32>,
      tpu.vector_store %arg14[%swap3A_980, %swap3A_981], %add3A_978 {strides = array<i32>} : memref<16x17xf32, #tpu.memory_space<vmem>>, vector<16xf32>,
      %add3A_983 = arith.constant 13 : i32
      %add3A_984 = arith.addi %mul3A_206, %add3A_983 : i32
      %broadcast_in_dim3A_985 = arith.constant 0.000000e+00 : f32
      %broadcast_in_dim3A_986 = vector.broadcast %broadcast_in_dim3A_985 : f32 to vector<16xf32>
      %get3A_987 = arith.index_cast %add3A_984 : i32 to index
      %get3A_988 = arith.constant 0 : index
      %get3A_989 = tpu.vector_load %arg11[%get3A_987, %get3A_988] {strides = array<i32>} : memref<256x128xf32, #tpu.memory_space<vmem>>, vector<16xf32>,
      %get3A_990 = arith.index_cast %add3A_984 : i32 to index
      %get3A_991 = arith.constant 0 : index
      %get3A_992 = tpu.vector_load %arg12[%get3A_990, %get3A_991] {strides = array<i32>} : memref<256x64xf32, #tpu.memory_space<vmem>>, vector<16xf32>,
      %add3A_993 = arith.addf %get3A_989, %get3A_992 : vector<16xf32>
      %get3A_994 = arith.index_cast %add3A_984 : i32 to index
      %get3A_995 = arith.constant 0 : index
      %get3A_996 = tpu.vector_load %arg13[%get3A_994, %get3A_995] {strides = array<i32>} : memref<256x128xf32, #tpu.memory_space<vmem>>, vector<16xf32>,
      %sub3A_997 = arith.subf %add3A_993, %get3A_996 : vector<16xf32>
      %mul3A_998 = arith.mulf %sub3A_997, %sub3A_997 : vector<16xf32>
      %add3A_999 = arith.addf %broadcast_in_dim3A_986, %mul3A_998 : vector<16xf32>
      %get3A_1000 = arith.index_cast %add3A_984 : i32 to index
      %get3A_1001 = arith.constant 16 : index
      %get3A_1002 = tpu.vector_load %arg11[%get3A_1000, %get3A_1001] {strides = array<i32>} : memref<256x128xf32, #tpu.memory_space<vmem>>, vector<16xf32>,
      %get3A_1003 = arith.index_cast %add3A_984 : i32 to index
      %get3A_1004 = arith.constant 16 : index
      %get3A_1005 = tpu.vector_load %arg12[%get3A_1003, %get3A_1004] {strides = array<i32>} : memref<256x64xf32, #tpu.memory_space<vmem>>, vector<16xf32>,
      %add3A_1006 = arith.addf %get3A_1002, %get3A_1005 : vector<16xf32>
      %get3A_1007 = arith.index_cast %add3A_984 : i32 to index
      %get3A_1008 = arith.constant 16 : index
      %get3A_1009 = tpu.vector_load %arg13[%get3A_1007, %get3A_1008] {strides = array<i32>} : memref<256x128xf32, #tpu.memory_space<vmem>>, vector<16xf32>,
      %sub3A_1010 = arith.subf %add3A_1006, %get3A_1009 : vector<16xf32>
      %mul3A_1011 = arith.mulf %sub3A_1010, %sub3A_1010 : vector<16xf32>
      %add3A_1012 = arith.addf %add3A_999, %mul3A_1011 : vector<16xf32>
      %get3A_1013 = arith.index_cast %add3A_984 : i32 to index
      %get3A_1014 = arith.constant 32 : index
      %get3A_1015 = tpu.vector_load %arg11[%get3A_1013, %get3A_1014] {strides = array<i32>} : memref<256x128xf32, #tpu.memory_space<vmem>>, vector<16xf32>,
      %get3A_1016 = arith.index_cast %add3A_984 : i32 to index
      %get3A_1017 = arith.constant 32 : index
      %get3A_1018 = tpu.vector_load %arg12[%get3A_1016, %get3A_1017] {strides = array<i32>} : memref<256x64xf32, #tpu.memory_space<vmem>>, vector<16xf32>,
      %add3A_1019 = arith.addf %get3A_1015, %get3A_1018 : vector<16xf32>
      %get3A_1020 = arith.index_cast %add3A_984 : i32 to index
      %get3A_1021 = arith.constant 32 : index
      %get3A_1022 = tpu.vector_load %arg13[%get3A_1020, %get3A_1021] {strides = array<i32>} : memref<256x128xf32, #tpu.memory_space<vmem>>, vector<16xf32>,
      %sub3A_1023 = arith.subf %add3A_1019, %get3A_1022 : vector<16xf32>
      %mul3A_1024 = arith.mulf %sub3A_1023, %sub3A_1023 : vector<16xf32>
      %add3A_1025 = arith.addf %add3A_1012, %mul3A_1024 : vector<16xf32>
      %get3A_1026 = arith.index_cast %add3A_984 : i32 to index
      %get3A_1027 = arith.constant 48 : index
      %get3A_1028 = tpu.vector_load %arg11[%get3A_1026, %get3A_1027] {strides = array<i32>} : memref<256x128xf32, #tpu.memory_space<vmem>>, vector<16xf32>,
      %get3A_1029 = arith.index_cast %add3A_984 : i32 to index
      %get3A_1030 = arith.constant 48 : index
      %get3A_1031 = tpu.vector_load %arg12[%get3A_1029, %get3A_1030] {strides = array<i32>} : memref<256x64xf32, #tpu.memory_space<vmem>>, vector<16xf32>,
      %add3A_1032 = arith.addf %get3A_1028, %get3A_1031 : vector<16xf32>
      %get3A_1033 = arith.index_cast %add3A_984 : i32 to index
      %get3A_1034 = arith.constant 48 : index
      %get3A_1035 = tpu.vector_load %arg13[%get3A_1033, %get3A_1034] {strides = array<i32>} : memref<256x128xf32, #tpu.memory_space<vmem>>, vector<16xf32>,
      %sub3A_1036 = arith.subf %add3A_1032, %get3A_1035 : vector<16xf32>
      %mul3A_1037 = arith.mulf %sub3A_1036, %sub3A_1036 : vector<16xf32>
      %add3A_1038 = arith.addf %add3A_1025, %mul3A_1037 : vector<16xf32>
      %swap3A_1039 = arith.constant 13 : i32
      %swap3A_1040 = arith.index_cast %swap3A_1039 : i32 to index
      %swap3A_1041 = arith.constant 0 : index
      %swap3A_1042 = tpu.vector_load %arg14[%swap3A_1040, %swap3A_1041] {strides = array<i32>} : memref<16x17xf32, #tpu.memory_space<vmem>>, vector<16xf32>,
      tpu.vector_store %arg14[%swap3A_1040, %swap3A_1041], %add3A_1038 {strides = array<i32>} : memref<16x17xf32, #tpu.memory_space<vmem>>, vector<16xf32>,
      %add3A_1043 = arith.constant 14 : i32
      %add3A_1044 = arith.addi %mul3A_206, %add3A_1043 : i32
      %broadcast_in_dim3A_1045 = arith.constant 0.000000e+00 : f32
      %broadcast_in_dim3A_1046 = vector.broadcast %broadcast_in_dim3A_1045 : f32 to vector<16xf32>
      %get3A_1047 = arith.index_cast %add3A_1044 : i32 to index
      %get3A_1048 = arith.constant 0 : index
      %get3A_1049 = tpu.vector_load %arg11[%get3A_1047, %get3A_1048] {strides = array<i32>} : memref<256x128xf32, #tpu.memory_space<vmem>>, vector<16xf32>,
      %get3A_1050 = arith.index_cast %add3A_1044 : i32 to index
      %get3A_1051 = arith.constant 0 : index
      %get3A_1052 = tpu.vector_load %arg12[%get3A_1050, %get3A_1051] {strides = array<i32>} : memref<256x64xf32, #tpu.memory_space<vmem>>, vector<16xf32>,
      %add3A_1053 = arith.addf %get3A_1049, %get3A_1052 : vector<16xf32>
      %get3A_1054 = arith.index_cast %add3A_1044 : i32 to index
      %get3A_1055 = arith.constant 0 : index
      %get3A_1056 = tpu.vector_load %arg13[%get3A_1054, %get3A_1055] {strides = array<i32>} : memref<256x128xf32, #tpu.memory_space<vmem>>, vector<16xf32>,
      %sub3A_1057 = arith.subf %add3A_1053, %get3A_1056 : vector<16xf32>
      %mul3A_1058 = arith.mulf %sub3A_1057, %sub3A_1057 : vector<16xf32>
      %add3A_1059 = arith.addf %broadcast_in_dim3A_1046, %mul3A_1058 : vector<16xf32>
      %get3A_1060 = arith.index_cast %add3A_1044 : i32 to index
      %get3A_1061 = arith.constant 16 : index
      %get3A_1062 = tpu.vector_load %arg11[%get3A_1060, %get3A_1061] {strides = array<i32>} : memref<256x128xf32, #tpu.memory_space<vmem>>, vector<16xf32>,
      %get3A_1063 = arith.index_cast %add3A_1044 : i32 to index
      %get3A_1064 = arith.constant 16 : index
      %get3A_1065 = tpu.vector_load %arg12[%get3A_1063, %get3A_1064] {strides = array<i32>} : memref<256x64xf32, #tpu.memory_space<vmem>>, vector<16xf32>,
      %add3A_1066 = arith.addf %get3A_1062, %get3A_1065 : vector<16xf32>
      %get3A_1067 = arith.index_cast %add3A_1044 : i32 to index
      %get3A_1068 = arith.constant 16 : index
      %get3A_1069 = tpu.vector_load %arg13[%get3A_1067, %get3A_1068] {strides = array<i32>} : memref<256x128xf32, #tpu.memory_space<vmem>>, vector<16xf32>,
      %sub3A_1070 = arith.subf %add3A_1066, %get3A_1069 : vector<16xf32>
      %mul3A_1071 = arith.mulf %sub3A_1070, %sub3A_1070 : vector<16xf32>
      %add3A_1072 = arith.addf %add3A_1059, %mul3A_1071 : vector<16xf32>
      %get3A_1073 = arith.index_cast %add3A_1044 : i32 to index
      %get3A_1074 = arith.constant 32 : index
      %get3A_1075 = tpu.vector_load %arg11[%get3A_1073, %get3A_1074] {strides = array<i32>} : memref<256x128xf32, #tpu.memory_space<vmem>>, vector<16xf32>,
      %get3A_1076 = arith.index_cast %add3A_1044 : i32 to index
      %get3A_1077 = arith.constant 32 : index
      %get3A_1078 = tpu.vector_load %arg12[%get3A_1076, %get3A_1077] {strides = array<i32>} : memref<256x64xf32, #tpu.memory_space<vmem>>, vector<16xf32>,
      %add3A_1079 = arith.addf %get3A_1075, %get3A_1078 : vector<16xf32>
      %get3A_1080 = arith.index_cast %add3A_1044 : i32 to index
      %get3A_1081 = arith.constant 32 : index
      %get3A_1082 = tpu.vector_load %arg13[%get3A_1080, %get3A_1081] {strides = array<i32>} : memref<256x128xf32, #tpu.memory_space<vmem>>, vector<16xf32>,
      %sub3A_1083 = arith.subf %add3A_1079, %get3A_1082 : vector<16xf32>
      %mul3A_1084 = arith.mulf %sub3A_1083, %sub3A_1083 : vector<16xf32>
      %add3A_1085 = arith.addf %add3A_1072, %mul3A_1084 : vector<16xf32>
      %get3A_1086 = arith.index_cast %add3A_1044 : i32 to index
      %get3A_1087 = arith.constant 48 : index
      %get3A_1088 = tpu.vector_load %arg11[%get3A_1086, %get3A_1087] {strides = array<i32>} : memref<256x128xf32, #tpu.memory_space<vmem>>, vector<16xf32>,
      %get3A_1089 = arith.index_cast %add3A_1044 : i32 to index
      %get3A_1090 = arith.constant 48 : index
      %get3A_1091 = tpu.vector_load %arg12[%get3A_1089, %get3A_1090] {strides = array<i32>} : memref<256x64xf32, #tpu.memory_space<vmem>>, vector<16xf32>,
      %add3A_1092 = arith.addf %get3A_1088, %get3A_1091 : vector<16xf32>
      %get3A_1093 = arith.index_cast %add3A_1044 : i32 to index
      %get3A_1094 = arith.constant 48 : index
      %get3A_1095 = tpu.vector_load %arg13[%get3A_1093, %get3A_1094] {strides = array<i32>} : memref<256x128xf32, #tpu.memory_space<vmem>>, vector<16xf32>,
      %sub3A_1096 = arith.subf %add3A_1092, %get3A_1095 : vector<16xf32>
      %mul3A_1097 = arith.mulf %sub3A_1096, %sub3A_1096 : vector<16xf32>
      %add3A_1098 = arith.addf %add3A_1085, %mul3A_1097 : vector<16xf32>
      %swap3A_1099 = arith.constant 14 : i32
      %swap3A_1100 = arith.index_cast %swap3A_1099 : i32 to index
      %swap3A_1101 = arith.constant 0 : index
      %swap3A_1102 = tpu.vector_load %arg14[%swap3A_1100, %swap3A_1101] {strides = array<i32>} : memref<16x17xf32, #tpu.memory_space<vmem>>, vector<16xf32>,
      tpu.vector_store %arg14[%swap3A_1100, %swap3A_1101], %add3A_1098 {strides = array<i32>} : memref<16x17xf32, #tpu.memory_space<vmem>>, vector<16xf32>,
      %add3A_1103 = arith.constant 15 : i32
      %add3A_1104 = arith.addi %mul3A_206, %add3A_1103 : i32
      %broadcast_in_dim3A_1105 = arith.constant 0.000000e+00 : f32
      %broadcast_in_dim3A_1106 = vector.broadcast %broadcast_in_dim3A_1105 : f32 to vector<16xf32>
      %get3A_1107 = arith.index_cast %add3A_1104 : i32 to index
      %get3A_1108 = arith.constant 0 : index
      %get3A_1109 = tpu.vector_load %arg11[%get3A_1107, %get3A_1108] {strides = array<i32>} : memref<256x128xf32, #tpu.memory_space<vmem>>, vector<16xf32>,
      %get3A_1110 = arith.index_cast %add3A_1104 : i32 to index
      %get3A_1111 = arith.constant 0 : index
      %get3A_1112 = tpu.vector_load %arg12[%get3A_1110, %get3A_1111] {strides = array<i32>} : memref<256x64xf32, #tpu.memory_space<vmem>>, vector<16xf32>,
      %add3A_1113 = arith.addf %get3A_1109, %get3A_1112 : vector<16xf32>
      %get3A_1114 = arith.index_cast %add3A_1104 : i32 to index
      %get3A_1115 = arith.constant 0 : index
      %get3A_1116 = tpu.vector_load %arg13[%get3A_1114, %get3A_1115] {strides = array<i32>} : memref<256x128xf32, #tpu.memory_space<vmem>>, vector<16xf32>,
      %sub3A_1117 = arith.subf %add3A_1113, %get3A_1116 : vector<16xf32>
      %mul3A_1118 = arith.mulf %sub3A_1117, %sub3A_1117 : vector<16xf32>
      %add3A_1119 = arith.addf %broadcast_in_dim3A_1106, %mul3A_1118 : vector<16xf32>
      %get3A_1120 = arith.index_cast %add3A_1104 : i32 to index
      %get3A_1121 = arith.constant 16 : index
      %get3A_1122 = tpu.vector_load %arg11[%get3A_1120, %get3A_1121] {strides = array<i32>} : memref<256x128xf32, #tpu.memory_space<vmem>>, vector<16xf32>,
      %get3A_1123 = arith.index_cast %add3A_1104 : i32 to index
      %get3A_1124 = arith.constant 16 : index
      %get3A_1125 = tpu.vector_load %arg12[%get3A_1123, %get3A_1124] {strides = array<i32>} : memref<256x64xf32, #tpu.memory_space<vmem>>, vector<16xf32>,
      %add3A_1126 = arith.addf %get3A_1122, %get3A_1125 : vector<16xf32>
      %get3A_1127 = arith.index_cast %add3A_1104 : i32 to index
      %get3A_1128 = arith.constant 16 : index
      %get3A_1129 = tpu.vector_load %arg13[%get3A_1127, %get3A_1128] {strides = array<i32>} : memref<256x128xf32, #tpu.memory_space<vmem>>, vector<16xf32>,
      %sub3A_1130 = arith.subf %add3A_1126, %get3A_1129 : vector<16xf32>
      %mul3A_1131 = arith.mulf %sub3A_1130, %sub3A_1130 : vector<16xf32>
      %add3A_1132 = arith.addf %add3A_1119, %mul3A_1131 : vector<16xf32>
      %get3A_1133 = arith.index_cast %add3A_1104 : i32 to index
      %get3A_1134 = arith.constant 32 : index
      %get3A_1135 = tpu.vector_load %arg11[%get3A_1133, %get3A_1134] {strides = array<i32>} : memref<256x128xf32, #tpu.memory_space<vmem>>, vector<16xf32>,
      %get3A_1136 = arith.index_cast %add3A_1104 : i32 to index
      %get3A_1137 = arith.constant 32 : index
      %get3A_1138 = tpu.vector_load %arg12[%get3A_1136, %get3A_1137] {strides = array<i32>} : memref<256x64xf32, #tpu.memory_space<vmem>>, vector<16xf32>,
      %add3A_1139 = arith.addf %get3A_1135, %get3A_1138 : vector<16xf32>
      %get3A_1140 = arith.index_cast %add3A_1104 : i32 to index
      %get3A_1141 = arith.constant 32 : index
      %get3A_1142 = tpu.vector_load %arg13[%get3A_1140, %get3A_1141] {strides = array<i32>} : memref<256x128xf32, #tpu.memory_space<vmem>>, vector<16xf32>,
      %sub3A_1143 = arith.subf %add3A_1139, %get3A_1142 : vector<16xf32>
      %mul3A_1144 = arith.mulf %sub3A_1143, %sub3A_1143 : vector<16xf32>
      %add3A_1145 = arith.addf %add3A_1132, %mul3A_1144 : vector<16xf32>
      %get3A_1146 = arith.index_cast %add3A_1104 : i32 to index
      %get3A_1147 = arith.constant 48 : index
      %get3A_1148 = tpu.vector_load %arg11[%get3A_1146, %get3A_1147] {strides = array<i32>} : memref<256x128xf32, #tpu.memory_space<vmem>>, vector<16xf32>,
      %get3A_1149 = arith.index_cast %add3A_1104 : i32 to index
      %get3A_1150 = arith.constant 48 : index
      %get3A_1151 = tpu.vector_load %arg12[%get3A_1149, %get3A_1150] {strides = array<i32>} : memref<256x64xf32, #tpu.memory_space<vmem>>, vector<16xf32>,
      %add3A_1152 = arith.addf %get3A_1148, %get3A_1151 : vector<16xf32>
      %get3A_1153 = arith.index_cast %add3A_1104 : i32 to index
      %get3A_1154 = arith.constant 48 : index
      %get3A_1155 = tpu.vector_load %arg13[%get3A_1153, %get3A_1154] {strides = array<i32>} : memref<256x128xf32, #tpu.memory_space<vmem>>, vector<16xf32>,
      %sub3A_1156 = arith.subf %add3A_1152, %get3A_1155 : vector<16xf32>
      %mul3A_1157 = arith.mulf %sub3A_1156, %sub3A_1156 : vector<16xf32>
      %add3A_1158 = arith.addf %add3A_1145, %mul3A_1157 : vector<16xf32>
      %swap3A_1159 = arith.constant 15 : i32
      %swap3A_1160 = arith.index_cast %swap3A_1159 : i32 to index
      %swap3A_1161 = arith.constant 0 : index
      %swap3A_1162 = tpu.vector_load %arg14[%swap3A_1160, %swap3A_1161] {strides = array<i32>} : memref<16x17xf32, #tpu.memory_space<vmem>>, vector<16xf32>,
      tpu.vector_store %arg14[%swap3A_1160, %swap3A_1161], %add3A_1158 {strides = array<i32>} : memref<16x17xf32, #tpu.memory_space<vmem>>, vector<16xf32>,
      %broadcast_in_dim3A_1163 = arith.constant 0.000000e+00 : f32
      %broadcast_in_dim3A_1164 = vector.broadcast %broadcast_in_dim3A_1163 : f32 to vector<16xf32>
      %broadcast_in_dim3A_1165 = arith.constant 0 : i32
      %broadcast_in_dim3A_1166 = vector.broadcast %broadcast_in_dim3A_1165 : i32 to vector<16xi32>
      %gather3A = tpu.vector_load_idx %arg14[%iota3A, %broadcast_in_dim3A_1166] : memref<16x17xf32, #tpu.memory_space<vmem>>[vector<16xi32>, vector<16xi32>], vector<16xf32>,
      %add3A_1167 = arith.addf %broadcast_in_dim3A_1164, %gather3A : vector<16xf32>
      %broadcast_in_dim3A_1168 = arith.constant 1 : i32
      %broadcast_in_dim3A_1169 = vector.broadcast %broadcast_in_dim3A_1168 : i32 to vector<16xi32>
      %gather3A_1170 = tpu.vector_load_idx %arg14[%iota3A, %broadcast_in_dim3A_1169] : memref<16x17xf32, #tpu.memory_space<vmem>>[vector<16xi32>, vector<16xi32>], vector<16xf32>,
      %add3A_1171 = arith.addf %add3A_1167, %gather3A_1170 : vector<16xf32>
      %broadcast_in_dim3A_1172 = arith.constant 2 : i32
      %broadcast_in_dim3A_1173 = vector.broadcast %broadcast_in_dim3A_1172 : i32 to vector<16xi32>
      %gather3A_1174 = tpu.vector_load_idx %arg14[%iota3A, %broadcast_in_dim3A_1173] : memref<16x17xf32, #tpu.memory_space<vmem>>[vector<16xi32>, vector<16xi32>], vector<16xf32>,
      %add3A_1175 = arith.addf %add3A_1171, %gather3A_1174 : vector<16xf32>
      %broadcast_in_dim3A_1176 = arith.constant 3 : i32
      %broadcast_in_dim3A_1177 = vector.broadcast %broadcast_in_dim3A_1176 : i32 to vector<16xi32>
      %gather3A_1178 = tpu.vector_load_idx %arg14[%iota3A, %broadcast_in_dim3A_1177] : memref<16x17xf32, #tpu.memory_space<vmem>>[vector<16xi32>, vector<16xi32>], vector<16xf32>,
      %add3A_1179 = arith.addf %add3A_1175, %gather3A_1178 : vector<16xf32>
      %broadcast_in_dim3A_1180 = arith.constant 4 : i32
      %broadcast_in_dim3A_1181 = vector.broadcast %broadcast_in_dim3A_1180 : i32 to vector<16xi32>
      %gather3A_1182 = tpu.vector_load_idx %arg14[%iota3A, %broadcast_in_dim3A_1181] : memref<16x17xf32, #tpu.memory_space<vmem>>[vector<16xi32>, vector<16xi32>], vector<16xf32>,
      %add3A_1183 = arith.addf %add3A_1179, %gather3A_1182 : vector<16xf32>
      %broadcast_in_dim3A_1184 = arith.constant 5 : i32
      %broadcast_in_dim3A_1185 = vector.broadcast %broadcast_in_dim3A_1184 : i32 to vector<16xi32>
      %gather3A_1186 = tpu.vector_load_idx %arg14[%iota3A, %broadcast_in_dim3A_1185] : memref<16x17xf32, #tpu.memory_space<vmem>>[vector<16xi32>, vector<16xi32>], vector<16xf32>,
      %add3A_1187 = arith.addf %add3A_1183, %gather3A_1186 : vector<16xf32>
      %broadcast_in_dim3A_1188 = arith.constant 6 : i32
      %broadcast_in_dim3A_1189 = vector.broadcast %broadcast_in_dim3A_1188 : i32 to vector<16xi32>
      %gather3A_1190 = tpu.vector_load_idx %arg14[%iota3A, %broadcast_in_dim3A_1189] : memref<16x17xf32, #tpu.memory_space<vmem>>[vector<16xi32>, vector<16xi32>], vector<16xf32>,
      %add3A_1191 = arith.addf %add3A_1187, %gather3A_1190 : vector<16xf32>
      %broadcast_in_dim3A_1192 = arith.constant 7 : i32
      %broadcast_in_dim3A_1193 = vector.broadcast %broadcast_in_dim3A_1192 : i32 to vector<16xi32>
      %gather3A_1194 = tpu.vector_load_idx %arg14[%iota3A, %broadcast_in_dim3A_1193] : memref<16x17xf32, #tpu.memory_space<vmem>>[vector<16xi32>, vector<16xi32>], vector<16xf32>,
      %add3A_1195 = arith.addf %add3A_1191, %gather3A_1194 : vector<16xf32>
      %broadcast_in_dim3A_1196 = arith.constant 8 : i32
      %broadcast_in_dim3A_1197 = vector.broadcast %broadcast_in_dim3A_1196 : i32 to vector<16xi32>
      %gather3A_1198 = tpu.vector_load_idx %arg14[%iota3A, %broadcast_in_dim3A_1197] : memref<16x17xf32, #tpu.memory_space<vmem>>[vector<16xi32>, vector<16xi32>], vector<16xf32>,
      %add3A_1199 = arith.addf %add3A_1195, %gather3A_1198 : vector<16xf32>
      %broadcast_in_dim3A_1200 = arith.constant 9 : i32
      %broadcast_in_dim3A_1201 = vector.broadcast %broadcast_in_dim3A_1200 : i32 to vector<16xi32>
      %gather3A_1202 = tpu.vector_load_idx %arg14[%iota3A, %broadcast_in_dim3A_1201] : memref<16x17xf32, #tpu.memory_space<vmem>>[vector<16xi32>, vector<16xi32>], vector<16xf32>,
      %add3A_1203 = arith.addf %add3A_1199, %gather3A_1202 : vector<16xf32>
      %broadcast_in_dim3A_1204 = arith.constant 10 : i32
      %broadcast_in_dim3A_1205 = vector.broadcast %broadcast_in_dim3A_1204 : i32 to vector<16xi32>
      %gather3A_1206 = tpu.vector_load_idx %arg14[%iota3A, %broadcast_in_dim3A_1205] : memref<16x17xf32, #tpu.memory_space<vmem>>[vector<16xi32>, vector<16xi32>], vector<16xf32>,
      %add3A_1207 = arith.addf %add3A_1203, %gather3A_1206 : vector<16xf32>
      %broadcast_in_dim3A_1208 = arith.constant 11 : i32
      %broadcast_in_dim3A_1209 = vector.broadcast %broadcast_in_dim3A_1208 : i32 to vector<16xi32>
      %gather3A_1210 = tpu.vector_load_idx %arg14[%iota3A, %broadcast_in_dim3A_1209] : memref<16x17xf32, #tpu.memory_space<vmem>>[vector<16xi32>, vector<16xi32>], vector<16xf32>,
      %add3A_1211 = arith.addf %add3A_1207, %gather3A_1210 : vector<16xf32>
      %broadcast_in_dim3A_1212 = arith.constant 12 : i32
      %broadcast_in_dim3A_1213 = vector.broadcast %broadcast_in_dim3A_1212 : i32 to vector<16xi32>
      %gather3A_1214 = tpu.vector_load_idx %arg14[%iota3A, %broadcast_in_dim3A_1213] : memref<16x17xf32, #tpu.memory_space<vmem>>[vector<16xi32>, vector<16xi32>], vector<16xf32>,
      %add3A_1215 = arith.addf %add3A_1211, %gather3A_1214 : vector<16xf32>
      %broadcast_in_dim3A_1216 = arith.constant 13 : i32
      %broadcast_in_dim3A_1217 = vector.broadcast %broadcast_in_dim3A_1216 : i32 to vector<16xi32>
      %gather3A_1218 = tpu.vector_load_idx %arg14[%iota3A, %broadcast_in_dim3A_1217] : memref<16x17xf32, #tpu.memory_space<vmem>>[vector<16xi32>, vector<16xi32>], vector<16xf32>,
      %add3A_1219 = arith.addf %add3A_1215, %gather3A_1218 : vector<16xf32>
      %broadcast_in_dim3A_1220 = arith.constant 14 : i32
      %broadcast_in_dim3A_1221 = vector.broadcast %broadcast_in_dim3A_1220 : i32 to vector<16xi32>
      %gather3A_1222 = tpu.vector_load_idx %arg14[%iota3A, %broadcast_in_dim3A_1221] : memref<16x17xf32, #tpu.memory_space<vmem>>[vector<16xi32>, vector<16xi32>], vector<16xf32>,
      %add3A_1223 = arith.addf %add3A_1219, %gather3A_1222 : vector<16xf32>
      %broadcast_in_dim3A_1224 = arith.constant 15 : i32
      %broadcast_in_dim3A_1225 = vector.broadcast %broadcast_in_dim3A_1224 : i32 to vector<16xi32>
      %gather3A_1226 = tpu.vector_load_idx %arg14[%iota3A, %broadcast_in_dim3A_1225] : memref<16x17xf32, #tpu.memory_space<vmem>>[vector<16xi32>, vector<16xi32>], vector<16xf32>,
      %add3A_1227 = arith.addf %add3A_1223, %gather3A_1226 : vector<16xf32>
      %max3A = arith.constant 1.000000e-30 : f32
      %max3A_1228 = vector.broadcast %max3A : f32 to vector<16xf32>
      %max3A_1229 = arith.maximumf %add3A_1227, %max3A_1228 : vector<16xf32>
      %bitcast3A = vector.bitcast %max3A_1229 : vector<16xf32> to vector<16xi32>
      %shift_right_arithmetic3A = arith.constant 1 : i32
      %shift_right_arithmetic3A_1230 = vector.broadcast %shift_right_arithmetic3A : i32 to vector<16xi32>
      %shift_right_arithmetic3A_1231 = arith.shrsi %bitcast3A, %shift_right_arithmetic3A_1230 : vector<16xi32>
      %sub3A_1232 = arith.constant 1597463007 : i32
      %sub3A_1233 = vector.broadcast %sub3A_1232 : i32 to vector<16xi32>
      %sub3A_1234 = arith.subi %sub3A_1233, %shift_right_arithmetic3A_1231 : vector<16xi32>
      %bitcast3A_1235 = vector.bitcast %sub3A_1234 : vector<16xi32> to vector<16xf32>
      %mul3A_1236 = arith.constant 5.000000e-01 : f32
      %mul3A_1237 = vector.broadcast %mul3A_1236 : f32 to vector<16xf32>
      %mul3A_1238 = arith.mulf %mul3A_1237, %max3A_1229 : vector<16xf32>
      %mul3A_1239 = arith.mulf %mul3A_1238, %bitcast3A_1235 : vector<16xf32>
      %mul3A_1240 = arith.mulf %mul3A_1239, %bitcast3A_1235 : vector<16xf32>
      %sub3A_1241 = arith.constant 1.500000e+00 : f32
      %sub3A_1242 = vector.broadcast %sub3A_1241 : f32 to vector<16xf32>
      %sub3A_1243 = arith.subf %sub3A_1242, %mul3A_1240 : vector<16xf32>
      %mul3A_1244 = arith.mulf %bitcast3A_1235, %sub3A_1243 : vector<16xf32>
      %mul3A_1245 = arith.mulf %mul3A_1238, %mul3A_1244 : vector<16xf32>
      %mul3A_1246 = arith.mulf %mul3A_1245, %mul3A_1244 : vector<16xf32>
      %sub3A_1247 = arith.constant 1.500000e+00 : f32
      %sub3A_1248 = vector.broadcast %sub3A_1247 : f32 to vector<16xf32>
      %sub3A_1249 = arith.subf %sub3A_1248, %mul3A_1246 : vector<16xf32>
      %mul3A_1250 = arith.mulf %mul3A_1244, %sub3A_1249 : vector<16xf32>
      %mul3A_1251 = arith.mulf %mul3A_1238, %mul3A_1250 : vector<16xf32>
      %mul3A_1252 = arith.mulf %mul3A_1251, %mul3A_1250 : vector<16xf32>
      %sub3A_1253 = arith.constant 1.500000e+00 : f32
      %sub3A_1254 = vector.broadcast %sub3A_1253 : f32 to vector<16xf32>
      %sub3A_1255 = arith.subf %sub3A_1254, %mul3A_1252 : vector<16xf32>
      %mul3A_1256 = arith.mulf %mul3A_1250, %sub3A_1255 : vector<16xf32>
      %mul3A_1257 = arith.mulf %max3A_1229, %mul3A_1256 : vector<16xf32>
      %add3A_1258 = arith.constant 256 : i32
      %add3A_1259 = arith.addi %add3A_1258, %mul3A_206 : i32
      %swap3A_1260 = arith.index_cast %add3A_1259 : i32 to index
      %swap3A_1261 = tpu.vector_load %arg15[%swap3A_1260] {strides = array<i32>} : memref<512xf32, #tpu.memory_space<vmem>>, vector<16xf32>,
      tpu.vector_store %arg15[%swap3A_1260], %mul3A_1257 {strides = array<i32>} : memref<512xf32, #tpu.memory_space<vmem>>, vector<16xf32>,
    }
    %scan3A_203 = arith.constant 16 : i32
    "tpu.region"() ({
      %run_scoped3A = tpu.sem_alloc : memref<!tpu.dma_semaphore, #tpu.memory_space<semaphore_mem>>
      %dma_start3A_204 = tpu.memref_slice %arg7[%mul3A_2] : memref<16384xf32, #tpu.memory_space<hbm>> -> memref<512xf32, #tpu.memory_space<hbm>>
      %dma_start3A_205 = tpu.memref_slice %arg7[%mul3A_2] : memref<16384xf32, #tpu.memory_space<hbm>> -> memref<512xf32, #tpu.memory_space<hbm>>
      tpu.enqueue_dma source(%arg15 : memref<512xf32, #tpu.memory_space<vmem>>) target(%dma_start3A_205 : memref<512xf32, #tpu.memory_space<hbm>>) target_semaphore(%run_scoped3A : memref<!tpu.dma_semaphore, #tpu.memory_space<semaphore_mem>>)
      %dma_wait3A_206 = tpu.memref_slice %arg7[%mul3A_2] : memref<16384xf32, #tpu.memory_space<hbm>> -> memref<512xf32, #tpu.memory_space<hbm>>
      %dma_wait3A_207 = tpu.memref_slice %arg7[%mul3A_2] : memref<16384xf32, #tpu.memory_space<hbm>> -> memref<512xf32, #tpu.memory_space<hbm>>
      tpu.wait_dma2 semaphore(%run_scoped3A : memref<!tpu.dma_semaphore, #tpu.memory_space<semaphore_mem>>) src(%arg15 : memref<512xf32, #tpu.memory_space<vmem>>) dst(%dma_wait3A_207 : memref<512xf32, #tpu.memory_space<hbm>>)
      tpu.yield
    }) : () -> ()
    return
  }
}

</mosaic_0001>

<sc_bundles>
// kernel: _transe_sc.3.cloned.1.call-start
scs
__scs_entry_jumppad:
0x0: {  	(pc) =	sbr.rel $0x88, $3  }
0x1: {  	(tag) =	ssettag $0x0;
	lr =	simm.s32 $0x1  }
0x2: {  	[smem:$0x3F9C] =	sst lr;
	_ =	strace $0xD0000000  }
0x3: {  	_ = 	snop  }
0x4: {  	_ = 	snop  }
0x5: {  	_ = 	snop  }
0x6: {  	_ = 	snop  }
0x7: {  	_ = 	snop  }
__scs_overlays_trampoline_lowered:
0x8: {  	[smem:$0x3FAB] =	sst s0  }
0x9: {  	[smem:$0x3FAC] =	sst s1  }
0xa: {  	[smem:$0x3FAD] =	sst s2  }
0xb: {  	[smem:$0x3FAE] =	sst s3  }
0xc: {  	[smem:$0x3FAF] =	sst s4  }
0xd: {  	[smem:$0x3FB0] =	sst s5  }
0xe: {  	[smem:$0x3FB1] =	sst s6  }
0xf: {  	[smem:$0x3FB2] =	sst s7  }
0x10: {  	[smem:$0x3FB3] =	sst s8  }
0x11: {  	[smem:$0x3FB4] =	sst s9;
	s0 =	simm.s32 @!p0 $0x0  }
0x12: {  	s1 =	sld [smem:$0x3F9A];
	s0 =	simm.s32 @p0 $0x1  }
0x13: {  	[smem:$0x3FB5] =	sst s0;
	s0 =	simm.s32 @!p1 $0x0  }
0x14: {  	s2 =	sld [smem:$0x3F99];
	s0 =	simm.s32 @p1 $0x1  }
0x15: {  	[smem:$0x3FB6] =	sst s0;
	s0 =	simm.s32 @!p2 $0x0  }
0x16: {  	s3 =	sld [smem:$0x3FDB];
	s0 =	simm.s32 @p2 $0x1  }
0x17: {  	s4 =	simm.s32 $0x1BF5;
	[smem:$0x3FB8] =	sst s0  }
0x18: {  	s0 =	sld [smem:$0x3F9B];
	_ =	swait.ge [sflag:s4], $0x0  }
0x19: {  	s7 =	sld [smem:$0x3F9C]  }
0x1a: {  	s8 =	sadd.s32 $0xFFFFE003, lr  }
0x1b: {  	s9 =	sadd.s32 $0xFFFFFEF7, lr;
	s5 =	simm.s32 $0xFFFFFFFF;
	p2 =	slt.u32 s8, $0xFFFFF086  }
0x1c: {  	p1 =	slt.u32 s9, $0xF7A;
	s5 =	simm.s32 @!p2 $0x0  }
0x1d: {  	s5 =	simm.s32 @p1 $0x1;
	p0 =	seq.s32 s7, s2  }
0x1e: {  	s7 =	smul.u32 @!p0 $0xF7A, s2;
	p2 =	seq.s32 @!p0 s5, $0x0  }
0x1f: {  	s9 =	smul.u32 $0xF7A, s1;
	s8 =	simm.s32 @!p0 $0x1BF5;
	p2 =	por !p2, p0  }
0x20: {  	[sflag:s8] =	ssyncset.s32 @!p0 $0xFFFFF086;
	s6 =	sadd.s32 @!p0 s3, s7;
	s7 =	simm.s32 @!p0 $0x108  }
0x21: {  	s3 =	sadd.s32 s3, s9;
	s6 =	sadd.s32 @!p0 $0x88, s6;
	s7 =	simm.s32 @p2 $0x1082  }
0x22: {  	[simem:s7], [sflag:s8] =	dma.local @!p0 [hbm:s6], $0xF7A  }
0x23: {  	s9 =	sor.u32 $0xD0000000, s2;
	s6 =	simm.s32 $0x108;
	_ =	swait.ge @!p0 [sflag:s8], $0x0  }
0x24: {  	s3 =	sadd.s32 $0x88, s3;
	s6 =	simm.s32 @!p1 $0x1082;
	[sflag:s4] =	ssyncset.s32 $0xFFFFF086  }
0x25: {  	[simem:s6], [sflag:s4] =	dma.local [hbm:s3], $0xF7A  }
0x26: {  	[smem:$0x3F9C] =	sst s1;
	(tag) =	ssettag s2;
	_ =	strace s9  }
0x27: {  	s1 =	sld [smem:$0x3FAC]  }
0x28: {  	s2 =	sld [smem:$0x3FAD]  }
0x29: {  	s4 =	sld [smem:$0x3FAF]  }
0x2a: {  	p0 =	seq.s32 s5, $0x0;
	s5 =	sld [smem:$0x3FB0]  }
0x2b: {  	s6 =	sld [smem:$0x3FB1]  }
0x2c: {  	s7 =	sld [smem:$0x3FB2]  }
0x2d: {  	s3 =	simm.s32 $0x108;
	s8 =	sld [smem:$0x3FB3]  }
0x2e: {  	s3 =	simm.s32 @!p0 $0x1082;
	s9 =	sld [smem:$0x3FB4]  }
0x2f: {  	lr =	sadd.s32 s0, s3;
	s0 =	sld [smem:$0x3FAB]  }
0x30: {  	s3 =	sld [smem:$0x3FAE]  }
0x31: {  	[smem:$0x3FB7] =	sst s10  }
0x32: {  	s10 =	sld [smem:$0x3FB5];
	_ =	sdelay $0x3  }
0x33: {  	p0 =	seq.s32 s10, $0x1;
	s10 =	sld [smem:$0x3FB7];
	_ =	sdelay $0x3  }
0x34: {  	[smem:$0x3FB7] =	sst s10  }
0x35: {  	s10 =	sld [smem:$0x3FB6];
	_ =	sdelay $0x3  }
0x36: {  	p1 =	seq.s32 s10, $0x1;
	s10 =	sld [smem:$0x3FB7];
	_ =	sdelay $0x3  }
0x37: {  	[smem:$0x3FB7] =	sst s10  }
0x38: {  	s10 =	sld [smem:$0x3FB8]  }
0x39: {  	_ = 	snop;
	(pc) =	sbr.ind lr, $3  }
0x3a: {  	_ = 	snop  }
0x3b: {  	_ = 	snop  }
0x3c: {  	p2 =	seq.s32 s10, $0x1;
	s10 =	sld [smem:$0x3FB7]  }
0x3d: {  	_ =	shalt  }
0x3e: {  	_ =	shalt  }
0x3f: {  	_ =	shalt  }
0x40: {  	_ =	shalt  }
0x41: {  	_ =	shalt  }
0x42: {  	_ =	shalt  }
0x43: {  	_ =	shalt  }
0x44: {  	_ =	shalt  }
0x45: {  	_ =	shalt  }
0x46: {  	_ =	shalt  }
0x47: {  	_ =	shalt  }
0x48: {  	_ =	shalt  }
0x49: {  	_ =	shalt  }
0x4a: {  	_ =	shalt  }
0x4b: {  	_ =	shalt  }
0x4c: {  	_ =	shalt  }
0x4d: {  	_ =	shalt  }
0x4e: {  	_ =	shalt  }
0x4f: {  	_ =	shalt  }
0x50: {  	_ =	shalt  }
0x51: {  	_ =	shalt  }
0x52: {  	_ =	shalt  }
0x53: {  	_ =	shalt  }
0x54: {  	_ =	shalt  }
0x55: {  	_ =	shalt  }
0x56: {  	_ =	shalt  }
0x57: {  	_ =	shalt  }
0x58: {  	_ =	shalt  }
0x59: {  	_ =	shalt  }
0x5a: {  	_ =	shalt  }
0x5b: {  	_ =	shalt  }
0x5c: {  	_ =	shalt  }
0x5d: {  	_ =	shalt  }
0x5e: {  	_ =	shalt  }
0x5f: {  	_ =	shalt  }
0x60: {  	_ =	shalt  }
0x61: {  	_ =	shalt  }
0x62: {  	_ =	shalt  }
0x63: {  	_ =	shalt  }
0x64: {  	_ =	shalt  }
0x65: {  	_ =	shalt  }
0x66: {  	_ =	shalt  }
0x67: {  	_ =	shalt  }
0x68: {  	_ =	shalt  }
0x69: {  	_ =	shalt  }
0x6a: {  	_ =	shalt  }
0x6b: {  	_ =	shalt  }
0x6c: {  	_ =	shalt  }
0x6d: {  	_ =	shalt  }
0x6e: {  	_ =	shalt  }
0x6f: {  	_ =	shalt  }
0x70: {  	_ =	shalt  }
0x71: {  	_ =	shalt  }
0x72: {  	_ =	shalt  }
0x73: {  	_ =	shalt  }
0x74: {  	_ =	shalt  }
0x75: {  	_ =	shalt  }
0x76: {  	_ =	shalt  }
0x77: {  	_ =	shalt  }
0x78: {  	_ =	shalt  }
0x79: {  	_ =	shalt  }
0x7a: {  	_ =	shalt  }
0x7b: {  	_ =	shalt  }
0x7c: {  	_ =	shalt  }
0x7d: {  	_ =	shalt  }
0x7e: {  	_ =	shalt  }
0x7f: {  	_ =	shalt  }
0x80: {  	_ =	shalt  }
0x81: {  	_ =	shalt  }
0x82: {  	_ =	shalt  }
0x83: {  	_ =	shalt  }
0x84: {  	_ =	shalt  }
0x85: {  	_ =	shalt  }
0x86: {  	_ =	shalt  }
0x87: {  	_ =	shalt  }
.Lfunc_end0:
.L_simem_size_0:
called_computation_lowered:
.L_overlay_start_0:
0x88: {  	s2 =	sld [smem:$0x3FD9]  }
0x89: {  	s3 =	sld [smem:$0x3FFE];
	_ =	sdelay $0x1  }
0x8a: {  	s1 =	srdreg.scid  }
0x8b: {  	s0 =	sand.u32 $0x1, s1  }
0x8c: {  	s17 =	sshll.u32 s0, $0xA;
	s2 =	sadd.s32 s3, s2  }
0x8d: {  	s2 =	sadd.s32 s2, s17  }
0x8e: {  	[smem:$0x3FC3] =	sst s2  }
0x8f: {  	_ = 	snop  }
0x90: {  	s2 =	sld [smem:$0x3FC9]  }
0x91: {  	s18 =	sld [smem:$0x3FC8]  }
0x92: {  	s4 =	sld [smem:$0x3FC7]  }
0x93: {  	s5 =	sld [smem:$0x3FD0];
	(tm) =	ssettm $0x1  }
0x94: {  	s6 =	sld [smem:$0x3FFB];
	_ =	sdelay $0x3  }
0x95: {  	_ =	strace s6  }
0x96: {  	s6 =	sld [smem:$0x3FFC];
	_ =	sdelay $0x3  }
0x97: {  	_ =	strace s6  }
0x98: {  	s6 =	sld [smem:$0x3FFD];
	_ =	sdelay $0x3  }
0x99: {  	_ =	strace s6  }
0x9a: {  	_ =	strace $0x8FFFFFFF  }
0x9b: {  	s19 =	sld [smem:$0x3FDB];
	_ =	sdelay $0x1  }
0x9c: {  	s7 =	simm.s32 $_scs_section_size  }
0x9d: {  	s8 =	simm.s32 $_size__tile_overlayer_lowered;
	s9 =	simm.s32 $_tile_overlayer_lowered  }
0x9e: {  	s22 =	simm.s32 $0x1BFF;
	s21 =	sshll.u32 s9, $0x1;
	s6 =	sadd.s32 s7, s19  }
0x9f: {  	s10 =	simm.s32 $0x0;
	s20 =	sshll.u32 s8, $0x1;
	s8 =	sadd.s32 s21, s6  }
0xa0: {  	[timem:s10], [sflag:s22] =	dma.local [hbm:s8], s20  }
0xa1: {  	_ =	swait.ge [sflag:s22], s20  }
0xa2: {  	s7 =	ssub.s32 $0x0, s20;
	[sflag:s22] =	ssyncset.done $0x0  }
0xa3: {  	[sflag:s22] =	ssyncadd.s32 s7;
	_ =	sdelay $0x1  }
0xa4: {  	s23 =	simm.s32 $0x1B8B  }
0xa5: {  	_ =	swait.ge [sflag:s23], $0x1  }
0xa6: {  	[sflag:s23] =	ssyncset.done $0x0  }
0xa7: {  	s25 =	simm.s32 $0x1B8E;
	s24 =	sld [smem:$0x3FFE];
	[sflag:s23] =	ssyncadd.s32 $0xFFFFFFFF  }
0xa8: {  	s26 =	simm.s32 $execute0_lowered;
	[smem:$0x3FD2] =	sst s25  }
0xa9: {  	s8 =	sshll.u32 s26, $0x1;
	_ =	strace $0x80000046;
	[dreg:$0x1] =	wrdreg $0xFFFFFFFF  }
0xaa: {  	s28 =	simm.s32 $_size_execute0_lowered;
	s6 =	sadd.s32 s6, s8;
	[dreg:$0x0] =	wrdreg $0x0  }
0xab: {  	s8 =	sshll.u32 s28, $0x1;
	[dreg:$0x2] =	wrdreg s6  }
0xac: {  	[dreg:$0x3] =	wrdreg s8  }
0xad: {  	[dreg:$0x4] =	wrdreg $0xC0  }
0xae: {  	_ =	task [dreg:s10], $0x5FFFF  }
0xaf: {  	[dreg:$0x1] =	wrdreg $0xFFFFFFFF  }
0xb0: {  	[dreg:$0x0] =	wrdreg $0x60  }
0xb1: {  	[dreg:$0x2] =	wrdreg s2  }
0xb2: {  	[dreg:$0x3] =	wrdreg s18  }
0xb3: {  	[dreg:$0x4] =	wrdreg s4  }
0xb4: {  	[dreg:$0x5] =	wrdreg s24  }
0xb5: {  	[dreg:$0x6] =	wrdreg s5  }
0xb6: {  	[dreg:$0x7] =	wrdreg $0x9  }
0xb7: {  	_ =	task.clear_ibuf [dreg:s10], $0x8FFFF;
	_ =	strace $0x90000046  }
0xb8: {  	s29 =	simm.s32 $0x9;
	_ =	strace $0x80000048  }
0xb9: {  	_ =	swait.ge [sflag:s29], $0x1  }
0xba: {  	[sflag:s29] =	ssyncadd.s32 $0xFFFFFFFF  }
0xbb: {  	_ =	strace $0x90000048  }
0xbc: {  	_ =	sfence  }
0xbd: {  	s30 =	sld [smem:$0x0];
	_ =	sdelay $0x2  }
0xbe: {  	s31 =	sshll.u32 s1, $0xD;
	s1 =	sshrl.u32 s1, $0x2  }
0xbf: {  	s3 =	sand.u32 $0x4000, s31;
	s1 =	sadd.s32 s1, s30  }
0xc0: {  	s0 =	sor.u32 s3, s0;
	s1 =	sshll.u32 s1, $0x11  }
0xc1: {  	s0 =	sor.u32 s1, s0  }
0xc2: {  	s0 =	sadd.s32 $0x8F2B, s0  }
0xc3: {  	[sflag:s0] =	ssyncadd.remote.s32 $0x1  }
0xc4: {  	_ =	sfence.sel $0xFFFF  }
0xc5: {  	[dreg:$0x0] =	wrdreg $0xFFFFFFFF;
	(pc) =	sbr.abs _section_cstart, $3  }
0xc6: {  	[dreg:$0x1] =	wrdreg $0xFFFFFFFF  }
0xc7: {  	_ =	task.clear_ibuf [dreg:s10], $0x2FFFF;
	_ =	strace $0x9FFFFFFF  }
0xc8: {  	(tm) =	ssettm $0x7FFFFFFF  }
0xc9: {  	_ =	shalt  }
tec
execute0_lowered:
.L_overlay_start_1:
0x0: {  	(tag) =	ssettag $0x1  }
0x1: {  	s0 =	rddreg [dreg:$0x0]  }
0x2: {  	s2 =	rddreg [dreg:$0x1]  }
0x3: {  	s7 =	rddreg [dreg:$0x2]  }
0x4: {  	s4 =	rddreg [dreg:$0x3]  }
0x5: {  	s8 =	rddreg [dreg:$0x4];
	s1 =	simm.s32 $0x0;
	s5 =	srdreg.scid  }
0x6: {  	s9 =	stileid.u32;
	s11 =	simm.s32 $0x200;
	s12 =	simm.s32 $0x400  }
0x7: {  	s13 =	simm.s32 $0x80;
	s14 =	simm.s32 $0x600;
	s15 =	simm.s32 $0x8600  }
0x8: {  	s16 =	simm.s32 $0xC600;
	s17 =	simm.s32 $0x4600;
	s19 =	simm.s32 $0xA600  }
0x9: {  	s21 =	simm.s32 $0x10600;
	s22 =	simm.s32 $0x1;
	s23 =	simm.s32 $0x2  }
0xa: {  	v0 =	vlaneseq.u32;
	s24 =	simm.s32 $0x3;
	s25 =	simm.s32 $0x14600;
	s30 =	simm.s32 $0x180  }
0xb: {  	s31 =	simm.s32 $0x380;
	s18 =	simm.s32 $0x0;
	[smem:$0x7FF] =	sst s1;
	v0 =	vmul.u32 $0x18, v0  }
0xc: {  	s3 =	sadd.s32 $0xF44A00, s4;
	s5 =	sand.u32 $0x1, s5;
	s9 =	sshll.u32 s9, $0x7  }
0xd: {  	s4 =	sadd.s32 $0xF42A00, s4;
	s6 =	ssub.s32 $0x2, s5;
	s5 =	sshll.u32 s5, $0x6;
	v1 =	vor.u32 $0x1, v0;
	v2 =	vor.u32 $0x2, v0;
	v3 =	vor.u32 $0x3, v0  }
0xe: {  	_ =	strace $0x80000047;
	s10 =	sshrl.u32 s6, $0x1;
	s9 =	sor.u32 s5, s9;
	v4 =	vor.u32 $0x4, v0;
	v5 =	vor.u32 $0x5, v0;
	v6 =	vor.u32 $0x6, v0  }
0xf: {  	v7 =	vor.u32 $0x7, v0;
	v8 =	vadd.s32 $0x8, v0;
	v9 =	vadd.s32 $0x9, v0;
	s10 =	ssub.s32 s6, s10;
	s5 =	sadd.s32 s0, s9;
	s6 =	sadd.s32 s2, s9  }
0x10: {  	v10 =	vadd.s32 $0xA, v0;
	v11 =	vadd.s32 $0xB, v0;
	v12 =	vadd.s32 $0xC, v0;
	s7 =	sadd.s32 s7, s9;
	s8 =	sadd.s32 s8, s9;
	s0 =	simm.s32 $0x580  }
0x11: {  	v13 =	vadd.s32 $0xD, v0;
	v14 =	vadd.s32 $0xE, v0;
	v15 =	vadd.s32 $0xF, v0;
	s2 =	simm.s32 $0x14780;
	s9 =	smax.u32 s10, $0x1;
	s10 =	simm.s32 $0x4  }
.LBB2_1:
0x12: {  	[tilespmem:s1], [sflag:$0x4] =	stream.linear.gather [hbm4b:s5+s1], $0x200, $0x38;
	[tilespmem:$0x14980] =	vst v63  }
0x13: {  	_ =	swait.ge [sflag:s10], $0x200  }
0x14: {  	[sflag:s10] =	ssyncset.done $0x0  }
0x15: {  	[sflag:s10] =	ssyncadd.s32 $0xFFFFFE00  }
0x16: {  	[tilespmem:s11], [sflag:$0x4] =	stream.linear.gather [hbm4b:s6+s1], $0x200, $0x38;
	[tilespmem:$0x14980] =	vst v63  }
0x17: {  	_ =	swait.ge [sflag:s10], $0x200  }
0x18: {  	[sflag:s10] =	ssyncset.done $0x0  }
0x19: {  	[sflag:s10] =	ssyncadd.s32 $0xFFFFFE00  }
0x1a: {  	[tilespmem:s12], [sflag:$0x4] =	stream.linear.gather [hbm4b:s7+s1], $0x200, $0x38;
	[tilespmem:$0x14980] =	vst v63  }
0x1b: {  	_ =	swait.ge [sflag:s10], $0x200  }
0x1c: {  	[sflag:s10] =	ssyncset.done $0x0  }
0x1d: {  	[sflag:s10] =	ssyncadd.s32 $0xFFFFFE00  }
0x1e: {  	[tilespmem:s14], [sflag:$0x1] =	stream.indirect.gather [hbm4b:s3+s13], $0x80, s1, s13, $0xb8;
	[tilespmem:$0x14980] =	vst v63  }
0x1f: {  	_ = 	snop  }
0x20: {  	[tilespmem:s15], [sflag:$0x2] =	stream.indirect.gather [hbm4b:s4+s13], $0x40, s11, s13, $0xb8;
	[tilespmem:$0x14980] =	vst v63  }
0x21: {  	_ = 	snop  }
0x22: {  	[tilespmem:s16], [sflag:$0x3] =	stream.indirect.gather [hbm4b:s3+s13], $0x80, s12, s13, $0xb8;
	[tilespmem:$0x14980] =	vst v63  }
0x23: {  	_ = 	snop  }
0x24: {  	[tilespmem:s17], [sflag:$0x1] =	stream.indirect.gather [hbm4b:s3+s13], $0x80, s13, s13, $0xb8;
	[tilespmem:$0x14980] =	vst v63  }
0x25: {  	s20 =	simm.s32 $0x280  }
0x26: {  	[tilespmem:s19], [sflag:$0x2] =	stream.indirect.gather [hbm4b:s4+s13], $0x40, s20, s13, $0xb8;
	[tilespmem:$0x14980] =	vst v63  }
0x27: {  	s29 =	simm.s32 $0x480  }
0x28: {  	[tilespmem:s21], [sflag:$0x3] =	stream.indirect.gather [hbm4b:s3+s13], $0x80, s29, s13, $0xb8;
	[tilespmem:$0x14980] =	vst v63  }
0x29: {  	_ =	swait.ge [sflag:s22], $0x4000  }
0x2a: {  	[sflag:s22] =	ssyncset.done $0x0  }
0x2b: {  	[sflag:s22] =	ssyncadd.s32 $0xFFFFC000  }
0x2c: {  	_ =	swait.ge [sflag:s23], $0x2000  }
0x2d: {  	[sflag:s23] =	ssyncset.done $0x0  }
0x2e: {  	[sflag:s23] =	ssyncadd.s32 $0xFFFFE000  }
0x2f: {  	_ =	swait.ge [sflag:s24], $0x4000  }
0x30: {  	[sflag:s24] =	ssyncset.done $0x0  }
0x31: {  	[sflag:s24] =	ssyncadd.s32 $0xFFFFC000  }
0x32: {  	_ =	swait.ge [sflag:s22], $0x4000  }
0x33: {  	[sflag:s22] =	ssyncset.done $0x0  }
0x34: {  	[sflag:s22] =	ssyncadd.s32 $0xFFFFC000  }
0x35: {  	_ =	swait.ge [sflag:s23], $0x2000  }
0x36: {  	[sflag:s23] =	ssyncset.done $0x0  }
0x37: {  	[sflag:s23] =	ssyncadd.s32 $0xFFFFE000  }
0x38: {  	_ =	swait.ge [sflag:s24], $0x4000  }
0x39: {  	s26 =	simm.s32 $0x14780;
	[sflag:s24] =	ssyncset.done $0x0  }
0x3a: {  	s28 =	simm.s32 $0x0;
	s20 =	simm.s32 $0x8800;
	[sflag:s24] =	ssyncadd.s32 $0xFFFFC000  }
.LBB2_2:
0x3b: {  	v17 =	vld [tilespmem:s20+$0xFFFFFE00]  }
0x3c: {  	v20 =	vld [tilespmem:s20+$0xFFFFFE10]  }
0x3d: {  	s29 =	sshra.s32 s28, $0x2;
	v23 =	vld [tilespmem:s20+$0xFFFFFE20]  }
0x3e: {  	v16 =	vld [tilespmem:s29+$0x600]  }
0x3f: {  	v18 =	vld [tilespmem:s29+$0xC600]  }
0x40: {  	v19 =	vld [tilespmem:s29+$0x610]  }
0x41: {  	v21 =	vld [tilespmem:s29+$0xC610]  }
0x42: {  	v22 =	vld [tilespmem:s29+$0x620]  }
0x43: {  	v24 =	vld [tilespmem:s29+$0xC620]  }
0x44: {  	v25 =	vld [tilespmem:s29+$0x630]  }
0x45: {  	v16 =	vadd.f32 v17, v16;
	v17 =	vld [tilespmem:s20+$0xFFFFFE30]  }
0x46: {  	v19 =	vadd.f32 v20, v19  }
0x47: {  	v30 =	vld [tilespmem:s29+$0xC630];
	v31 =	vadd.f32 v23, v22  }
0x48: {  	v16 =	vsub.f32 v16, v18;
	v19 =	vsub.f32 v19, v21  }
0x49: {  	v20 =	vsub.f32 v31, v24  }
0x4a: {  	v16 =	vmul.f32 v16, v16;
	v19 =	vmul.f32 v19, v19;
	v17 =	vadd.f32 v17, v25;
	_ =	sdelay $0x1  }
0x4b: {  	v32 =	vmul.f32 v20, v20;
	v16 =	vadd.f32 v19, v16;
	v17 =	vsub.f32 v17, v30;
	_ =	sdelay $0x1  }
0x4c: {  	v16 =	vadd.f32 v32, v16;
	v17 =	vmul.f32 v17, v17;
	_ =	sdelay $0x1  }
0x4d: {  	v16 =	vadd.f32 v17, v16;
	_ =	sdelay $0x1  }
0x4e: {  	[tilespmem:$0x14600] =	vst v16  }
0x4f: {  	v16 =	vld [tilespmem:s29+$0x680]  }
0x50: {  	v17 =	vld [tilespmem:s20+$0xFFFFFE40]  }
0x51: {  	v33 =	vld [tilespmem:s29+$0xC680]  }
0x52: {  	v34 =	vld [tilespmem:s29+$0x690]  }
0x53: {  	v35 =	vld [tilespmem:s20+$0xFFFFFE50]  }
0x54: {  	v36 =	vld [tilespmem:s29+$0xC690]  }
0x55: {  	v37 =	vld [tilespmem:s29+$0x6A0]  }
0x56: {  	v38 =	vld [tilespmem:s20+$0xFFFFFE60]  }
0x57: {  	v39 =	vld [tilespmem:s29+$0xC6A0]  }
0x58: {  	v40 =	vld [tilespmem:s29+$0x6B0]  }
0x59: {  	v16 =	vadd.f32 v17, v16;
	v17 =	vld [tilespmem:s20+$0xFFFFFE70]  }
0x5a: {  	v19 =	vadd.f32 v35, v34  }
0x5b: {  	v41 =	vld [tilespmem:s29+$0xC6B0];
	v42 =	vadd.f32 v38, v37  }
0x5c: {  	v16 =	vsub.f32 v16, v33;
	v19 =	vsub.f32 v19, v36  }
0x5d: {  	v20 =	vsub.f32 v42, v39  }
0x5e: {  	v16 =	vmul.f32 v16, v16;
	v19 =	vmul.f32 v19, v19;
	v17 =	vadd.f32 v17, v40;
	_ =	sdelay $0x1  }
0x5f: {  	v43 =	vmul.f32 v20, v20;
	v16 =	vadd.f32 v19, v16;
	v17 =	vsub.f32 v17, v41;
	_ =	sdelay $0x1  }
0x60: {  	v16 =	vadd.f32 v43, v16;
	v17 =	vmul.f32 v17, v17;
	_ =	sdelay $0x1  }
0x61: {  	v16 =	vadd.f32 v17, v16;
	_ =	sdelay $0x1  }
0x62: {  	[tilespmem:$0x14618] =	vst v16  }
0x63: {  	v16 =	vld [tilespmem:s29+$0x700]  }
0x64: {  	v17 =	vld [tilespmem:s20+$0xFFFFFE80]  }
0x65: {  	v44 =	vld [tilespmem:s29+$0xC700]  }
0x66: {  	v45 =	vld [tilespmem:s29+$0x710]  }
0x67: {  	v46 =	vld [tilespmem:s20+$0xFFFFFE90]  }
0x68: {  	v47 =	vld [tilespmem:s29+$0xC710]  }
0x69: {  	v48 =	vld [tilespmem:s29+$0x720]  }
0x6a: {  	v49 =	vld [tilespmem:s20+$0xFFFFFEA0]  }
0x6b: {  	v50 =	vld [tilespmem:s29+$0xC720]  }
0x6c: {  	v51 =	vld [tilespmem:s29+$0x730]  }
0x6d: {  	v16 =	vadd.f32 v17, v16;
	v17 =	vld [tilespmem:s20+$0xFFFFFEB0]  }
0x6e: {  	v19 =	vadd.f32 v46, v45  }
0x6f: {  	v52 =	vld [tilespmem:s29+$0xC730];
	v53 =	vadd.f32 v49, v48  }
0x70: {  	v16 =	vsub.f32 v16, v44;
	v19 =	vsub.f32 v19, v47  }
0x71: {  	v20 =	vsub.f32 v53, v50  }
0x72: {  	v16 =	vmul.f32 v16, v16;
	v19 =	vmul.f32 v19, v19;
	v17 =	vadd.f32 v17, v51;
	_ =	sdelay $0x1  }
0x73: {  	v54 =	vmul.f32 v20, v20;
	v16 =	vadd.f32 v19, v16;
	v17 =	vsub.f32 v17, v52;
	_ =	sdelay $0x1  }
0x74: {  	v16 =	vadd.f32 v54, v16;
	v17 =	vmul.f32 v17, v17;
	_ =	sdelay $0x1  }
0x75: {  	v16 =	vadd.f32 v17, v16;
	_ =	sdelay $0x1  }
0x76: {  	[tilespmem:$0x14630] =	vst v16  }
0x77: {  	v16 =	vld [tilespmem:s29+$0x780]  }
0x78: {  	v17 =	vld [tilespmem:s20+$0xFFFFFEC0]  }
0x79: {  	v55 =	vld [tilespmem:s29+$0xC780]  }
0x7a: {  	v56 =	vld [tilespmem:s29+$0x790]  }
0x7b: {  	v57 =	vld [tilespmem:s20+$0xFFFFFED0]  }
0x7c: {  	v58 =	vld [tilespmem:s29+$0xC790]  }
0x7d: {  	v59 =	vld [tilespmem:s29+$0x7A0]  }
0x7e: {  	v60 =	vld [tilespmem:s20+$0xFFFFFEE0]  }
0x7f: {  	v61 =	vld [tilespmem:s29+$0xC7A0]  }
0x80: {  	v62 =	vld [tilespmem:s29+$0x7B0]  }
0x81: {  	v16 =	vadd.f32 v17, v16;
	v17 =	vld [tilespmem:s20+$0xFFFFFEF0]  }
0x82: {  	v19 =	vadd.f32 v57, v56  }
0x83: {  	v63 =	vld [tilespmem:s29+$0xC7B0];
	v26 =	vadd.f32 v60, v59  }
0x84: {  	v16 =	vsub.f32 v16, v55;
	v19 =	vsub.f32 v19, v58  }
0x85: {  	v20 =	vsub.f32 v26, v61  }
0x86: {  	v16 =	vmul.f32 v16, v16;
	v19 =	vmul.f32 v19, v19;
	v17 =	vadd.f32 v17, v62;
	_ =	sdelay $0x1  }
0x87: {  	v27 =	vmul.f32 v20, v20;
	v16 =	vadd.f32 v19, v16;
	v17 =	vsub.f32 v17, v63;
	_ =	sdelay $0x1  }
0x88: {  	v16 =	vadd.f32 v27, v16;
	v17 =	vmul.f32 v17, v17;
	_ =	sdelay $0x1  }
0x89: {  	v16 =	vadd.f32 v17, v16;
	_ =	sdelay $0x1  }
0x8a: {  	[tilespmem:$0x14648] =	vst v16  }
0x8b: {  	v16 =	vld [tilespmem:s29+$0x800]  }
0x8c: {  	v17 =	vld [tilespmem:s20+$0xFFFFFF00]  }
0x8d: {  	v28 =	vld [tilespmem:s29+$0xC800]  }
0x8e: {  	v29 =	vld [tilespmem:s29+$0x810]  }
0x8f: {  	v30 =	vld [tilespmem:s20+$0xFFFFFF10]  }
0x90: {  	v31 =	vld [tilespmem:s29+$0xC810]  }
0x91: {  	v32 =	vld [tilespmem:s29+$0x820]  }
0x92: {  	v33 =	vld [tilespmem:s20+$0xFFFFFF20]  }
0x93: {  	v34 =	vld [tilespmem:s29+$0xC820]  }
0x94: {  	v35 =	vld [tilespmem:s29+$0x830]  }
0x95: {  	v16 =	vadd.f32 v17, v16;
	v17 =	vld [tilespmem:s20+$0xFFFFFF30]  }
0x96: {  	v19 =	vadd.f32 v30, v29  }
0x97: {  	v36 =	vld [tilespmem:s29+$0xC830];
	v37 =	vadd.f32 v33, v32  }
0x98: {  	v16 =	vsub.f32 v16, v28;
	v19 =	vsub.f32 v19, v31  }
0x99: {  	v20 =	vsub.f32 v37, v34  }
0x9a: {  	v16 =	vmul.f32 v16, v16;
	v19 =	vmul.f32 v19, v19;
	v17 =	vadd.f32 v17, v35;
	_ =	sdelay $0x1  }
0x9b: {  	v38 =	vmul.f32 v20, v20;
	v16 =	vadd.f32 v19, v16;
	v17 =	vsub.f32 v17, v36;
	_ =	sdelay $0x1  }
0x9c: {  	v16 =	vadd.f32 v38, v16;
	v17 =	vmul.f32 v17, v17;
	_ =	sdelay $0x1  }
0x9d: {  	v16 =	vadd.f32 v17, v16;
	_ =	sdelay $0x1  }
0x9e: {  	[tilespmem:$0x14660] =	vst v16  }
0x9f: {  	v16 =	vld [tilespmem:s29+$0x880]  }
0xa0: {  	v17 =	vld [tilespmem:s20+$0xFFFFFF40]  }
0xa1: {  	v39 =	vld [tilespmem:s29+$0xC880]  }
0xa2: {  	v40 =	vld [tilespmem:s29+$0x890]  }
0xa3: {  	v41 =	vld [tilespmem:s20+$0xFFFFFF50]  }
0xa4: {  	v42 =	vld [tilespmem:s29+$0xC890]  }
0xa5: {  	v43 =	vld [tilespmem:s29+$0x8A0]  }
0xa6: {  	v44 =	vld [tilespmem:s20+$0xFFFFFF60]  }
0xa7: {  	v45 =	vld [tilespmem:s29+$0xC8A0]  }
0xa8: {  	v46 =	vld [tilespmem:s29+$0x8B0]  }
0xa9: {  	v16 =	vadd.f32 v17, v16;
	v17 =	vld [tilespmem:s20+$0xFFFFFF70]  }
0xaa: {  	v19 =	vadd.f32 v41, v40  }
0xab: {  	v47 =	vld [tilespmem:s29+$0xC8B0];
	v48 =	vadd.f32 v44, v43  }
0xac: {  	v16 =	vsub.f32 v16, v39;
	v19 =	vsub.f32 v19, v42  }
0xad: {  	v20 =	vsub.f32 v48, v45  }
0xae: {  	v16 =	vmul.f32 v16, v16;
	v19 =	vmul.f32 v19, v19;
	v17 =	vadd.f32 v17, v46;
	_ =	sdelay $0x1  }
0xaf: {  	v49 =	vmul.f32 v20, v20;
	v16 =	vadd.f32 v19, v16;
	v17 =	vsub.f32 v17, v47;
	_ =	sdelay $0x1  }
0xb0: {  	v16 =	vadd.f32 v49, v16;
	v17 =	vmul.f32 v17, v17;
	_ =	sdelay $0x1  }
0xb1: {  	v16 =	vadd.f32 v17, v16;
	_ =	sdelay $0x1  }
0xb2: {  	[tilespmem:$0x14678] =	vst v16  }
0xb3: {  	v16 =	vld [tilespmem:s29+$0x900]  }
0xb4: {  	v17 =	vld [tilespmem:s20+$0xFFFFFF80]  }
0xb5: {  	v50 =	vld [tilespmem:s29+$0xC900]  }
0xb6: {  	v51 =	vld [tilespmem:s29+$0x910]  }
0xb7: {  	v52 =	vld [tilespmem:s20+$0xFFFFFF90]  }
0xb8: {  	v53 =	vld [tilespmem:s29+$0xC910]  }
0xb9: {  	v54 =	vld [tilespmem:s29+$0x920]  }
0xba: {  	v55 =	vld [tilespmem:s20+$0xFFFFFFA0]  }
0xbb: {  	v56 =	vld [tilespmem:s29+$0xC920]  }
0xbc: {  	v57 =	vld [tilespmem:s29+$0x930]  }
0xbd: {  	v16 =	vadd.f32 v17, v16;
	v17 =	vld [tilespmem:s20+$0xFFFFFFB0]  }
0xbe: {  	v19 =	vadd.f32 v52, v51  }
0xbf: {  	v58 =	vld [tilespmem:s29+$0xC930];
	v59 =	vadd.f32 v55, v54  }
0xc0: {  	v16 =	vsub.f32 v16, v50;
	v19 =	vsub.f32 v19, v53  }
0xc1: {  	v20 =	vsub.f32 v59, v56  }
0xc2: {  	v16 =	vmul.f32 v16, v16;
	v19 =	vmul.f32 v19, v19;
	v17 =	vadd.f32 v17, v57;
	_ =	sdelay $0x1  }
0xc3: {  	v60 =	vmul.f32 v20, v20;
	v16 =	vadd.f32 v19, v16;
	v17 =	vsub.f32 v17, v58;
	_ =	sdelay $0x1  }
0xc4: {  	v16 =	vadd.f32 v60, v16;
	v17 =	vmul.f32 v17, v17;
	_ =	sdelay $0x1  }
0xc5: {  	v16 =	vadd.f32 v17, v16;
	_ =	sdelay $0x1  }
0xc6: {  	[tilespmem:$0x14690] =	vst v16  }
0xc7: {  	v16 =	vld [tilespmem:s29+$0x980]  }
0xc8: {  	v17 =	vld [tilespmem:s20+$0xFFFFFFC0]  }
0xc9: {  	v61 =	vld [tilespmem:s29+$0xC980]  }
0xca: {  	v62 =	vld [tilespmem:s29+$0x990]  }
0xcb: {  	v63 =	vld [tilespmem:s20+$0xFFFFFFD0]  }
0xcc: {  	v28 =	vld [tilespmem:s29+$0xC990]  }
0xcd: {  	v29 =	vld [tilespmem:s29+$0x9A0]  }
0xce: {  	v30 =	vld [tilespmem:s20+$0xFFFFFFE0]  }
0xcf: {  	v31 =	vld [tilespmem:s29+$0xC9A0]  }
0xd0: {  	v32 =	vld [tilespmem:s29+$0x9B0]  }
0xd1: {  	v16 =	vadd.f32 v17, v16;
	v17 =	vld [tilespmem:s20+$0xFFFFFFF0]  }
0xd2: {  	v19 =	vadd.f32 v63, v62  }
0xd3: {  	v33 =	vld [tilespmem:s29+$0xC9B0];
	v34 =	vadd.f32 v30, v29  }
0xd4: {  	v16 =	vsub.f32 v16, v61;
	v19 =	vsub.f32 v19, v28  }
0xd5: {  	v20 =	vsub.f32 v34, v31  }
0xd6: {  	v16 =	vmul.f32 v16, v16;
	v19 =	vmul.f32 v19, v19;
	v17 =	vadd.f32 v17, v32;
	_ =	sdelay $0x1  }
0xd7: {  	v35 =	vmul.f32 v20, v20;
	v16 =	vadd.f32 v19, v16;
	v17 =	vsub.f32 v17, v33;
	_ =	sdelay $0x1  }
0xd8: {  	v16 =	vadd.f32 v35, v16;
	v17 =	vmul.f32 v17, v17;
	_ =	sdelay $0x1  }
0xd9: {  	v16 =	vadd.f32 v17, v16;
	_ =	sdelay $0x1  }
0xda: {  	[tilespmem:$0x146A8] =	vst v16  }
0xdb: {  	v16 =	vld [tilespmem:s29+$0xA00]  }
0xdc: {  	v17 =	vld [tilespmem:s20+$0x0]  }
0xdd: {  	v36 =	vld [tilespmem:s29+$0xCA00]  }
0xde: {  	v37 =	vld [tilespmem:s29+$0xA10]  }
0xdf: {  	v38 =	vld [tilespmem:s20+$0x10]  }
0xe0: {  	v39 =	vld [tilespmem:s29+$0xCA10]  }
0xe1: {  	v40 =	vld [tilespmem:s29+$0xA20]  }
0xe2: {  	v41 =	vld [tilespmem:s20+$0x20]  }
0xe3: {  	v42 =	vld [tilespmem:s29+$0xCA20]  }
0xe4: {  	v43 =	vld [tilespmem:s29+$0xA30]  }
0xe5: {  	v16 =	vadd.f32 v17, v16;
	v17 =	vld [tilespmem:s20+$0x30]  }
0xe6: {  	v19 =	vadd.f32 v38, v37  }
0xe7: {  	v44 =	vld [tilespmem:s29+$0xCA30];
	v45 =	vadd.f32 v41, v40  }
0xe8: {  	v16 =	vsub.f32 v16, v36;
	v19 =	vsub.f32 v19, v39  }
0xe9: {  	v20 =	vsub.f32 v45, v42  }
0xea: {  	v16 =	vmul.f32 v16, v16;
	v19 =	vmul.f32 v19, v19;
	v17 =	vadd.f32 v17, v43;
	_ =	sdelay $0x1  }
0xeb: {  	v46 =	vmul.f32 v20, v20;
	v16 =	vadd.f32 v19, v16;
	v17 =	vsub.f32 v17, v44;
	_ =	sdelay $0x1  }
0xec: {  	v16 =	vadd.f32 v46, v16;
	v17 =	vmul.f32 v17, v17;
	_ =	sdelay $0x1  }
0xed: {  	v16 =	vadd.f32 v17, v16;
	_ =	sdelay $0x1  }
0xee: {  	[tilespmem:$0x146C0] =	vst v16  }
0xef: {  	v16 =	vld [tilespmem:s29+$0xA80]  }
0xf0: {  	v17 =	vld [tilespmem:s20+$0x40]  }
0xf1: {  	v47 =	vld [tilespmem:s29+$0xCA80]  }
0xf2: {  	v48 =	vld [tilespmem:s29+$0xA90]  }
0xf3: {  	v49 =	vld [tilespmem:s20+$0x50]  }
0xf4: {  	v50 =	vld [tilespmem:s29+$0xCA90]  }
0xf5: {  	v51 =	vld [tilespmem:s29+$0xAA0]  }
0xf6: {  	v52 =	vld [tilespmem:s20+$0x60]  }
0xf7: {  	v53 =	vld [tilespmem:s29+$0xCAA0]  }
0xf8: {  	v54 =	vld [tilespmem:s29+$0xAB0]  }
0xf9: {  	v16 =	vadd.f32 v17, v16;
	v17 =	vld [tilespmem:s20+$0x70]  }
0xfa: {  	v19 =	vadd.f32 v49, v48  }
0xfb: {  	v55 =	vld [tilespmem:s29+$0xCAB0];
	v56 =	vadd.f32 v52, v51  }
0xfc: {  	v16 =	vsub.f32 v16, v47;
	v19 =	vsub.f32 v19, v50  }
0xfd: {  	v20 =	vsub.f32 v56, v53  }
0xfe: {  	v16 =	vmul.f32 v16, v16;
	v19 =	vmul.f32 v19, v19;
	v17 =	vadd.f32 v17, v54;
	_ =	sdelay $0x1  }
0xff: {  	v57 =	vmul.f32 v20, v20;
	v16 =	vadd.f32 v19, v16;
	v17 =	vsub.f32 v17, v55;
	_ =	sdelay $0x1  }
0x100: {  	v16 =	vadd.f32 v57, v16;
	v17 =	vmul.f32 v17, v17;
	_ =	sdelay $0x1  }
0x101: {  	v16 =	vadd.f32 v17, v16;
	_ =	sdelay $0x1  }
0x102: {  	[tilespmem:$0x146D8] =	vst v16  }
0x103: {  	v16 =	vld [tilespmem:s29+$0xB00]  }
0x104: {  	v17 =	vld [tilespmem:s20+$0x80]  }
0x105: {  	v58 =	vld [tilespmem:s29+$0xCB00]  }
0x106: {  	v59 =	vld [tilespmem:s29+$0xB10]  }
0x107: {  	v60 =	vld [tilespmem:s20+$0x90]  }
0x108: {  	v61 =	vld [tilespmem:s29+$0xCB10]  }
0x109: {  	v62 =	vld [tilespmem:s29+$0xB20]  }
0x10a: {  	v63 =	vld [tilespmem:s20+$0xA0]  }
0x10b: {  	v28 =	vld [tilespmem:s29+$0xCB20]  }
0x10c: {  	v29 =	vld [tilespmem:s29+$0xB30]  }
0x10d: {  	v16 =	vadd.f32 v17, v16;
	v17 =	vld [tilespmem:s20+$0xB0]  }
0x10e: {  	v19 =	vadd.f32 v60, v59  }
0x10f: {  	v30 =	vld [tilespmem:s29+$0xCB30];
	v31 =	vadd.f32 v63, v62  }
0x110: {  	v16 =	vsub.f32 v16, v58;
	v19 =	vsub.f32 v19, v61  }
0x111: {  	v20 =	vsub.f32 v31, v28  }
0x112: {  	v16 =	vmul.f32 v16, v16;
	v19 =	vmul.f32 v19, v19;
	v17 =	vadd.f32 v17, v29;
	_ =	sdelay $0x1  }
0x113: {  	v32 =	vmul.f32 v20, v20;
	v16 =	vadd.f32 v19, v16;
	v17 =	vsub.f32 v17, v30;
	_ =	sdelay $0x1  }
0x114: {  	v16 =	vadd.f32 v32, v16;
	v17 =	vmul.f32 v17, v17;
	_ =	sdelay $0x1  }
0x115: {  	v16 =	vadd.f32 v17, v16;
	_ =	sdelay $0x1  }
0x116: {  	[tilespmem:$0x146F0] =	vst v16  }
0x117: {  	v16 =	vld [tilespmem:s29+$0xB80]  }
0x118: {  	v17 =	vld [tilespmem:s20+$0xC0]  }
0x119: {  	v33 =	vld [tilespmem:s29+$0xCB80]  }
0x11a: {  	v34 =	vld [tilespmem:s29+$0xB90]  }
0x11b: {  	v35 =	vld [tilespmem:s20+$0xD0]  }
0x11c: {  	v36 =	vld [tilespmem:s29+$0xCB90]  }
0x11d: {  	v37 =	vld [tilespmem:s29+$0xBA0]  }
0x11e: {  	v38 =	vld [tilespmem:s20+$0xE0]  }
0x11f: {  	v39 =	vld [tilespmem:s29+$0xCBA0]  }
0x120: {  	v40 =	vld [tilespmem:s29+$0xBB0]  }
0x121: {  	v16 =	vadd.f32 v17, v16;
	v17 =	vld [tilespmem:s20+$0xF0]  }
0x122: {  	v19 =	vadd.f32 v35, v34  }
0x123: {  	v41 =	vld [tilespmem:s29+$0xCBB0];
	v42 =	vadd.f32 v38, v37  }
0x124: {  	v16 =	vsub.f32 v16, v33;
	v19 =	vsub.f32 v19, v36  }
0x125: {  	v20 =	vsub.f32 v42, v39  }
0x126: {  	v16 =	vmul.f32 v16, v16;
	v19 =	vmul.f32 v19, v19;
	v17 =	vadd.f32 v17, v40;
	_ =	sdelay $0x1  }
0x127: {  	v43 =	vmul.f32 v20, v20;
	v16 =	vadd.f32 v19, v16;
	v17 =	vsub.f32 v17, v41;
	_ =	sdelay $0x1  }
0x128: {  	v16 =	vadd.f32 v43, v16;
	v17 =	vmul.f32 v17, v17;
	_ =	sdelay $0x1  }
0x129: {  	v16 =	vadd.f32 v17, v16;
	_ =	sdelay $0x1  }
0x12a: {  	[tilespmem:$0x14708] =	vst v16  }
0x12b: {  	v16 =	vld [tilespmem:s29+$0xC00]  }
0x12c: {  	v17 =	vld [tilespmem:s20+$0x100]  }
0x12d: {  	v44 =	vld [tilespmem:s29+$0xCC00]  }
0x12e: {  	v45 =	vld [tilespmem:s29+$0xC10]  }
0x12f: {  	v46 =	vld [tilespmem:s20+$0x110]  }
0x130: {  	v47 =	vld [tilespmem:s29+$0xCC10]  }
0x131: {  	v48 =	vld [tilespmem:s29+$0xC20]  }
0x132: {  	v49 =	vld [tilespmem:s20+$0x120]  }
0x133: {  	v50 =	vld [tilespmem:s29+$0xCC20]  }
0x134: {  	v51 =	vld [tilespmem:s29+$0xC30]  }
0x135: {  	v16 =	vadd.f32 v17, v16;
	v17 =	vld [tilespmem:s20+$0x130]  }
0x136: {  	v19 =	vadd.f32 v46, v45  }
0x137: {  	v52 =	vld [tilespmem:s29+$0xCC30];
	v53 =	vadd.f32 v49, v48  }
0x138: {  	v16 =	vsub.f32 v16, v44;
	v19 =	vsub.f32 v19, v47  }
0x139: {  	v20 =	vsub.f32 v53, v50  }
0x13a: {  	v16 =	vmul.f32 v16, v16;
	v19 =	vmul.f32 v19, v19;
	v17 =	vadd.f32 v17, v51;
	_ =	sdelay $0x1  }
0x13b: {  	v54 =	vmul.f32 v20, v20;
	v16 =	vadd.f32 v19, v16;
	v17 =	vsub.f32 v17, v52;
	_ =	sdelay $0x1  }
0x13c: {  	v16 =	vadd.f32 v54, v16;
	v17 =	vmul.f32 v17, v17;
	_ =	sdelay $0x1  }
0x13d: {  	v16 =	vadd.f32 v17, v16;
	_ =	sdelay $0x1  }
0x13e: {  	[tilespmem:$0x14720] =	vst v16  }
0x13f: {  	v16 =	vld [tilespmem:s29+$0xC80]  }
0x140: {  	v17 =	vld [tilespmem:s20+$0x140]  }
0x141: {  	v55 =	vld [tilespmem:s29+$0xCC80]  }
0x142: {  	v56 =	vld [tilespmem:s29+$0xC90]  }
0x143: {  	v57 =	vld [tilespmem:s20+$0x150]  }
0x144: {  	v58 =	vld [tilespmem:s29+$0xCC90]  }
0x145: {  	v59 =	vld [tilespmem:s29+$0xCA0]  }
0x146: {  	v60 =	vld [tilespmem:s20+$0x160]  }
0x147: {  	v61 =	vld [tilespmem:s29+$0xCCA0]  }
0x148: {  	v62 =	vld [tilespmem:s29+$0xCB0]  }
0x149: {  	v16 =	vadd.f32 v17, v16;
	v17 =	vld [tilespmem:s20+$0x170]  }
0x14a: {  	v19 =	vadd.f32 v57, v56  }
0x14b: {  	v63 =	vld [tilespmem:s29+$0xCCB0];
	v26 =	vadd.f32 v60, v59  }
0x14c: {  	v16 =	vsub.f32 v16, v55;
	v19 =	vsub.f32 v19, v58  }
0x14d: {  	v20 =	vsub.f32 v26, v61  }
0x14e: {  	v16 =	vmul.f32 v16, v16;
	v19 =	vmul.f32 v19, v19;
	v17 =	vadd.f32 v17, v62;
	_ =	sdelay $0x1  }
0x14f: {  	v27 =	vmul.f32 v20, v20;
	v16 =	vadd.f32 v19, v16;
	v17 =	vsub.f32 v17, v63;
	_ =	sdelay $0x1  }
0x150: {  	v16 =	vadd.f32 v27, v16;
	v17 =	vmul.f32 v17, v17;
	_ =	sdelay $0x1  }
0x151: {  	v16 =	vadd.f32 v17, v16;
	_ =	sdelay $0x1  }
0x152: {  	[tilespmem:$0x14738] =	vst v16  }
0x153: {  	v16 =	vld [tilespmem:s29+$0xD00]  }
0x154: {  	v17 =	vld [tilespmem:s20+$0x180]  }
0x155: {  	v28 =	vld [tilespmem:s29+$0xCD00]  }
0x156: {  	v29 =	vld [tilespmem:s29+$0xD10]  }
0x157: {  	v30 =	vld [tilespmem:s20+$0x190]  }
0x158: {  	v31 =	vld [tilespmem:s29+$0xCD10]  }
0x159: {  	v32 =	vld [tilespmem:s29+$0xD20]  }
0x15a: {  	v33 =	vld [tilespmem:s20+$0x1A0]  }
0x15b: {  	v34 =	vld [tilespmem:s29+$0xCD20]  }
0x15c: {  	v35 =	vld [tilespmem:s29+$0xD30]  }
0x15d: {  	v16 =	vadd.f32 v17, v16;
	v17 =	vld [tilespmem:s20+$0x1B0]  }
0x15e: {  	v19 =	vadd.f32 v30, v29  }
0x15f: {  	v36 =	vld [tilespmem:s29+$0xCD30];
	v37 =	vadd.f32 v33, v32  }
0x160: {  	v16 =	vsub.f32 v16, v28;
	v19 =	vsub.f32 v19, v31  }
0x161: {  	v20 =	vsub.f32 v37, v34  }
0x162: {  	v16 =	vmul.f32 v16, v16;
	v19 =	vmul.f32 v19, v19;
	v17 =	vadd.f32 v17, v35;
	_ =	sdelay $0x1  }
0x163: {  	v38 =	vmul.f32 v20, v20;
	v16 =	vadd.f32 v19, v16;
	v17 =	vsub.f32 v17, v36;
	_ =	sdelay $0x1  }
0x164: {  	v16 =	vadd.f32 v38, v16;
	v17 =	vmul.f32 v17, v17;
	_ =	sdelay $0x1  }
0x165: {  	v16 =	vadd.f32 v17, v16;
	_ =	sdelay $0x1  }
0x166: {  	[tilespmem:$0x14750] =	vst v16  }
0x167: {  	v16 =	vld [tilespmem:s29+$0xD80]  }
0x168: {  	v17 =	vld [tilespmem:s20+$0x1C0]  }
0x169: {  	v39 =	vld [tilespmem:s29+$0xCD80]  }
0x16a: {  	v40 =	vld [tilespmem:s29+$0xD90]  }
0x16b: {  	v41 =	vld [tilespmem:s20+$0x1D0]  }
0x16c: {  	v42 =	vld [tilespmem:s29+$0xCD90]  }
0x16d: {  	v43 =	vld [tilespmem:s29+$0xDA0]  }
0x16e: {  	v44 =	vld [tilespmem:s20+$0x1E0]  }
0x16f: {  	v46 =	vld [tilespmem:s29+$0xDB0]  }
0x170: {  	v26 =	vld [tilespmem:s20+$0x1F0]  }
0x171: {  	v45 =	vld [tilespmem:s29+$0xCDA0]  }
0x172: {  	v16 =	vadd.f32 v17, v16;
	v17 =	vadd.f32 v41, v40  }
0x173: {  	v48 =	vld [tilespmem:s29+$0xCDB0];
	v47 =	vadd.f32 v44, v43  }
0x174: {  	v16 =	vsub.f32 v16, v39;
	v17 =	vsub.f32 v17, v42  }
0x175: {  	v50 =	vadd.f32 v26, v46  }
0x176: {  	v49 =	vsub.f32 v47, v45;
	v16 =	vmul.f32 v16, v16;
	v17 =	vmul.f32 v17, v17;
	_ =	sdelay $0x1  }
0x177: {  	v51 =	vsub.f32 v50, v48;
	v16 =	vadd.f32 v17, v16;
	v17 =	vmul.f32 v49, v49;
	_ =	sdelay $0x1  }
0x178: {  	v16 =	vadd.f32 v17, v16;
	v17 =	vmul.f32 v51, v51;
	_ =	sdelay $0x1  }
0x179: {  	v16 =	vadd.f32 v17, v16;
	_ =	sdelay $0x1  }
0x17a: {  	[tilespmem:$0x14768] =	vst v16  }
0x17b: {  	v16 =	vld.idx.msk [tilespmem:v0+s25+$0x0], $0xffff;
	_ =	sdelay $0x1  }
0x17c: {  	v17 =	vld.idx.msk [tilespmem:v1+s25+$0x0], $0xffff;
	_ =	sdelay $0x1  }
0x17d: {  	v52 =	vld.idx.msk [tilespmem:v2+s25+$0x0], $0xffff  }
0x17e: {  	v16 =	vadd.f32 $0.0e+00, v16  }
0x17f: {  	v53 =	vld.idx.msk [tilespmem:v3+s25+$0x0], $0xffff  }
0x180: {  	v16 =	vadd.f32 v17, v16  }
0x181: {  	v17 =	vld.idx.msk [tilespmem:v4+s25+$0x0], $0xffff  }
0x182: {  	v16 =	vadd.f32 v52, v16  }
0x183: {  	v54 =	vld.idx.msk [tilespmem:v5+s25+$0x0], $0xffff  }
0x184: {  	v16 =	vadd.f32 v53, v16  }
0x185: {  	v55 =	vld.idx.msk [tilespmem:v6+s25+$0x0], $0xffff  }
0x186: {  	v16 =	vadd.f32 v17, v16  }
0x187: {  	v17 =	vld.idx.msk [tilespmem:v7+s25+$0x0], $0xffff  }
0x188: {  	v16 =	vadd.f32 v54, v16  }
0x189: {  	v56 =	vld.idx.msk [tilespmem:v8+s25+$0x0], $0xffff  }
0x18a: {  	v16 =	vadd.f32 v55, v16  }
0x18b: {  	v57 =	vld.idx.msk [tilespmem:v9+s25+$0x0], $0xffff  }
0x18c: {  	v16 =	vadd.f32 v17, v16  }
0x18d: {  	v17 =	vld.idx.msk [tilespmem:v10+s25+$0x0], $0xffff  }
0x18e: {  	v16 =	vadd.f32 v56, v16  }
0x18f: {  	v58 =	vld.idx.msk [tilespmem:v11+s25+$0x0], $0xffff  }
0x190: {  	v16 =	vadd.f32 v57, v16  }
0x191: {  	v59 =	vld.idx.msk [tilespmem:v12+s25+$0x0], $0xffff  }
0x192: {  	v16 =	vadd.f32 v17, v16  }
0x193: {  	v17 =	vld.idx.msk [tilespmem:v13+s25+$0x0], $0xffff  }
0x194: {  	v16 =	vadd.f32 v58, v16  }
0x195: {  	v60 =	vld.idx.msk [tilespmem:v14+s25+$0x0], $0xffff  }
0x196: {  	v16 =	vadd.f32 v59, v16  }
0x197: {  	v61 =	vld.idx.msk [tilespmem:v15+s25+$0x0], $0xffff  }
0x198: {  	v16 =	vadd.f32 v17, v16;
	_ =	sdelay $0x1  }
0x199: {  	v16 =	vadd.f32 v60, v16;
	_ =	sdelay $0x1  }
0x19a: {  	v16 =	vadd.f32 v61, v16;
	_ =	sdelay $0x1  }
0x19b: {  	v16 =	vmax.f32 v16, $1.000000000e-30  }
0x19c: {  	v17 =	vshra.s32 v16, $0x1;
	v62 =	vmul.f32 $5.000000000e-01, v16  }
0x19d: {  	v17 =	vsub.s32 $0x5F3759DF, v17  }
0x19e: {  	v63 =	vmul.f32 v17, v62;
	_ =	sdelay $0x1  }
0x19f: {  	v19 =	vmul.f32 v17, v63;
	_ =	sdelay $0x1  }
0x1a0: {  	v19 =	vsub.f32 $1.500000000e+00, v19;
	_ =	sdelay $0x1  }
0x1a1: {  	v17 =	vmul.f32 v17, v19;
	_ =	sdelay $0x1  }
0x1a2: {  	v19 =	vmul.f32 v17, v62;
	_ =	sdelay $0x1  }
0x1a3: {  	v19 =	vmul.f32 v19, v17;
	_ =	sdelay $0x1  }
0x1a4: {  	v19 =	vsub.f32 $1.500000000e+00, v19;
	_ =	sdelay $0x1  }
0x1a5: {  	v17 =	vmul.f32 v19, v17;
	_ =	sdelay $0x1  }
0x1a6: {  	v18 =	vmul.f32 v17, v62;
	_ =	sdelay $0x1  }
0x1a7: {  	v18 =	vmul.f32 v18, v17;
	_ =	sdelay $0x1  }
0x1a8: {  	v18 =	vsub.f32 $1.500000000e+00, v18  }
0x1a9: {  	p0 =	sne.s32 s28, $0x1E000  }
.Ltmp0:
0x1aa: {  	v17 =	vmul.f32 v18, v17;
	(pc) =	sbr.rel @p0 .LBB2_2-.Ltmp0, $3  }
0x1ab: {  	_ = 	snop  }
0x1ac: {  	v16 =	vmul.f32 v17, v16;
	_ =	sdelay $0x1  }
0x1ad: {  	s28 =	sadd.s32 $0x2000, s28;
	s20 =	sadd.s32 $0x400, s20;
	[tilespmem:s26+$0x0] =	vst v16;
	s26 =	sadd.s32 $0x10, s26  }
0x1ae: {  	s20 =	simm.s32 $0x100  }
0x1af: {  	[tilespmem:s14], [sflag:$0x1] =	stream.indirect.gather [hbm4b:s3+s13], $0x80, s20, s13, $0xb8;
	[tilespmem:$0x14980] =	vst v63  }
0x1b0: {  	s26 =	simm.s32 $0x300  }
0x1b1: {  	[tilespmem:s15], [sflag:$0x2] =	stream.indirect.gather [hbm4b:s4+s13], $0x40, s26, s13, $0xb8;
	[tilespmem:$0x14980] =	vst v63  }
0x1b2: {  	s29 =	simm.s32 $0x500  }
0x1b3: {  	[tilespmem:s16], [sflag:$0x3] =	stream.indirect.gather [hbm4b:s3+s13], $0x80, s29, s13, $0xb8;
	[tilespmem:$0x14980] =	vst v63  }
0x1b4: {  	_ = 	snop  }
0x1b5: {  	[tilespmem:s17], [sflag:$0x1] =	stream.indirect.gather [hbm4b:s3+s13], $0x80, s30, s13, $0xb8;
	[tilespmem:$0x14980] =	vst v63  }
0x1b6: {  	_ = 	snop  }
0x1b7: {  	[tilespmem:s19], [sflag:$0x2] =	stream.indirect.gather [hbm4b:s4+s13], $0x40, s31, s13, $0xb8;
	[tilespmem:$0x14980] =	vst v63  }
0x1b8: {  	_ = 	snop  }
0x1b9: {  	[tilespmem:s21], [sflag:$0x3] =	stream.indirect.gather [hbm4b:s3+s13], $0x80, s0, s13, $0xb8;
	[tilespmem:$0x14980] =	vst v63  }
0x1ba: {  	_ =	swait.ge [sflag:s22], $0x4000  }
0x1bb: {  	[sflag:s22] =	ssyncset.done $0x0  }
0x1bc: {  	[sflag:s22] =	ssyncadd.s32 $0xFFFFC000  }
0x1bd: {  	_ =	swait.ge [sflag:s23], $0x2000  }
0x1be: {  	[sflag:s23] =	ssyncset.done $0x0  }
0x1bf: {  	[sflag:s23] =	ssyncadd.s32 $0xFFFFE000  }
0x1c0: {  	_ =	swait.ge [sflag:s24], $0x4000  }
0x1c1: {  	[sflag:s24] =	ssyncset.done $0x0  }
0x1c2: {  	[sflag:s24] =	ssyncadd.s32 $0xFFFFC000  }
0x1c3: {  	_ =	swait.ge [sflag:s22], $0x4000  }
0x1c4: {  	[sflag:s22] =	ssyncset.done $0x0  }
0x1c5: {  	[sflag:s22] =	ssyncadd.s32 $0xFFFFC000  }
0x1c6: {  	_ =	swait.ge [sflag:s23], $0x2000  }
0x1c7: {  	[sflag:s23] =	ssyncset.done $0x0  }
0x1c8: {  	[sflag:s23] =	ssyncadd.s32 $0xFFFFE000  }
0x1c9: {  	_ =	swait.ge [sflag:s24], $0x4000  }
0x1ca: {  	s28 =	simm.s32 $0x14880;
	[sflag:s24] =	ssyncset.done $0x0  }
0x1cb: {  	s20 =	simm.s32 $0x0;
	s26 =	simm.s32 $0x8800;
	[sflag:s24] =	ssyncadd.s32 $0xFFFFC000  }
.LBB2_4:
0x1cc: {  	v17 =	vld [tilespmem:s26+$0xFFFFFE00]  }
0x1cd: {  	v20 =	vld [tilespmem:s26+$0xFFFFFE10]  }
0x1ce: {  	s29 =	sshra.s32 s20, $0x2;
	v23 =	vld [tilespmem:s26+$0xFFFFFE20]  }
0x1cf: {  	v16 =	vld [tilespmem:s29+$0x600]  }
0x1d0: {  	v18 =	vld [tilespmem:s29+$0xC600]  }
0x1d1: {  	v19 =	vld [tilespmem:s29+$0x610]  }
0x1d2: {  	v21 =	vld [tilespmem:s29+$0xC610]  }
0x1d3: {  	v22 =	vld [tilespmem:s29+$0x620]  }
0x1d4: {  	v24 =	vld [tilespmem:s29+$0xC620]  }
0x1d5: {  	v25 =	vld [tilespmem:s29+$0x630]  }
0x1d6: {  	v16 =	vadd.f32 v17, v16;
	v17 =	vld [tilespmem:s26+$0xFFFFFE30]  }
0x1d7: {  	v19 =	vadd.f32 v20, v19  }
0x1d8: {  	v30 =	vld [tilespmem:s29+$0xC630];
	v31 =	vadd.f32 v23, v22  }
0x1d9: {  	v16 =	vsub.f32 v16, v18;
	v19 =	vsub.f32 v19, v21  }
0x1da: {  	v20 =	vsub.f32 v31, v24  }
0x1db: {  	v16 =	vmul.f32 v16, v16;
	v19 =	vmul.f32 v19, v19;
	v17 =	vadd.f32 v17, v25;
	_ =	sdelay $0x1  }
0x1dc: {  	v32 =	vmul.f32 v20, v20;
	v16 =	vadd.f32 v19, v16;
	v17 =	vsub.f32 v17, v30;
	_ =	sdelay $0x1  }
0x1dd: {  	v16 =	vadd.f32 v32, v16;
	v17 =	vmul.f32 v17, v17;
	_ =	sdelay $0x1  }
0x1de: {  	v16 =	vadd.f32 v17, v16;
	_ =	sdelay $0x1  }
0x1df: {  	[tilespmem:$0x14600] =	vst v16  }
0x1e0: {  	v16 =	vld [tilespmem:s29+$0x680]  }
0x1e1: {  	v17 =	vld [tilespmem:s26+$0xFFFFFE40]  }
0x1e2: {  	v33 =	vld [tilespmem:s29+$0xC680]  }
0x1e3: {  	v34 =	vld [tilespmem:s29+$0x690]  }
0x1e4: {  	v35 =	vld [tilespmem:s26+$0xFFFFFE50]  }
0x1e5: {  	v36 =	vld [tilespmem:s29+$0xC690]  }
0x1e6: {  	v37 =	vld [tilespmem:s29+$0x6A0]  }
0x1e7: {  	v38 =	vld [tilespmem:s26+$0xFFFFFE60]  }
0x1e8: {  	v39 =	vld [tilespmem:s29+$0xC6A0]  }
0x1e9: {  	v40 =	vld [tilespmem:s29+$0x6B0]  }
0x1ea: {  	v16 =	vadd.f32 v17, v16;
	v17 =	vld [tilespmem:s26+$0xFFFFFE70]  }
0x1eb: {  	v19 =	vadd.f32 v35, v34  }
0x1ec: {  	v41 =	vld [tilespmem:s29+$0xC6B0];
	v42 =	vadd.f32 v38, v37  }
0x1ed: {  	v16 =	vsub.f32 v16, v33;
	v19 =	vsub.f32 v19, v36  }
0x1ee: {  	v20 =	vsub.f32 v42, v39  }
0x1ef: {  	v16 =	vmul.f32 v16, v16;
	v19 =	vmul.f32 v19, v19;
	v17 =	vadd.f32 v17, v40;
	_ =	sdelay $0x1  }
0x1f0: {  	v43 =	vmul.f32 v20, v20;
	v16 =	vadd.f32 v19, v16;
	v17 =	vsub.f32 v17, v41;
	_ =	sdelay $0x1  }
0x1f1: {  	v16 =	vadd.f32 v43, v16;
	v17 =	vmul.f32 v17, v17;
	_ =	sdelay $0x1  }
0x1f2: {  	v16 =	vadd.f32 v17, v16;
	_ =	sdelay $0x1  }
0x1f3: {  	[tilespmem:$0x14618] =	vst v16  }
0x1f4: {  	v16 =	vld [tilespmem:s29+$0x700]  }
0x1f5: {  	v17 =	vld [tilespmem:s26+$0xFFFFFE80]  }
0x1f6: {  	v44 =	vld [tilespmem:s29+$0xC700]  }
0x1f7: {  	v45 =	vld [tilespmem:s29+$0x710]  }
0x1f8: {  	v46 =	vld [tilespmem:s26+$0xFFFFFE90]  }
0x1f9: {  	v47 =	vld [tilespmem:s29+$0xC710]  }
0x1fa: {  	v48 =	vld [tilespmem:s29+$0x720]  }
0x1fb: {  	v49 =	vld [tilespmem:s26+$0xFFFFFEA0]  }
0x1fc: {  	v50 =	vld [tilespmem:s29+$0xC720]  }
0x1fd: {  	v51 =	vld [tilespmem:s29+$0x730]  }
0x1fe: {  	v16 =	vadd.f32 v17, v16;
	v17 =	vld [tilespmem:s26+$0xFFFFFEB0]  }
0x1ff: {  	v19 =	vadd.f32 v46, v45  }
0x200: {  	v52 =	vld [tilespmem:s29+$0xC730];
	v53 =	vadd.f32 v49, v48  }
0x201: {  	v16 =	vsub.f32 v16, v44;
	v19 =	vsub.f32 v19, v47  }
0x202: {  	v20 =	vsub.f32 v53, v50  }
0x203: {  	v16 =	vmul.f32 v16, v16;
	v19 =	vmul.f32 v19, v19;
	v17 =	vadd.f32 v17, v51;
	_ =	sdelay $0x1  }
0x204: {  	v54 =	vmul.f32 v20, v20;
	v16 =	vadd.f32 v19, v16;
	v17 =	vsub.f32 v17, v52;
	_ =	sdelay $0x1  }
0x205: {  	v16 =	vadd.f32 v54, v16;
	v17 =	vmul.f32 v17, v17;
	_ =	sdelay $0x1  }
0x206: {  	v16 =	vadd.f32 v17, v16;
	_ =	sdelay $0x1  }
0x207: {  	[tilespmem:$0x14630] =	vst v16  }
0x208: {  	v16 =	vld [tilespmem:s29+$0x780]  }
0x209: {  	v17 =	vld [tilespmem:s26+$0xFFFFFEC0]  }
0x20a: {  	v55 =	vld [tilespmem:s29+$0xC780]  }
0x20b: {  	v56 =	vld [tilespmem:s29+$0x790]  }
0x20c: {  	v57 =	vld [tilespmem:s26+$0xFFFFFED0]  }
0x20d: {  	v58 =	vld [tilespmem:s29+$0xC790]  }
0x20e: {  	v59 =	vld [tilespmem:s29+$0x7A0]  }
0x20f: {  	v60 =	vld [tilespmem:s26+$0xFFFFFEE0]  }
0x210: {  	v61 =	vld [tilespmem:s29+$0xC7A0]  }
0x211: {  	v62 =	vld [tilespmem:s29+$0x7B0]  }
0x212: {  	v16 =	vadd.f32 v17, v16;
	v17 =	vld [tilespmem:s26+$0xFFFFFEF0]  }
0x213: {  	v19 =	vadd.f32 v57, v56  }
0x214: {  	v63 =	vld [tilespmem:s29+$0xC7B0];
	v26 =	vadd.f32 v60, v59  }
0x215: {  	v16 =	vsub.f32 v16, v55;
	v19 =	vsub.f32 v19, v58  }
0x216: {  	v20 =	vsub.f32 v26, v61  }
0x217: {  	v16 =	vmul.f32 v16, v16;
	v19 =	vmul.f32 v19, v19;
	v17 =	vadd.f32 v17, v62;
	_ =	sdelay $0x1  }
0x218: {  	v27 =	vmul.f32 v20, v20;
	v16 =	vadd.f32 v19, v16;
	v17 =	vsub.f32 v17, v63;
	_ =	sdelay $0x1  }
0x219: {  	v16 =	vadd.f32 v27, v16;
	v17 =	vmul.f32 v17, v17;
	_ =	sdelay $0x1  }
0x21a: {  	v16 =	vadd.f32 v17, v16;
	_ =	sdelay $0x1  }
0x21b: {  	[tilespmem:$0x14648] =	vst v16  }
0x21c: {  	v16 =	vld [tilespmem:s29+$0x800]  }
0x21d: {  	v17 =	vld [tilespmem:s26+$0xFFFFFF00]  }
0x21e: {  	v28 =	vld [tilespmem:s29+$0xC800]  }
0x21f: {  	v29 =	vld [tilespmem:s29+$0x810]  }
0x220: {  	v30 =	vld [tilespmem:s26+$0xFFFFFF10]  }
0x221: {  	v31 =	vld [tilespmem:s29+$0xC810]  }
0x222: {  	v32 =	vld [tilespmem:s29+$0x820]  }
0x223: {  	v33 =	vld [tilespmem:s26+$0xFFFFFF20]  }
0x224: {  	v34 =	vld [tilespmem:s29+$0xC820]  }
0x225: {  	v35 =	vld [tilespmem:s29+$0x830]  }
0x226: {  	v16 =	vadd.f32 v17, v16;
	v17 =	vld [tilespmem:s26+$0xFFFFFF30]  }
0x227: {  	v19 =	vadd.f32 v30, v29  }
0x228: {  	v36 =	vld [tilespmem:s29+$0xC830];
	v37 =	vadd.f32 v33, v32  }
0x229: {  	v16 =	vsub.f32 v16, v28;
	v19 =	vsub.f32 v19, v31  }
0x22a: {  	v20 =	vsub.f32 v37, v34  }
0x22b: {  	v16 =	vmul.f32 v16, v16;
	v19 =	vmul.f32 v19, v19;
	v17 =	vadd.f32 v17, v35;
	_ =	sdelay $0x1  }
0x22c: {  	v38 =	vmul.f32 v20, v20;
	v16 =	vadd.f32 v19, v16;
	v17 =	vsub.f32 v17, v36;
	_ =	sdelay $0x1  }
0x22d: {  	v16 =	vadd.f32 v38, v16;
	v17 =	vmul.f32 v17, v17;
	_ =	sdelay $0x1  }
0x22e: {  	v16 =	vadd.f32 v17, v16;
	_ =	sdelay $0x1  }
0x22f: {  	[tilespmem:$0x14660] =	vst v16  }
0x230: {  	v16 =	vld [tilespmem:s29+$0x880]  }
0x231: {  	v17 =	vld [tilespmem:s26+$0xFFFFFF40]  }
0x232: {  	v39 =	vld [tilespmem:s29+$0xC880]  }
0x233: {  	v40 =	vld [tilespmem:s29+$0x890]  }
0x234: {  	v41 =	vld [tilespmem:s26+$0xFFFFFF50]  }
0x235: {  	v42 =	vld [tilespmem:s29+$0xC890]  }
0x236: {  	v43 =	vld [tilespmem:s29+$0x8A0]  }
0x237: {  	v44 =	vld [tilespmem:s26+$0xFFFFFF60]  }
0x238: {  	v45 =	vld [tilespmem:s29+$0xC8A0]  }
0x239: {  	v46 =	vld [tilespmem:s29+$0x8B0]  }
0x23a: {  	v16 =	vadd.f32 v17, v16;
	v17 =	vld [tilespmem:s26+$0xFFFFFF70]  }
0x23b: {  	v19 =	vadd.f32 v41, v40  }
0x23c: {  	v47 =	vld [tilespmem:s29+$0xC8B0];
	v48 =	vadd.f32 v44, v43  }
0x23d: {  	v16 =	vsub.f32 v16, v39;
	v19 =	vsub.f32 v19, v42  }
0x23e: {  	v20 =	vsub.f32 v48, v45  }
0x23f: {  	v16 =	vmul.f32 v16, v16;
	v19 =	vmul.f32 v19, v19;
	v17 =	vadd.f32 v17, v46;
	_ =	sdelay $0x1  }
0x240: {  	v49 =	vmul.f32 v20, v20;
	v16 =	vadd.f32 v19, v16;
	v17 =	vsub.f32 v17, v47;
	_ =	sdelay $0x1  }
0x241: {  	v16 =	vadd.f32 v49, v16;
	v17 =	vmul.f32 v17, v17;
	_ =	sdelay $0x1  }
0x242: {  	v16 =	vadd.f32 v17, v16;
	_ =	sdelay $0x1  }
0x243: {  	[tilespmem:$0x14678] =	vst v16  }
0x244: {  	v16 =	vld [tilespmem:s29+$0x900]  }
0x245: {  	v17 =	vld [tilespmem:s26+$0xFFFFFF80]  }
0x246: {  	v50 =	vld [tilespmem:s29+$0xC900]  }
0x247: {  	v51 =	vld [tilespmem:s29+$0x910]  }
0x248: {  	v52 =	vld [tilespmem:s26+$0xFFFFFF90]  }
0x249: {  	v53 =	vld [tilespmem:s29+$0xC910]  }
0x24a: {  	v54 =	vld [tilespmem:s29+$0x920]  }
0x24b: {  	v55 =	vld [tilespmem:s26+$0xFFFFFFA0]  }
0x24c: {  	v56 =	vld [tilespmem:s29+$0xC920]  }
0x24d: {  	v57 =	vld [tilespmem:s29+$0x930]  }
0x24e: {  	v16 =	vadd.f32 v17, v16;
	v17 =	vld [tilespmem:s26+$0xFFFFFFB0]  }
0x24f: {  	v19 =	vadd.f32 v52, v51  }
0x250: {  	v58 =	vld [tilespmem:s29+$0xC930];
	v59 =	vadd.f32 v55, v54  }
0x251: {  	v16 =	vsub.f32 v16, v50;
	v19 =	vsub.f32 v19, v53  }
0x252: {  	v20 =	vsub.f32 v59, v56  }
0x253: {  	v16 =	vmul.f32 v16, v16;
	v19 =	vmul.f32 v19, v19;
	v17 =	vadd.f32 v17, v57;
	_ =	sdelay $0x1  }
0x254: {  	v60 =	vmul.f32 v20, v20;
	v16 =	vadd.f32 v19, v16;
	v17 =	vsub.f32 v17, v58;
	_ =	sdelay $0x1  }
0x255: {  	v16 =	vadd.f32 v60, v16;
	v17 =	vmul.f32 v17, v17;
	_ =	sdelay $0x1  }
0x256: {  	v16 =	vadd.f32 v17, v16;
	_ =	sdelay $0x1  }
0x257: {  	[tilespmem:$0x14690] =	vst v16  }
0x258: {  	v16 =	vld [tilespmem:s29+$0x980]  }
0x259: {  	v17 =	vld [tilespmem:s26+$0xFFFFFFC0]  }
0x25a: {  	v61 =	vld [tilespmem:s29+$0xC980]  }
0x25b: {  	v62 =	vld [tilespmem:s29+$0x990]  }
0x25c: {  	v63 =	vld [tilespmem:s26+$0xFFFFFFD0]  }
0x25d: {  	v28 =	vld [tilespmem:s29+$0xC990]  }
0x25e: {  	v29 =	vld [tilespmem:s29+$0x9A0]  }
0x25f: {  	v30 =	vld [tilespmem:s26+$0xFFFFFFE0]  }
0x260: {  	v31 =	vld [tilespmem:s29+$0xC9A0]  }
0x261: {  	v32 =	vld [tilespmem:s29+$0x9B0]  }
0x262: {  	v16 =	vadd.f32 v17, v16;
	v17 =	vld [tilespmem:s26+$0xFFFFFFF0]  }
0x263: {  	v19 =	vadd.f32 v63, v62  }
0x264: {  	v33 =	vld [tilespmem:s29+$0xC9B0];
	v34 =	vadd.f32 v30, v29  }
0x265: {  	v16 =	vsub.f32 v16, v61;
	v19 =	vsub.f32 v19, v28  }
0x266: {  	v20 =	vsub.f32 v34, v31  }
0x267: {  	v16 =	vmul.f32 v16, v16;
	v19 =	vmul.f32 v19, v19;
	v17 =	vadd.f32 v17, v32;
	_ =	sdelay $0x1  }
0x268: {  	v35 =	vmul.f32 v20, v20;
	v16 =	vadd.f32 v19, v16;
	v17 =	vsub.f32 v17, v33;
	_ =	sdelay $0x1  }
0x269: {  	v16 =	vadd.f32 v35, v16;
	v17 =	vmul.f32 v17, v17;
	_ =	sdelay $0x1  }
0x26a: {  	v16 =	vadd.f32 v17, v16;
	_ =	sdelay $0x1  }
0x26b: {  	[tilespmem:$0x146A8] =	vst v16  }
0x26c: {  	v16 =	vld [tilespmem:s29+$0xA00]  }
0x26d: {  	v17 =	vld [tilespmem:s26+$0x0]  }
0x26e: {  	v36 =	vld [tilespmem:s29+$0xCA00]  }
0x26f: {  	v37 =	vld [tilespmem:s29+$0xA10]  }
0x270: {  	v38 =	vld [tilespmem:s26+$0x10]  }
0x271: {  	v39 =	vld [tilespmem:s29+$0xCA10]  }
0x272: {  	v40 =	vld [tilespmem:s29+$0xA20]  }
0x273: {  	v41 =	vld [tilespmem:s26+$0x20]  }
0x274: {  	v42 =	vld [tilespmem:s29+$0xCA20]  }
0x275: {  	v43 =	vld [tilespmem:s29+$0xA30]  }
0x276: {  	v16 =	vadd.f32 v17, v16;
	v17 =	vld [tilespmem:s26+$0x30]  }
0x277: {  	v19 =	vadd.f32 v38, v37  }
0x278: {  	v44 =	vld [tilespmem:s29+$0xCA30];
	v45 =	vadd.f32 v41, v40  }
0x279: {  	v16 =	vsub.f32 v16, v36;
	v19 =	vsub.f32 v19, v39  }
0x27a: {  	v20 =	vsub.f32 v45, v42  }
0x27b: {  	v16 =	vmul.f32 v16, v16;
	v19 =	vmul.f32 v19, v19;
	v17 =	vadd.f32 v17, v43;
	_ =	sdelay $0x1  }
0x27c: {  	v46 =	vmul.f32 v20, v20;
	v16 =	vadd.f32 v19, v16;
	v17 =	vsub.f32 v17, v44;
	_ =	sdelay $0x1  }
0x27d: {  	v16 =	vadd.f32 v46, v16;
	v17 =	vmul.f32 v17, v17;
	_ =	sdelay $0x1  }
0x27e: {  	v16 =	vadd.f32 v17, v16;
	_ =	sdelay $0x1  }
0x27f: {  	[tilespmem:$0x146C0] =	vst v16  }
0x280: {  	v16 =	vld [tilespmem:s29+$0xA80]  }
0x281: {  	v17 =	vld [tilespmem:s26+$0x40]  }
0x282: {  	v47 =	vld [tilespmem:s29+$0xCA80]  }
0x283: {  	v48 =	vld [tilespmem:s29+$0xA90]  }
0x284: {  	v49 =	vld [tilespmem:s26+$0x50]  }
0x285: {  	v50 =	vld [tilespmem:s29+$0xCA90]  }
0x286: {  	v51 =	vld [tilespmem:s29+$0xAA0]  }
0x287: {  	v52 =	vld [tilespmem:s26+$0x60]  }
0x288: {  	v53 =	vld [tilespmem:s29+$0xCAA0]  }
0x289: {  	v54 =	vld [tilespmem:s29+$0xAB0]  }
0x28a: {  	v16 =	vadd.f32 v17, v16;
	v17 =	vld [tilespmem:s26+$0x70]  }
0x28b: {  	v19 =	vadd.f32 v49, v48  }
0x28c: {  	v55 =	vld [tilespmem:s29+$0xCAB0];
	v56 =	vadd.f32 v52, v51  }
0x28d: {  	v16 =	vsub.f32 v16, v47;
	v19 =	vsub.f32 v19, v50  }
0x28e: {  	v20 =	vsub.f32 v56, v53  }
0x28f: {  	v16 =	vmul.f32 v16, v16;
	v19 =	vmul.f32 v19, v19;
	v17 =	vadd.f32 v17, v54;
	_ =	sdelay $0x1  }
0x290: {  	v57 =	vmul.f32 v20, v20;
	v16 =	vadd.f32 v19, v16;
	v17 =	vsub.f32 v17, v55;
	_ =	sdelay $0x1  }
0x291: {  	v16 =	vadd.f32 v57, v16;
	v17 =	vmul.f32 v17, v17;
	_ =	sdelay $0x1  }
0x292: {  	v16 =	vadd.f32 v17, v16;
	_ =	sdelay $0x1  }
0x293: {  	[tilespmem:$0x146D8] =	vst v16  }
0x294: {  	v16 =	vld [tilespmem:s29+$0xB00]  }
0x295: {  	v17 =	vld [tilespmem:s26+$0x80]  }
0x296: {  	v58 =	vld [tilespmem:s29+$0xCB00]  }
0x297: {  	v59 =	vld [tilespmem:s29+$0xB10]  }
0x298: {  	v60 =	vld [tilespmem:s26+$0x90]  }
0x299: {  	v61 =	vld [tilespmem:s29+$0xCB10]  }
0x29a: {  	v62 =	vld [tilespmem:s29+$0xB20]  }
0x29b: {  	v63 =	vld [tilespmem:s26+$0xA0]  }
0x29c: {  	v28 =	vld [tilespmem:s29+$0xCB20]  }
0x29d: {  	v29 =	vld [tilespmem:s29+$0xB30]  }
0x29e: {  	v16 =	vadd.f32 v17, v16;
	v17 =	vld [tilespmem:s26+$0xB0]  }
0x29f: {  	v19 =	vadd.f32 v60, v59  }
0x2a0: {  	v30 =	vld [tilespmem:s29+$0xCB30];
	v31 =	vadd.f32 v63, v62  }
0x2a1: {  	v16 =	vsub.f32 v16, v58;
	v19 =	vsub.f32 v19, v61  }
0x2a2: {  	v20 =	vsub.f32 v31, v28  }
0x2a3: {  	v16 =	vmul.f32 v16, v16;
	v19 =	vmul.f32 v19, v19;
	v17 =	vadd.f32 v17, v29;
	_ =	sdelay $0x1  }
0x2a4: {  	v32 =	vmul.f32 v20, v20;
	v16 =	vadd.f32 v19, v16;
	v17 =	vsub.f32 v17, v30;
	_ =	sdelay $0x1  }
0x2a5: {  	v16 =	vadd.f32 v32, v16;
	v17 =	vmul.f32 v17, v17;
	_ =	sdelay $0x1  }
0x2a6: {  	v16 =	vadd.f32 v17, v16;
	_ =	sdelay $0x1  }
0x2a7: {  	[tilespmem:$0x146F0] =	vst v16  }
0x2a8: {  	v16 =	vld [tilespmem:s29+$0xB80]  }
0x2a9: {  	v17 =	vld [tilespmem:s26+$0xC0]  }
0x2aa: {  	v33 =	vld [tilespmem:s29+$0xCB80]  }
0x2ab: {  	v34 =	vld [tilespmem:s29+$0xB90]  }
0x2ac: {  	v35 =	vld [tilespmem:s26+$0xD0]  }
0x2ad: {  	v36 =	vld [tilespmem:s29+$0xCB90]  }
0x2ae: {  	v37 =	vld [tilespmem:s29+$0xBA0]  }
0x2af: {  	v38 =	vld [tilespmem:s26+$0xE0]  }
0x2b0: {  	v39 =	vld [tilespmem:s29+$0xCBA0]  }
0x2b1: {  	v40 =	vld [tilespmem:s29+$0xBB0]  }
0x2b2: {  	v16 =	vadd.f32 v17, v16;
	v17 =	vld [tilespmem:s26+$0xF0]  }
0x2b3: {  	v19 =	vadd.f32 v35, v34  }
0x2b4: {  	v41 =	vld [tilespmem:s29+$0xCBB0];
	v42 =	vadd.f32 v38, v37  }
0x2b5: {  	v16 =	vsub.f32 v16, v33;
	v19 =	vsub.f32 v19, v36  }
0x2b6: {  	v20 =	vsub.f32 v42, v39  }
0x2b7: {  	v16 =	vmul.f32 v16, v16;
	v19 =	vmul.f32 v19, v19;
	v17 =	vadd.f32 v17, v40;
	_ =	sdelay $0x1  }
0x2b8: {  	v43 =	vmul.f32 v20, v20;
	v16 =	vadd.f32 v19, v16;
	v17 =	vsub.f32 v17, v41;
	_ =	sdelay $0x1  }
0x2b9: {  	v16 =	vadd.f32 v43, v16;
	v17 =	vmul.f32 v17, v17;
	_ =	sdelay $0x1  }
0x2ba: {  	v16 =	vadd.f32 v17, v16;
	_ =	sdelay $0x1  }
0x2bb: {  	[tilespmem:$0x14708] =	vst v16  }
0x2bc: {  	v16 =	vld [tilespmem:s29+$0xC00]  }
0x2bd: {  	v17 =	vld [tilespmem:s26+$0x100]  }
0x2be: {  	v44 =	vld [tilespmem:s29+$0xCC00]  }
0x2bf: {  	v45 =	vld [tilespmem:s29+$0xC10]  }
0x2c0: {  	v46 =	vld [tilespmem:s26+$0x110]  }
0x2c1: {  	v47 =	vld [tilespmem:s29+$0xCC10]  }
0x2c2: {  	v48 =	vld [tilespmem:s29+$0xC20]  }
0x2c3: {  	v49 =	vld [tilespmem:s26+$0x120]  }
0x2c4: {  	v50 =	vld [tilespmem:s29+$0xCC20]  }
0x2c5: {  	v51 =	vld [tilespmem:s29+$0xC30]  }
0x2c6: {  	v16 =	vadd.f32 v17, v16;
	v17 =	vld [tilespmem:s26+$0x130]  }
0x2c7: {  	v19 =	vadd.f32 v46, v45  }
0x2c8: {  	v52 =	vld [tilespmem:s29+$0xCC30];
	v53 =	vadd.f32 v49, v48  }
0x2c9: {  	v16 =	vsub.f32 v16, v44;
	v19 =	vsub.f32 v19, v47  }
0x2ca: {  	v20 =	vsub.f32 v53, v50  }
0x2cb: {  	v16 =	vmul.f32 v16, v16;
	v19 =	vmul.f32 v19, v19;
	v17 =	vadd.f32 v17, v51;
	_ =	sdelay $0x1  }
0x2cc: {  	v54 =	vmul.f32 v20, v20;
	v16 =	vadd.f32 v19, v16;
	v17 =	vsub.f32 v17, v52;
	_ =	sdelay $0x1  }
0x2cd: {  	v16 =	vadd.f32 v54, v16;
	v17 =	vmul.f32 v17, v17;
	_ =	sdelay $0x1  }
0x2ce: {  	v16 =	vadd.f32 v17, v16;
	_ =	sdelay $0x1  }
0x2cf: {  	[tilespmem:$0x14720] =	vst v16  }
0x2d0: {  	v16 =	vld [tilespmem:s29+$0xC80]  }
0x2d1: {  	v17 =	vld [tilespmem:s26+$0x140]  }
0x2d2: {  	v55 =	vld [tilespmem:s29+$0xCC80]  }
0x2d3: {  	v56 =	vld [tilespmem:s29+$0xC90]  }
0x2d4: {  	v57 =	vld [tilespmem:s26+$0x150]  }
0x2d5: {  	v58 =	vld [tilespmem:s29+$0xCC90]  }
0x2d6: {  	v59 =	vld [tilespmem:s29+$0xCA0]  }
0x2d7: {  	v60 =	vld [tilespmem:s26+$0x160]  }
0x2d8: {  	v61 =	vld [tilespmem:s29+$0xCCA0]  }
0x2d9: {  	v62 =	vld [tilespmem:s29+$0xCB0]  }
0x2da: {  	v16 =	vadd.f32 v17, v16;
	v17 =	vld [tilespmem:s26+$0x170]  }
0x2db: {  	v19 =	vadd.f32 v57, v56  }
0x2dc: {  	v63 =	vld [tilespmem:s29+$0xCCB0];
	v26 =	vadd.f32 v60, v59  }
0x2dd: {  	v16 =	vsub.f32 v16, v55;
	v19 =	vsub.f32 v19, v58  }
0x2de: {  	v20 =	vsub.f32 v26, v61  }
0x2df: {  	v16 =	vmul.f32 v16, v16;
	v19 =	vmul.f32 v19, v19;
	v17 =	vadd.f32 v17, v62;
	_ =	sdelay $0x1  }
0x2e0: {  	v27 =	vmul.f32 v20, v20;
	v16 =	vadd.f32 v19, v16;
	v17 =	vsub.f32 v17, v63;
	_ =	sdelay $0x1  }
0x2e1: {  	v16 =	vadd.f32 v27, v16;
	v17 =	vmul.f32 v17, v17;
	_ =	sdelay $0x1  }
0x2e2: {  	v16 =	vadd.f32 v17, v16;
	_ =	sdelay $0x1  }
0x2e3: {  	[tilespmem:$0x14738] =	vst v16  }
0x2e4: {  	v16 =	vld [tilespmem:s29+$0xD00]  }
0x2e5: {  	v17 =	vld [tilespmem:s26+$0x180]  }
0x2e6: {  	v28 =	vld [tilespmem:s29+$0xCD00]  }
0x2e7: {  	v29 =	vld [tilespmem:s29+$0xD10]  }
0x2e8: {  	v30 =	vld [tilespmem:s26+$0x190]  }
0x2e9: {  	v31 =	vld [tilespmem:s29+$0xCD10]  }
0x2ea: {  	v32 =	vld [tilespmem:s29+$0xD20]  }
0x2eb: {  	v33 =	vld [tilespmem:s26+$0x1A0]  }
0x2ec: {  	v34 =	vld [tilespmem:s29+$0xCD20]  }
0x2ed: {  	v35 =	vld [tilespmem:s29+$0xD30]  }
0x2ee: {  	v16 =	vadd.f32 v17, v16;
	v17 =	vld [tilespmem:s26+$0x1B0]  }
0x2ef: {  	v19 =	vadd.f32 v30, v29  }
0x2f0: {  	v36 =	vld [tilespmem:s29+$0xCD30];
	v37 =	vadd.f32 v33, v32  }
0x2f1: {  	v16 =	vsub.f32 v16, v28;
	v19 =	vsub.f32 v19, v31  }
0x2f2: {  	v20 =	vsub.f32 v37, v34  }
0x2f3: {  	v16 =	vmul.f32 v16, v16;
	v19 =	vmul.f32 v19, v19;
	v17 =	vadd.f32 v17, v35;
	_ =	sdelay $0x1  }
0x2f4: {  	v38 =	vmul.f32 v20, v20;
	v16 =	vadd.f32 v19, v16;
	v17 =	vsub.f32 v17, v36;
	_ =	sdelay $0x1  }
0x2f5: {  	v16 =	vadd.f32 v38, v16;
	v17 =	vmul.f32 v17, v17;
	_ =	sdelay $0x1  }
0x2f6: {  	v16 =	vadd.f32 v17, v16;
	_ =	sdelay $0x1  }
0x2f7: {  	[tilespmem:$0x14750] =	vst v16  }
0x2f8: {  	v16 =	vld [tilespmem:s29+$0xD80]  }
0x2f9: {  	v17 =	vld [tilespmem:s26+$0x1C0]  }
0x2fa: {  	v39 =	vld [tilespmem:s29+$0xCD80]  }
0x2fb: {  	v40 =	vld [tilespmem:s29+$0xD90]  }
0x2fc: {  	v41 =	vld [tilespmem:s26+$0x1D0]  }
0x2fd: {  	v42 =	vld [tilespmem:s29+$0xCD90]  }
0x2fe: {  	v43 =	vld [tilespmem:s29+$0xDA0]  }
0x2ff: {  	v44 =	vld [tilespmem:s26+$0x1E0]  }
0x300: {  	v46 =	vld [tilespmem:s29+$0xDB0]  }
0x301: {  	v26 =	vld [tilespmem:s26+$0x1F0]  }
0x302: {  	v45 =	vld [tilespmem:s29+$0xCDA0]  }
0x303: {  	v16 =	vadd.f32 v17, v16;
	v17 =	vadd.f32 v41, v40  }
0x304: {  	v48 =	vld [tilespmem:s29+$0xCDB0];
	v47 =	vadd.f32 v44, v43  }
0x305: {  	v16 =	vsub.f32 v16, v39;
	v17 =	vsub.f32 v17, v42  }
0x306: {  	v50 =	vadd.f32 v26, v46  }
0x307: {  	v49 =	vsub.f32 v47, v45;
	v16 =	vmul.f32 v16, v16;
	v17 =	vmul.f32 v17, v17;
	_ =	sdelay $0x1  }
0x308: {  	v51 =	vsub.f32 v50, v48;
	v16 =	vadd.f32 v17, v16;
	v17 =	vmul.f32 v49, v49;
	_ =	sdelay $0x1  }
0x309: {  	v16 =	vadd.f32 v17, v16;
	v17 =	vmul.f32 v51, v51;
	_ =	sdelay $0x1  }
0x30a: {  	v16 =	vadd.f32 v17, v16;
	_ =	sdelay $0x1  }
0x30b: {  	[tilespmem:$0x14768] =	vst v16  }
0x30c: {  	v16 =	vld.idx.msk [tilespmem:v0+s25+$0x0], $0xffff;
	_ =	sdelay $0x1  }
0x30d: {  	v17 =	vld.idx.msk [tilespmem:v1+s25+$0x0], $0xffff;
	_ =	sdelay $0x1  }
0x30e: {  	v52 =	vld.idx.msk [tilespmem:v2+s25+$0x0], $0xffff  }
0x30f: {  	v16 =	vadd.f32 $0.0e+00, v16  }
0x310: {  	v53 =	vld.idx.msk [tilespmem:v3+s25+$0x0], $0xffff  }
0x311: {  	v16 =	vadd.f32 v17, v16  }
0x312: {  	v17 =	vld.idx.msk [tilespmem:v4+s25+$0x0], $0xffff  }
0x313: {  	v16 =	vadd.f32 v52, v16  }
0x314: {  	v54 =	vld.idx.msk [tilespmem:v5+s25+$0x0], $0xffff  }
0x315: {  	v16 =	vadd.f32 v53, v16  }
0x316: {  	v55 =	vld.idx.msk [tilespmem:v6+s25+$0x0], $0xffff  }
0x317: {  	v16 =	vadd.f32 v17, v16  }
0x318: {  	v17 =	vld.idx.msk [tilespmem:v7+s25+$0x0], $0xffff  }
0x319: {  	v16 =	vadd.f32 v54, v16  }
0x31a: {  	v56 =	vld.idx.msk [tilespmem:v8+s25+$0x0], $0xffff  }
0x31b: {  	v16 =	vadd.f32 v55, v16  }
0x31c: {  	v57 =	vld.idx.msk [tilespmem:v9+s25+$0x0], $0xffff  }
0x31d: {  	v16 =	vadd.f32 v17, v16  }
0x31e: {  	v17 =	vld.idx.msk [tilespmem:v10+s25+$0x0], $0xffff  }
0x31f: {  	v16 =	vadd.f32 v56, v16  }
0x320: {  	v58 =	vld.idx.msk [tilespmem:v11+s25+$0x0], $0xffff  }
0x321: {  	v16 =	vadd.f32 v57, v16  }
0x322: {  	v59 =	vld.idx.msk [tilespmem:v12+s25+$0x0], $0xffff  }
0x323: {  	v16 =	vadd.f32 v17, v16  }
0x324: {  	v17 =	vld.idx.msk [tilespmem:v13+s25+$0x0], $0xffff  }
0x325: {  	v16 =	vadd.f32 v58, v16  }
0x326: {  	v60 =	vld.idx.msk [tilespmem:v14+s25+$0x0], $0xffff  }
0x327: {  	v16 =	vadd.f32 v59, v16  }
0x328: {  	v61 =	vld.idx.msk [tilespmem:v15+s25+$0x0], $0xffff  }
0x329: {  	v16 =	vadd.f32 v17, v16;
	_ =	sdelay $0x1  }
0x32a: {  	v16 =	vadd.f32 v60, v16;
	_ =	sdelay $0x1  }
0x32b: {  	v16 =	vadd.f32 v61, v16;
	_ =	sdelay $0x1  }
0x32c: {  	v16 =	vmax.f32 v16, $1.000000000e-30  }
0x32d: {  	v17 =	vshra.s32 v16, $0x1;
	v62 =	vmul.f32 $5.000000000e-01, v16  }
0x32e: {  	v17 =	vsub.s32 $0x5F3759DF, v17  }
0x32f: {  	v63 =	vmul.f32 v17, v62;
	_ =	sdelay $0x1  }
0x330: {  	v19 =	vmul.f32 v17, v63;
	_ =	sdelay $0x1  }
0x331: {  	v19 =	vsub.f32 $1.500000000e+00, v19;
	_ =	sdelay $0x1  }
0x332: {  	v17 =	vmul.f32 v17, v19;
	_ =	sdelay $0x1  }
0x333: {  	v19 =	vmul.f32 v17, v62;
	_ =	sdelay $0x1  }
0x334: {  	v19 =	vmul.f32 v19, v17;
	_ =	sdelay $0x1  }
0x335: {  	v19 =	vsub.f32 $1.500000000e+00, v19;
	_ =	sdelay $0x1  }
0x336: {  	v17 =	vmul.f32 v19, v17;
	_ =	sdelay $0x1  }
0x337: {  	v18 =	vmul.f32 v17, v62;
	_ =	sdelay $0x1  }
0x338: {  	v18 =	vmul.f32 v18, v17;
	_ =	sdelay $0x1  }
0x339: {  	v18 =	vsub.f32 $1.500000000e+00, v18  }
0x33a: {  	p0 =	sne.s32 s20, $0x1E000  }
.Ltmp1:
0x33b: {  	v17 =	vmul.f32 v18, v17;
	(pc) =	sbr.rel @p0 .LBB2_4-.Ltmp1, $3  }
0x33c: {  	_ = 	snop  }
0x33d: {  	v16 =	vmul.f32 v17, v16;
	_ =	sdelay $0x1  }
0x33e: {  	s20 =	sadd.s32 $0x2000, s20;
	s26 =	sadd.s32 $0x400, s26;
	[tilespmem:s28+$0x0] =	vst v16;
	s28 =	sadd.s32 $0x10, s28  }
0x33f: {  	s18 =	sadd.s32 $0x1, s18  }
0x340: {  	p0 =	sne.s32 s18, s9  }
.Ltmp2:
0x341: {  	_ = 	snop;
	(pc) =	sbr.rel @p0 .LBB2_1-.Ltmp2, $4  }
0x342: {  	[hbm4b:s8+s1] =	stream.linear.scatter [tilespmem:s2], [sflag:$0x4], $0x200, $0x38;
	[tilespmem:$0x14980] =	vst v63  }
0x343: {  	_ =	swait.ge [sflag:s10], $0x200  }
0x344: {  	[sflag:s10] =	ssyncset.done $0x0  }
0x345: {  	[sflag:s10] =	ssyncadd.s32 $0xFFFFFE00  }
0x346: {  	_ =	sfence.sel $0x180000  }
0x347: {  	[bflag:$0x0] =	sbarrier.arrive $0xFFFF  }
0x348: {  	_ =	strace $0x90000047  }
0x349: {  	s0 =	stileid.u32;
	[bflag:$0x2] =	sbarrier.arrive $0xFFFF  }
0x34a: {  	p0 =	sne.s32 s0, $0x0;
	s0 =	rddreg [dreg:$0x5]  }
0x34b: {  	s0 =	sadd.s32 @!p0 $0x100000, s0  }
0x34c: {  	[sflag:s0] =	ssyncadd.tile.s32 @!p0 $0x1;
	_ =	shalt  }
.Lfunc_end2:
_tile_overlayer_lowered:
.L_overlay_start_2:
0x34d: {  	(tag) =	ssettag $0x2  }
0x34e: {  	s0 =	rddreg [dreg:$0x0];
	s2 =	stileid.u32  }
0x34f: {  	s1 =	rddreg [dreg:$0x1];
	p0 =	sne.s32 s2, $0x0  }
0x350: {  	s3 =	rddreg [dreg:$0x2];
	[bflag:$0x3] =	sbarrier.arrive $0xFFFF;
	s2 =	simm.s32 @!p0 $0x1C04  }
0x351: {  	[timem:s3], [sflag:s2] =	dma.local @!p0 [hbm:s0], s1  }
0x352: {  	s0 =	simm.s32 @!p0 $0x4  }
0x353: {  	_ =	swait.ge @!p0 [sflag:s0], s1  }
0x354: {  	s1 =	ssub.s32 @!p0 $0x0, s1;
	[sflag:s0] =	ssyncset.done @!p0 $0x0  }
0x355: {  	[sflag:s0] =	ssyncadd.s32 @!p0 s1  }
0x356: {  	[bflag:$0x3] =	sbarrier.arrive $0xFFFF  }
0x357: {  	_ =	shalt  }

</sc_bundles>
